<compile_context>
chip_gen: v7x
topology: tpu7x:2x2x1
jax: 0.10.2.dev20260603
libtpu: 0.0.44.dev20260713+nightly
codegen_flags: <defaults>
</compile_context>

<pallas_src>
import functools

import jax
import jax.numpy as jnp
from jax import lax
from jax.experimental import pallas as pl
from jax.experimental.pallas import tpu as pltpu
from jax.experimental.pallas import tpu_sc as plsc

_N = 10000
_E = 160000
_F = 256
_H = 50
_FC1 = 512
_NCLS = 10

_NP = 10240
_HP = 64
_NC = 2
_NS = 16
_NW = _NC * _NS
_EP = 163840
_ET = _EP // _NW
_CH = 128
_NCHUNK = _ET // _CH
_RT = _NP // _NS
_CLSP = 16
_ZR = 64

_sc_mesh = plsc.VectorSubcoreMesh(core_axis_name="c", subcore_axis_name="s")
_sc_params = pltpu.CompilerParams(use_tc_tiling_on_sc=False)



def _deg_body(dst_hbm, out0, out1, didx, ones_v, zed, accd, dsem):
    c = lax.axis_index("c")
    s = lax.axis_index("s")
    wid = c * _NS + s

    zero16 = jnp.zeros((16,), jnp.float32)
    one16 = jnp.ones((16,), jnp.float32)

    def _zero(i, carry):
        zed[pl.ds(i * 16, 16)] = zero16
        return carry

    lax.fori_loop(0, _RT // 16, _zero, 0)

    def _ones(i, carry):
        ones_v[pl.ds(i * 16, 16)] = one16
        return carry

    lax.fori_loop(0, _CH // 16, _ones, 0)
    pltpu.sync_copy(zed, accd.at[pl.ds(s * _RT, _RT)])
    plsc.subcore_barrier()

    pltpu.sync_copy(dst_hbm.at[pl.ds(wid * _NCHUNK, _NCHUNK)], didx)

    def _chunk(j, carry):
        pltpu.async_copy(ones_v, accd.at[didx.at[j]], dsem, add=True)
        return carry

    lax.fori_loop(0, _NCHUNK, _chunk, 0)

    def _drain(j, carry):
        pltpu.make_async_copy(ones_v, accd.at[didx.at[j]], dsem).wait()
        return carry

    lax.fori_loop(0, _NCHUNK, _drain, 0)
    plsc.subcore_barrier()

    @pl.when(c == 0)
    def _():
        pltpu.sync_copy(accd.at[pl.ds(s * _RT, _RT)], out0.at[pl.ds(s * _RT, _RT)])

    @pl.when(c == 1)
    def _():
        pltpu.sync_copy(accd.at[pl.ds(s * _RT, _RT)], out1.at[pl.ds(s * _RT, _RT)])


_deg_call = functools.partial(
    pl.kernel,
    out_type=(
        jax.ShapeDtypeStruct((_NP,), jnp.float32),
        jax.ShapeDtypeStruct((_NP,), jnp.float32),
    ),
    mesh=_sc_mesh,
    scratch_types=[
        pltpu.VMEM((_NCHUNK, _CH), jnp.int32),
        pltpu.VMEM((_CH,), jnp.float32),
        pltpu.VMEM((_RT,), jnp.float32),
        pltpu.VMEM_SHARED((_NP,), jnp.float32),
        pltpu.SemaphoreType.DMA,
    ],
    compiler_params=_sc_params,
)(_deg_body)


def _edge_body(g_hbm, src_hbm, dst_hbm, out0, out1,
               sidx, didx, rows0, rows1, rows2, rows3, zbuf, g_sh, acc,
               sem0, sem1, sem2, sem3, ssem0, ssem1, ssem2, ssem3):
    c = lax.axis_index("c")
    s = lax.axis_index("s")
    wid = c * _NS + s
    rows = (rows0, rows1, rows2, rows3)
    sems = (sem0, sem1, sem2, sem3)
    ssems = (ssem0, ssem1, ssem2, ssem3)

    pltpu.sync_copy(src_hbm.at[pl.ds(wid * _NCHUNK, _NCHUNK)], sidx)
    pltpu.sync_copy(dst_hbm.at[pl.ds(wid * _NCHUNK, _NCHUNK)], didx)
    pltpu.sync_copy(g_hbm.at[pl.ds(s * _RT, _RT)], g_sh.at[pl.ds(s * _RT, _RT)])

    zero16 = jnp.zeros((16,), jnp.float32)

    def _zero(i, carry):
        for j in range(_HP // 16):
            zbuf[i, pl.ds(j * 16, 16)] = zero16
        return carry

    lax.fori_loop(0, _ZR, _zero, 0)
    for k in range(_RT // _ZR):
        pltpu.sync_copy(zbuf, acc.at[pl.ds(s * _RT + k * _ZR, _ZR)])
    plsc.subcore_barrier()

    for k in range(3):
        pltpu.async_copy(g_sh.at[sidx.at[k]], rows[k], sems[k])

    def _quad(p, carry):
        for k in range(4):
            m = 4 * p + k
            kn = (k + 3) % 4
            pltpu.make_async_copy(g_sh.at[sidx.at[m]], rows[k],
                                  sems[k]).wait()
            pltpu.async_copy(rows[k], acc.at[didx.at[m]], ssems[k], add=True)

            @pl.when(m + 3 < _NCHUNK)
            def _():
                @pl.when(m >= 1)
                def _():
                    pltpu.make_async_copy(rows[kn], acc.at[didx.at[m - 1]],
                                          ssems[kn]).wait()

                pltpu.async_copy(g_sh.at[sidx.at[m + 3]], rows[kn], sems[kn])
        return carry

    lax.fori_loop(0, _NCHUNK // 4, _quad, 0)
    for k in range(4):
        pltpu.make_async_copy(rows[k], acc.at[didx.at[_NCHUNK - 4 + k]],
                              ssems[k]).wait()
    plsc.subcore_barrier()

    @pl.when(c == 0)
    def _():
        pltpu.sync_copy(acc.at[pl.ds(s * _RT, _RT)], out0.at[pl.ds(s * _RT, _RT)])

    @pl.when(c == 1)
    def _():
        pltpu.sync_copy(acc.at[pl.ds(s * _RT, _RT)], out1.at[pl.ds(s * _RT, _RT)])


_edge_call = functools.partial(
    pl.kernel,
    out_type=(
        jax.ShapeDtypeStruct((_NP, _HP), jnp.float32),
        jax.ShapeDtypeStruct((_NP, _HP), jnp.float32),
    ),
    mesh=_sc_mesh,
    scratch_types=[
        pltpu.VMEM((_NCHUNK, _CH), jnp.int32),
        pltpu.VMEM((_NCHUNK, _CH), jnp.int32),
        pltpu.VMEM((_CH, _HP), jnp.float32),
        pltpu.VMEM((_CH, _HP), jnp.float32),
        pltpu.VMEM((_CH, _HP), jnp.float32),
        pltpu.VMEM((_CH, _HP), jnp.float32),
        pltpu.VMEM((_ZR, _HP), jnp.float32),
        pltpu.VMEM_SHARED((_NP, _HP), jnp.float32),
        pltpu.VMEM_SHARED((_NP, _HP), jnp.float32),
        pltpu.SemaphoreType.DMA,
        pltpu.SemaphoreType.DMA,
        pltpu.SemaphoreType.DMA,
        pltpu.SemaphoreType.DMA,
        pltpu.SemaphoreType.DMA,
        pltpu.SemaphoreType.DMA,
        pltpu.SemaphoreType.DMA,
        pltpu.SemaphoreType.DMA,
    ],
    compiler_params=_sc_params,
)(_edge_body)



_BR2 = 2048
_BRP = _BR2 // 2


def _elu(x):
    return jnp.where(x > 0, x, jnp.exp(jnp.minimum(x, 0.0)) - 1.0)


def _dinv_wide(d, n):
    dinv = lax.rsqrt(jnp.maximum(d + 1.0, 1e-12))
    return jnp.broadcast_to(dinv, (n, _HP))


def _mm1s_body(x_ref, w_ref, d_ref, g_ref):
    h = jnp.dot(x_ref[...], w_ref[...], preferred_element_type=jnp.float32)
    g_ref[...] = h * _dinv_wide(d_ref[...], _BR2)


def _mm1s(xp, w1p, degc):
    return pl.pallas_call(
        _mm1s_body,
        grid=(_NP // _BR2,),
        in_specs=[
            pl.BlockSpec((_BR2, _F), lambda i: (i, 0)),
            pl.BlockSpec((_F, _HP), lambda i: (0, 0)),
            pl.BlockSpec((_BR2, 1), lambda i: (i, 0)),
        ],
        out_specs=pl.BlockSpec((_BR2, _HP), lambda i: (i, 0)),
        out_shape=jax.ShapeDtypeStruct((_NP, _HP), jnp.float32),
    )(xp, w1p, degc)


def _layer_body(s0_ref, s1_ref, g_ref, d_ref, b_ref, w_ref, gout_ref):
    wide = _dinv_wide(d_ref[...], _BR2)
    su = s0_ref[...] + s1_ref[...] + g_ref[...]
    act = _elu(su * wide + b_ref[...])
    h2 = jnp.dot(act, w_ref[...], preferred_element_type=jnp.float32)
    gout_ref[...] = h2 * wide


def _layer(s0, s1, g, degc, bp, wp):
    return pl.pallas_call(
        _layer_body,
        grid=(_NP // _BR2,),
        in_specs=[
            pl.BlockSpec((_BR2, _HP), lambda i: (i, 0)),
            pl.BlockSpec((_BR2, _HP), lambda i: (i, 0)),
            pl.BlockSpec((_BR2, _HP), lambda i: (i, 0)),
            pl.BlockSpec((_BR2, 1), lambda i: (i, 0)),
            pl.BlockSpec((1, _HP), lambda i: (0, 0)),
            pl.BlockSpec((_HP, _HP), lambda i: (0, 0)),
        ],
        out_specs=pl.BlockSpec((_BR2, _HP), lambda i: (i, 0)),
        out_shape=jax.ShapeDtypeStruct((_NP, _HP), jnp.float32),
    )(s0, s1, g, degc, bp, wp)


def _head_body(s0_ref, s1_ref, g_ref, d_ref, b_ref,
               wf1_ref, bf1_ref, wf2_ref, bf2_ref, out_ref):
    wide = _dinv_wide(d_ref[...], _NP)
    su = s0_ref[...] + s1_ref[...] + g_ref[...]
    act = _elu(su * wide + b_ref[...])
    rows = lax.broadcasted_iota(jnp.int32, (_NP, 1), 0)
    act = jnp.where(rows < _N, act, 0.0)
    pooled = jnp.sum(act, axis=0, keepdims=True)
    z = jnp.dot(pooled, wf1_ref[...], preferred_element_type=jnp.float32)
    z = jnp.maximum(z + bf1_ref[...], 0.0)
    logits = jnp.dot(z, wf2_ref[...],
                     preferred_element_type=jnp.float32) + bf2_ref[...]
    m = jnp.max(logits, axis=-1, keepdims=True)
    e = jnp.exp(logits - m)
    out_ref[...] = e / jnp.sum(e, axis=-1, keepdims=True)


def _head(s0, s1, g, degc, bp, wf1p, bf1r, wf2p, bf2p):
    return pl.pallas_call(
        _head_body,
        in_specs=[
            pl.BlockSpec((_NP, _HP), lambda: (0, 0)),
            pl.BlockSpec((_NP, _HP), lambda: (0, 0)),
            pl.BlockSpec((_NP, _HP), lambda: (0, 0)),
            pl.BlockSpec((_NP, 1), lambda: (0, 0)),
            pl.BlockSpec((1, _HP), lambda: (0, 0)),
            pl.BlockSpec((_HP, _FC1), lambda: (0, 0)),
            pl.BlockSpec((1, _FC1), lambda: (0, 0)),
            pl.BlockSpec((_FC1, _CLSP), lambda: (0, 0)),
            pl.BlockSpec((1, _CLSP), lambda: (0, 0)),
        ],
        out_specs=pl.BlockSpec((1, _CLSP), lambda: (0, 0)),
        out_shape=jax.ShapeDtypeStruct((1, _CLSP), jnp.float32),
    )(s0, s1, g, degc, bp, wf1p, bf1r, wf2p, bf2p)



def kernel(x, edge_index, W1, b1, W2, b2, Wf1, bf1, Wf2, bf2):
    src = edge_index[0]
    dst = edge_index[1]
    pad_idx = jnp.full((_EP - _E,), _N, jnp.int32)
    srcp = jnp.concatenate([src, pad_idx]).reshape(_EP // _CH, _CH)
    dstp = jnp.concatenate([dst, pad_idx]).reshape(_EP // _CH, _CH)

    xp = jnp.pad(x, ((0, _NP - _N), (0, 0)))
    w1p = jnp.pad(W1, ((0, 0), (0, _HP - _H)))
    b1p = jnp.pad(b1, (0, _HP - _H)).reshape(1, _HP)
    w2p = jnp.pad(W2, ((0, _HP - _H), (0, _HP - _H)))
    b2p = jnp.pad(b2, (0, _HP - _H)).reshape(1, _HP)
    wf1p = jnp.pad(Wf1, ((0, _HP - _H), (0, 0)))
    bf1r = bf1.reshape(1, _FC1)
    wf2p = jnp.pad(Wf2, ((0, 0), (0, _CLSP - _NCLS)))
    bf2p = jnp.concatenate(
        [bf2, jnp.full((_CLSP - _NCLS,), -1e30, jnp.float32)]).reshape(1, _CLSP)

    deg0, deg1 = _deg_call(dstp)
    degc = (deg0 + deg1).reshape(_NP, 1)
    g1 = _mm1s(xp, w1p, degc)
    s10, s11 = _edge_call(g1, srcp, dstp)
    g2 = _layer(s10, s11, g1, degc, b1p, w2p)
    s20, s21 = _edge_call(g2, srcp, dstp)
    outp = _head(s20, s21, g2, degc, b2p, wf1p, bf1r, wf2p, bf2p)
    return outp[:, :_NCLS]

# --- scband reference (transcript-rebuilt; emitter-appended) ---
"""Pipeline reference for scband-graph-model-2362232013009 (READ-ONLY COPY).

The authoritative reference and input builder live on the scoring server;
editing this copy changes nothing except your own understanding.
"""

import jax, jax.numpy as jnp
import numpy as np

N = 10000
E = 160000
F = 256
H = 50
FC1 = 512
NCLS = 10


def setup_inputs(seed: int = 0) -> dict:
    key = jax.random.key(seed)
    ks = jax.random.split(key, 12)
    x = jax.random.normal(ks[0], (N, F), dtype=jnp.float32)
    edge_index = jax.random.randint(ks[1], (2, E), 0, N, dtype=jnp.int32)
    # GCNConv1: F -> 50
    W1 = jax.random.normal(ks[2], (F, H), dtype=jnp.float32) * (1.0 / np.sqrt(F))
    b1 = jnp.zeros((H,), dtype=jnp.float32)
    # GCNConv2: 50 -> 50
    W2 = jax.random.normal(ks[3], (H, H), dtype=jnp.float32) * (1.0 / np.sqrt(H))
    b2 = jnp.zeros((H,), dtype=jnp.float32)
    # fc1: 50 -> 512
    Wf1 = jax.random.normal(ks[4], (H, FC1), dtype=jnp.float32) * (1.0 / np.sqrt(H))
    bf1 = jnp.zeros((FC1,), dtype=jnp.float32)
    # fc2: 512 -> 10
    Wf2 = jax.random.normal(ks[5], (FC1, NCLS), dtype=jnp.float32) * (1.0 / np.sqrt(FC1))
    bf2 = jnp.zeros((NCLS,), dtype=jnp.float32)
    return {
        "x": x,
        "edge_index": edge_index,
        "W1": W1,
        "b1": b1,
        "W2": W2,
        "b2": b2,
        "Wf1": Wf1,
        "bf1": bf1,
        "Wf2": Wf2,
        "bf2": bf2,
    }


def _gcn_conv(x, src_all, dst_all, norm, W, b):
    # GCNConv with symmetric normalization (GCNFilter: D^-1/2 (A+I) D^-1/2)
    h = x @ W
    msg = h[src_all] * norm[:, None]
    out = jax.ops.segment_sum(msg, dst_all, num_segments=N)
    return jax.nn.elu(out + b)


def reference(x, edge_index, W1, b1, W2, b2, Wf1, bf1, Wf2, bf2):
    src = edge_index[0]
    dst = edge_index[1]
    loop = jnp.arange(N, dtype=src.dtype)
    src_all = jnp.concatenate([src, loop])
    dst_all = jnp.concatenate([dst, loop])
    # degree of A + I (in-degree via dst)
    deg = jnp.zeros((N,), dtype=jnp.float32).at[dst_all].add(1.0)
    dinv = jax.lax.rsqrt(jnp.maximum(deg, 1e-12))
    norm = dinv[src_all] * dinv[dst_all]
    h = _gcn_conv(x, src_all, dst_all, norm, W1, b1)
    h = _gcn_conv(h, src_all, dst_all, norm, W2, b2)
    # GlobalSumPool over nodes -> [1, 50]
    pooled = jnp.sum(h, axis=0, keepdims=True)
    z = jax.nn.relu(pooled @ Wf1 + bf1)
    out = jax.nn.softmax(z @ Wf2 + bf2, axis=-1)
    return out

if __name__ == "__main__":
    import jax
    _d = setup_inputs()
    print(jax.jit(kernel)(*tuple(_d.values())))

</pallas_src>

<mosaic_0001>
#map = affine_map<(d0, d1) -> (0, 0)>
#map1 = affine_map<(d0, d1) -> (0)>
module attributes {stable_mosaic.version = 14 : i64} {
  func.func @_deg_body(%arg0: i32, %arg1: i32, %arg2: memref<1280x128xi32, #tpu.memory_space<hbm>>, %arg3: memref<10240xf32, #tpu.memory_space<hbm>>, %arg4: memref<10240xf32, #tpu.memory_space<hbm>>, %arg5: memref<40x128xi32, #tpu.memory_space<vmem>>, %arg6: memref<128xf32, #tpu.memory_space<vmem>>, %arg7: memref<640xf32, #tpu.memory_space<vmem>>, %arg8: memref<10240xf32, #tpu.memory_space<vmem_shared>>, %arg9: memref<!tpu.dma_semaphore, #tpu.memory_space<semaphore_mem>>) attributes {dimension_semantics = [#tpu.dimension_semantics<core_parallel>, #tpu.dimension_semantics<subcore_parallel>], iteration_bounds = array<i64: 2, 16>, scalar_prefetch = 0 : i64, scratch_operands = 5 : i64, tpu.core_type = #tpu.core_type<sc_vector_subcore>, window_params = [{transform_indices = #map}, {transform_indices = #map1}, {transform_indices = #map1}]} {
    %mul3A = arith.constant 16 : i32
    %mul3A_0 = arith.muli %arg0, %mul3A : i32
    %add3A = arith.addi %mul3A_0, %arg1 : i32
    %broadcast_in_dim3A = arith.constant 0.000000e+00 : f32
    %broadcast_in_dim3A_1 = vector.broadcast %broadcast_in_dim3A : f32 to vector<16xf32>
    %broadcast_in_dim3A_2 = arith.constant 1.000000e+00 : f32
    %broadcast_in_dim3A_3 = vector.broadcast %broadcast_in_dim3A_2 : f32 to vector<16xf32>
    %scan3A = arith.constant 0 : i32
    %scan3A_4 = arith.constant 0 : i32
    %scan3A_5 = arith.constant 40 : i32
    %scan3A_6 = arith.addi %scan3A_4, %scan3A_5 : i32
    %scan3A_7 = arith.constant 1 : i32
    scf.for %scan3A_39 = %scan3A_4 to %scan3A_6 step %scan3A_7  : i32 {
      %mul3A_40 = arith.constant 16 : i32
      %mul3A_41 = arith.muli %scan3A_39, %mul3A_40 : i32
      %swap3A = arith.index_cast %mul3A_41 : i32 to index
      %swap3A_42 = tpu.vector_load %arg7[%swap3A] {strides = array<i32>} : memref<640xf32, #tpu.memory_space<vmem>>, vector<16xf32>,
      %swap3A_43 = vector.shape_cast %swap3A_42 : vector<16xf32> to vector<16xf32>
      %swap3A_44 = vector.shape_cast %broadcast_in_dim3A_1 : vector<16xf32> to vector<16xf32>
      tpu.vector_store %arg7[%swap3A], %swap3A_44 {strides = array<i32>} : memref<640xf32, #tpu.memory_space<vmem>>, vector<16xf32>,
    }
    %scan3A_8 = arith.constant 40 : i32
    %scan3A_9 = arith.constant 0 : i32
    %scan3A_10 = arith.constant 0 : i32
    %scan3A_11 = arith.constant 8 : i32
    %scan3A_12 = arith.addi %scan3A_10, %scan3A_11 : i32
    %scan3A_13 = arith.constant 1 : i32
    scf.for %scan3A_39 = %scan3A_10 to %scan3A_12 step %scan3A_13  : i32 {
      %mul3A_40 = arith.constant 16 : i32
      %mul3A_41 = arith.muli %scan3A_39, %mul3A_40 : i32
      %swap3A = arith.index_cast %mul3A_41 : i32 to index
      %swap3A_42 = tpu.vector_load %arg6[%swap3A] {strides = array<i32>} : memref<128xf32, #tpu.memory_space<vmem>>, vector<16xf32>,
      %swap3A_43 = vector.shape_cast %swap3A_42 : vector<16xf32> to vector<16xf32>
      %swap3A_44 = vector.shape_cast %broadcast_in_dim3A_3 : vector<16xf32> to vector<16xf32>
      tpu.vector_store %arg6[%swap3A], %swap3A_44 {strides = array<i32>} : memref<128xf32, #tpu.memory_space<vmem>>, vector<16xf32>,
    }
    %scan3A_14 = arith.constant 8 : i32
    %mul3A_15 = arith.constant 640 : i32
    %mul3A_16 = arith.muli %arg1, %mul3A_15 : i32
    "tpu.region"() ({
      %run_scoped3A = tpu.sem_alloc : memref<!tpu.dma_semaphore, #tpu.memory_space<semaphore_mem>>
      %dma_start3A = tpu.memref_slice %arg8[%mul3A_16] : memref<10240xf32, #tpu.memory_space<vmem_shared>> -> memref<640xf32, #tpu.memory_space<vmem_shared>>
      %dma_start3A_39 = tpu.memref_slice %arg8[%mul3A_16] : memref<10240xf32, #tpu.memory_space<vmem_shared>> -> memref<640xf32, #tpu.memory_space<vmem_shared>>
      tpu.enqueue_dma source(%arg7 : memref<640xf32, #tpu.memory_space<vmem>>) target(%dma_start3A_39 : memref<640xf32, #tpu.memory_space<vmem_shared>>) target_semaphore(%run_scoped3A : memref<!tpu.dma_semaphore, #tpu.memory_space<semaphore_mem>>)
      %dma_wait3A = tpu.memref_slice %arg8[%mul3A_16] : memref<10240xf32, #tpu.memory_space<vmem_shared>> -> memref<640xf32, #tpu.memory_space<vmem_shared>>
      %dma_wait3A_40 = tpu.memref_slice %arg8[%mul3A_16] : memref<10240xf32, #tpu.memory_space<vmem_shared>> -> memref<640xf32, #tpu.memory_space<vmem_shared>>
      tpu.wait_dma2 semaphore(%run_scoped3A : memref<!tpu.dma_semaphore, #tpu.memory_space<semaphore_mem>>) src(%arg7 : memref<640xf32, #tpu.memory_space<vmem>>) dst(%dma_wait3A_40 : memref<640xf32, #tpu.memory_space<vmem_shared>>)
      tpu.yield
    }) : () -> ()
    %barrier3A = arith.constant 0 : index
    tpu.barrier barrier_id(%barrier3A)
    %mul3A_17 = arith.constant 40 : i32
    %mul3A_18 = arith.muli %add3A, %mul3A_17 : i32
    "tpu.region"() ({
      %run_scoped3A = tpu.sem_alloc : memref<!tpu.dma_semaphore, #tpu.memory_space<semaphore_mem>>
      %dma_start3A = arith.constant 0 : i32
      %dma_start3A_39 = tpu.memref_slice %arg2[%mul3A_18, %dma_start3A] : memref<1280x128xi32, #tpu.memory_space<hbm>> -> memref<40x128xi32, #tpu.memory_space<hbm>>
      %dma_start3A_40 = arith.constant 0 : i32
      %dma_start3A_41 = tpu.memref_slice %arg2[%mul3A_18, %dma_start3A_40] : memref<1280x128xi32, #tpu.memory_space<hbm>> -> memref<40x128xi32, #tpu.memory_space<hbm>>
      tpu.enqueue_dma source(%dma_start3A_41 : memref<40x128xi32, #tpu.memory_space<hbm>>) target(%arg5 : memref<40x128xi32, #tpu.memory_space<vmem>>) target_semaphore(%run_scoped3A : memref<!tpu.dma_semaphore, #tpu.memory_space<semaphore_mem>>)
      %dma_wait3A = arith.constant 0 : i32
      %dma_wait3A_42 = tpu.memref_slice %arg2[%mul3A_18, %dma_wait3A] : memref<1280x128xi32, #tpu.memory_space<hbm>> -> memref<40x128xi32, #tpu.memory_space<hbm>>
      %dma_wait3A_43 = arith.constant 0 : i32
      %dma_wait3A_44 = tpu.memref_slice %arg2[%mul3A_18, %dma_wait3A_43] : memref<1280x128xi32, #tpu.memory_space<hbm>> -> memref<40x128xi32, #tpu.memory_space<hbm>>
      tpu.wait_dma2 semaphore(%run_scoped3A : memref<!tpu.dma_semaphore, #tpu.memory_space<semaphore_mem>>) src(%dma_wait3A_44 : memref<40x128xi32, #tpu.memory_space<hbm>>) dst(%arg5 : memref<40x128xi32, #tpu.memory_space<vmem>>)
      tpu.yield
    }) : () -> ()
    %scan3A_19 = arith.constant 0 : i32
    %scan3A_20 = arith.constant 0 : i32
    %scan3A_21 = arith.constant 40 : i32
    %scan3A_22 = arith.addi %scan3A_20, %scan3A_21 : i32
    %scan3A_23 = arith.constant 1 : i32
    scf.for %scan3A_39 = %scan3A_20 to %scan3A_22 step %scan3A_23  : i32 {
      %dma_start3A = arith.constant 0 : i32
      %dma_start3A_40 = tpu.memref_slice %arg5[%scan3A_39, %dma_start3A] : memref<40x128xi32, #tpu.memory_space<vmem>> -> memref<1x128xi32, #tpu.memory_space<vmem>>
      %dma_start3A_41 = tpu.memref_squeeze %dma_start3A_40 : memref<1x128xi32, #tpu.memory_space<vmem>> -> memref<128xi32, #tpu.memory_space<vmem>>
      %dma_start3A_42 = arith.constant 0 : i32
      %dma_start3A_43 = tpu.memref_slice %arg8[%dma_start3A_42] : memref<10240xf32, #tpu.memory_space<vmem_shared>> -> memref<10240xf32, #tpu.memory_space<vmem_shared>>
      tpu.enqueue_indirect_dma source(%arg6 : memref<128xf32, #tpu.memory_space<vmem>>) target(%dma_start3A_43 : memref<10240xf32, #tpu.memory_space<vmem_shared>>) offsets(%dma_start3A_41 : memref<128xi32, #tpu.memory_space<vmem>>) semaphore(%arg9 : memref<!tpu.dma_semaphore, #tpu.memory_space<semaphore_mem>>) {add = true}
    }
    %scan3A_24 = arith.constant 40 : i32
    %scan3A_25 = arith.constant 0 : i32
    %scan3A_26 = arith.constant 0 : i32
    %scan3A_27 = arith.constant 40 : i32
    %scan3A_28 = arith.addi %scan3A_26, %scan3A_27 : i32
    %scan3A_29 = arith.constant 1 : i32
    scf.for %scan3A_39 = %scan3A_26 to %scan3A_28 step %scan3A_29  : i32 {
      %dma_wait3A = arith.constant 0 : i32
      %dma_wait3A_40 = tpu.memref_slice %arg5[%scan3A_39, %dma_wait3A] : memref<40x128xi32, #tpu.memory_space<vmem>> -> memref<1x128xi32, #tpu.memory_space<vmem>>
      %dma_wait3A_41 = tpu.memref_squeeze %dma_wait3A_40 : memref<1x128xi32, #tpu.memory_space<vmem>> -> memref<128xi32, #tpu.memory_space<vmem>>
      %dma_wait3A_42 = arith.constant 0 : i32
      %dma_wait3A_43 = tpu.memref_slice %arg8[%dma_wait3A_42] : memref<10240xf32, #tpu.memory_space<vmem_shared>> -> memref<10240xf32, #tpu.memory_space<vmem_shared>>
      tpu.wait_indirect_dma semaphore(%arg9 : memref<!tpu.dma_semaphore, #tpu.memory_space<semaphore_mem>>) src(%arg6 : memref<128xf32, #tpu.memory_space<vmem>>) dst(%dma_wait3A_43 : memref<10240xf32, #tpu.memory_space<vmem_shared>>)
    }
    %scan3A_30 = arith.constant 40 : i32
    %barrier3A_31 = arith.constant 0 : index
    tpu.barrier barrier_id(%barrier3A_31)
    %eq3A = arith.constant 0 : i32
    %eq3A_32 = arith.cmpi eq, %arg0, %eq3A : i32
    %convert_element_type3A = arith.extui %eq3A_32 : i1 to i32
    %cond3A = arith.constant 0 : i32
    %cond3A_33 = arith.cmpi ne, %convert_element_type3A, %cond3A : i32
    scf.if %cond3A_33 {
      %mul3A_39 = arith.constant 640 : i32
      %mul3A_40 = arith.muli %arg1, %mul3A_39 : i32
      %mul3A_41 = arith.constant 640 : i32
      %mul3A_42 = arith.muli %arg1, %mul3A_41 : i32
      "tpu.region"() ({
        %run_scoped3A = tpu.sem_alloc : memref<!tpu.dma_semaphore, #tpu.memory_space<semaphore_mem>>
        %dma_start3A = tpu.memref_slice %arg3[%mul3A_42] : memref<10240xf32, #tpu.memory_space<hbm>> -> memref<640xf32, #tpu.memory_space<hbm>>
        %dma_start3A_43 = tpu.memref_slice %arg8[%mul3A_40] : memref<10240xf32, #tpu.memory_space<vmem_shared>> -> memref<640xf32, #tpu.memory_space<vmem_shared>>
        tpu.enqueue_dma source(%dma_start3A_43 : memref<640xf32, #tpu.memory_space<vmem_shared>>) target(%dma_start3A : memref<640xf32, #tpu.memory_space<hbm>>) target_semaphore(%run_scoped3A : memref<!tpu.dma_semaphore, #tpu.memory_space<semaphore_mem>>)
        %dma_wait3A = tpu.memref_slice %arg3[%mul3A_42] : memref<10240xf32, #tpu.memory_space<hbm>> -> memref<640xf32, #tpu.memory_space<hbm>>
        %dma_wait3A_44 = tpu.memref_slice %arg8[%mul3A_40] : memref<10240xf32, #tpu.memory_space<vmem_shared>> -> memref<640xf32, #tpu.memory_space<vmem_shared>>
        tpu.wait_dma2 semaphore(%run_scoped3A : memref<!tpu.dma_semaphore, #tpu.memory_space<semaphore_mem>>) src(%dma_wait3A_44 : memref<640xf32, #tpu.memory_space<vmem_shared>>) dst(%dma_wait3A : memref<640xf32, #tpu.memory_space<hbm>>)
        tpu.yield
      }) : () -> ()
    } else {
    }
    %eq3A_34 = arith.constant 1 : i32
    %eq3A_35 = arith.cmpi eq, %arg0, %eq3A_34 : i32
    %convert_element_type3A_36 = arith.extui %eq3A_35 : i1 to i32
    %cond3A_37 = arith.constant 0 : i32
    %cond3A_38 = arith.cmpi ne, %convert_element_type3A_36, %cond3A_37 : i32
    scf.if %cond3A_38 {
      %mul3A_39 = arith.constant 640 : i32
      %mul3A_40 = arith.muli %arg1, %mul3A_39 : i32
      %mul3A_41 = arith.constant 640 : i32
      %mul3A_42 = arith.muli %arg1, %mul3A_41 : i32
      "tpu.region"() ({
        %run_scoped3A = tpu.sem_alloc : memref<!tpu.dma_semaphore, #tpu.memory_space<semaphore_mem>>
        %dma_start3A = tpu.memref_slice %arg4[%mul3A_42] : memref<10240xf32, #tpu.memory_space<hbm>> -> memref<640xf32, #tpu.memory_space<hbm>>
        %dma_start3A_43 = tpu.memref_slice %arg8[%mul3A_40] : memref<10240xf32, #tpu.memory_space<vmem_shared>> -> memref<640xf32, #tpu.memory_space<vmem_shared>>
        tpu.enqueue_dma source(%dma_start3A_43 : memref<640xf32, #tpu.memory_space<vmem_shared>>) target(%dma_start3A : memref<640xf32, #tpu.memory_space<hbm>>) target_semaphore(%run_scoped3A : memref<!tpu.dma_semaphore, #tpu.memory_space<semaphore_mem>>)
        %dma_wait3A = tpu.memref_slice %arg4[%mul3A_42] : memref<10240xf32, #tpu.memory_space<hbm>> -> memref<640xf32, #tpu.memory_space<hbm>>
        %dma_wait3A_44 = tpu.memref_slice %arg8[%mul3A_40] : memref<10240xf32, #tpu.memory_space<vmem_shared>> -> memref<640xf32, #tpu.memory_space<vmem_shared>>
        tpu.wait_dma2 semaphore(%run_scoped3A : memref<!tpu.dma_semaphore, #tpu.memory_space<semaphore_mem>>) src(%dma_wait3A_44 : memref<640xf32, #tpu.memory_space<vmem_shared>>) dst(%dma_wait3A : memref<640xf32, #tpu.memory_space<hbm>>)
        tpu.yield
      }) : () -> ()
    } else {
    }
    return
  }
}

#map = affine_map<(d0, d1) -> (0, 0)>
module attributes {stable_mosaic.version = 14 : i64} {
  func.func @_edge_body(%arg0: i32, %arg1: i32, %arg2: memref<10240x64xf32, #tpu.memory_space<hbm>>, %arg3: memref<1280x128xi32, #tpu.memory_space<hbm>>, %arg4: memref<1280x128xi32, #tpu.memory_space<hbm>>, %arg5: memref<10240x64xf32, #tpu.memory_space<hbm>>, %arg6: memref<10240x64xf32, #tpu.memory_space<hbm>>, %arg7: memref<40x128xi32, #tpu.memory_space<vmem>>, %arg8: memref<40x128xi32, #tpu.memory_space<vmem>>, %arg9: memref<128x64xf32, #tpu.memory_space<vmem>>, %arg10: memref<128x64xf32, #tpu.memory_space<vmem>>, %arg11: memref<128x64xf32, #tpu.memory_space<vmem>>, %arg12: memref<128x64xf32, #tpu.memory_space<vmem>>, %arg13: memref<64x64xf32, #tpu.memory_space<vmem>>, %arg14: memref<10240x64xf32, #tpu.memory_space<vmem_shared>>, %arg15: memref<10240x64xf32, #tpu.memory_space<vmem_shared>>, %arg16: memref<!tpu.dma_semaphore, #tpu.memory_space<semaphore_mem>>, %arg17: memref<!tpu.dma_semaphore, #tpu.memory_space<semaphore_mem>>, %arg18: memref<!tpu.dma_semaphore, #tpu.memory_space<semaphore_mem>>, %arg19: memref<!tpu.dma_semaphore, #tpu.memory_space<semaphore_mem>>, %arg20: memref<!tpu.dma_semaphore, #tpu.memory_space<semaphore_mem>>, %arg21: memref<!tpu.dma_semaphore, #tpu.memory_space<semaphore_mem>>, %arg22: memref<!tpu.dma_semaphore, #tpu.memory_space<semaphore_mem>>, %arg23: memref<!tpu.dma_semaphore, #tpu.memory_space<semaphore_mem>>) attributes {dimension_semantics = [#tpu.dimension_semantics<core_parallel>, #tpu.dimension_semantics<subcore_parallel>], iteration_bounds = array<i64: 2, 16>, scalar_prefetch = 0 : i64, scratch_operands = 17 : i64, tpu.core_type = #tpu.core_type<sc_vector_subcore>, window_params = [{transform_indices = #map}, {transform_indices = #map}, {transform_indices = #map}, {transform_indices = #map}, {transform_indices = #map}]} {
    %mul3A = arith.constant 16 : i32
    %mul3A_0 = arith.muli %arg0, %mul3A : i32
    %add3A = arith.addi %mul3A_0, %arg1 : i32
    %mul3A_1 = arith.constant 40 : i32
    %mul3A_2 = arith.muli %add3A, %mul3A_1 : i32
    "tpu.region"() ({
      %run_scoped3A = tpu.sem_alloc : memref<!tpu.dma_semaphore, #tpu.memory_space<semaphore_mem>>
      %dma_start3A_116 = arith.constant 0 : i32
      %dma_start3A_117 = tpu.memref_slice %arg3[%mul3A_2, %dma_start3A_116] : memref<1280x128xi32, #tpu.memory_space<hbm>> -> memref<40x128xi32, #tpu.memory_space<hbm>>
      %dma_start3A_118 = arith.constant 0 : i32
      %dma_start3A_119 = tpu.memref_slice %arg3[%mul3A_2, %dma_start3A_118] : memref<1280x128xi32, #tpu.memory_space<hbm>> -> memref<40x128xi32, #tpu.memory_space<hbm>>
      tpu.enqueue_dma source(%dma_start3A_119 : memref<40x128xi32, #tpu.memory_space<hbm>>) target(%arg7 : memref<40x128xi32, #tpu.memory_space<vmem>>) target_semaphore(%run_scoped3A : memref<!tpu.dma_semaphore, #tpu.memory_space<semaphore_mem>>)
      %dma_wait3A_120 = arith.constant 0 : i32
      %dma_wait3A_121 = tpu.memref_slice %arg3[%mul3A_2, %dma_wait3A_120] : memref<1280x128xi32, #tpu.memory_space<hbm>> -> memref<40x128xi32, #tpu.memory_space<hbm>>
      %dma_wait3A_122 = arith.constant 0 : i32
      %dma_wait3A_123 = tpu.memref_slice %arg3[%mul3A_2, %dma_wait3A_122] : memref<1280x128xi32, #tpu.memory_space<hbm>> -> memref<40x128xi32, #tpu.memory_space<hbm>>
      tpu.wait_dma2 semaphore(%run_scoped3A : memref<!tpu.dma_semaphore, #tpu.memory_space<semaphore_mem>>) src(%dma_wait3A_123 : memref<40x128xi32, #tpu.memory_space<hbm>>) dst(%arg7 : memref<40x128xi32, #tpu.memory_space<vmem>>)
      tpu.yield
    }) : () -> ()
    %mul3A_3 = arith.constant 40 : i32
    %mul3A_4 = arith.muli %add3A, %mul3A_3 : i32
    "tpu.region"() ({
      %run_scoped3A = tpu.sem_alloc : memref<!tpu.dma_semaphore, #tpu.memory_space<semaphore_mem>>
      %dma_start3A_116 = arith.constant 0 : i32
      %dma_start3A_117 = tpu.memref_slice %arg4[%mul3A_4, %dma_start3A_116] : memref<1280x128xi32, #tpu.memory_space<hbm>> -> memref<40x128xi32, #tpu.memory_space<hbm>>
      %dma_start3A_118 = arith.constant 0 : i32
      %dma_start3A_119 = tpu.memref_slice %arg4[%mul3A_4, %dma_start3A_118] : memref<1280x128xi32, #tpu.memory_space<hbm>> -> memref<40x128xi32, #tpu.memory_space<hbm>>
      tpu.enqueue_dma source(%dma_start3A_119 : memref<40x128xi32, #tpu.memory_space<hbm>>) target(%arg8 : memref<40x128xi32, #tpu.memory_space<vmem>>) target_semaphore(%run_scoped3A : memref<!tpu.dma_semaphore, #tpu.memory_space<semaphore_mem>>)
      %dma_wait3A_120 = arith.constant 0 : i32
      %dma_wait3A_121 = tpu.memref_slice %arg4[%mul3A_4, %dma_wait3A_120] : memref<1280x128xi32, #tpu.memory_space<hbm>> -> memref<40x128xi32, #tpu.memory_space<hbm>>
      %dma_wait3A_122 = arith.constant 0 : i32
      %dma_wait3A_123 = tpu.memref_slice %arg4[%mul3A_4, %dma_wait3A_122] : memref<1280x128xi32, #tpu.memory_space<hbm>> -> memref<40x128xi32, #tpu.memory_space<hbm>>
      tpu.wait_dma2 semaphore(%run_scoped3A : memref<!tpu.dma_semaphore, #tpu.memory_space<semaphore_mem>>) src(%dma_wait3A_123 : memref<40x128xi32, #tpu.memory_space<hbm>>) dst(%arg8 : memref<40x128xi32, #tpu.memory_space<vmem>>)
      tpu.yield
    }) : () -> ()
    %mul3A_5 = arith.constant 640 : i32
    %mul3A_6 = arith.muli %arg1, %mul3A_5 : i32
    %mul3A_7 = arith.constant 640 : i32
    %mul3A_8 = arith.muli %arg1, %mul3A_7 : i32
    "tpu.region"() ({
      %run_scoped3A = tpu.sem_alloc : memref<!tpu.dma_semaphore, #tpu.memory_space<semaphore_mem>>
      %dma_start3A_116 = arith.constant 0 : i32
      %dma_start3A_117 = tpu.memref_slice %arg14[%mul3A_8, %dma_start3A_116] : memref<10240x64xf32, #tpu.memory_space<vmem_shared>> -> memref<640x64xf32, #tpu.memory_space<vmem_shared>>
      %dma_start3A_118 = arith.constant 0 : i32
      %dma_start3A_119 = tpu.memref_slice %arg2[%mul3A_6, %dma_start3A_118] : memref<10240x64xf32, #tpu.memory_space<hbm>> -> memref<640x64xf32, #tpu.memory_space<hbm>>
      tpu.enqueue_dma source(%dma_start3A_119 : memref<640x64xf32, #tpu.memory_space<hbm>>) target(%dma_start3A_117 : memref<640x64xf32, #tpu.memory_space<vmem_shared>>) target_semaphore(%run_scoped3A : memref<!tpu.dma_semaphore, #tpu.memory_space<semaphore_mem>>)
      %dma_wait3A_120 = arith.constant 0 : i32
      %dma_wait3A_121 = tpu.memref_slice %arg14[%mul3A_8, %dma_wait3A_120] : memref<10240x64xf32, #tpu.memory_space<vmem_shared>> -> memref<640x64xf32, #tpu.memory_space<vmem_shared>>
      %dma_wait3A_122 = arith.constant 0 : i32
      %dma_wait3A_123 = tpu.memref_slice %arg2[%mul3A_6, %dma_wait3A_122] : memref<10240x64xf32, #tpu.memory_space<hbm>> -> memref<640x64xf32, #tpu.memory_space<hbm>>
      tpu.wait_dma2 semaphore(%run_scoped3A : memref<!tpu.dma_semaphore, #tpu.memory_space<semaphore_mem>>) src(%dma_wait3A_123 : memref<640x64xf32, #tpu.memory_space<hbm>>) dst(%dma_wait3A_121 : memref<640x64xf32, #tpu.memory_space<vmem_shared>>)
      tpu.yield
    }) : () -> ()
    %broadcast_in_dim3A = arith.constant 0.000000e+00 : f32
    %broadcast_in_dim3A_9 = vector.broadcast %broadcast_in_dim3A : f32 to vector<16xf32>
    %scan3A = arith.constant 0 : i32
    %scan3A_10 = arith.constant 0 : i32
    %scan3A_11 = arith.constant 64 : i32
    %scan3A_12 = arith.addi %scan3A_10, %scan3A_11 : i32
    %scan3A_13 = arith.constant 1 : i32
    scf.for %scan3A_116 = %scan3A_10 to %scan3A_12 step %scan3A_13  : i32 {
      %swap3A = arith.index_cast %scan3A_116 : i32 to index
      %swap3A_117 = arith.constant 0 : index
      %swap3A_118 = tpu.vector_load %arg13[%swap3A, %swap3A_117] {strides = array<i32>} : memref<64x64xf32, #tpu.memory_space<vmem>>, vector<1x16xf32>,
      %swap3A_119 = vector.shape_cast %swap3A_118 : vector<1x16xf32> to vector<16xf32>
      %swap3A_120 = vector.shape_cast %broadcast_in_dim3A_9 : vector<16xf32> to vector<1x16xf32>
      tpu.vector_store %arg13[%swap3A, %swap3A_117], %swap3A_120 {strides = array<i32>} : memref<64x64xf32, #tpu.memory_space<vmem>>, vector<1x16xf32>,
      %swap3A_121 = arith.index_cast %scan3A_116 : i32 to index
      %swap3A_122 = arith.constant 16 : index
      %swap3A_123 = tpu.vector_load %arg13[%swap3A_121, %swap3A_122] {strides = array<i32>} : memref<64x64xf32, #tpu.memory_space<vmem>>, vector<1x16xf32>,
      %swap3A_124 = vector.shape_cast %swap3A_123 : vector<1x16xf32> to vector<16xf32>
      %swap3A_125 = vector.shape_cast %broadcast_in_dim3A_9 : vector<16xf32> to vector<1x16xf32>
      tpu.vector_store %arg13[%swap3A_121, %swap3A_122], %swap3A_125 {strides = array<i32>} : memref<64x64xf32, #tpu.memory_space<vmem>>, vector<1x16xf32>,
      %swap3A_126 = arith.index_cast %scan3A_116 : i32 to index
      %swap3A_127 = arith.constant 32 : index
      %swap3A_128 = tpu.vector_load %arg13[%swap3A_126, %swap3A_127] {strides = array<i32>} : memref<64x64xf32, #tpu.memory_space<vmem>>, vector<1x16xf32>,
      %swap3A_129 = vector.shape_cast %swap3A_128 : vector<1x16xf32> to vector<16xf32>
      %swap3A_130 = vector.shape_cast %broadcast_in_dim3A_9 : vector<16xf32> to vector<1x16xf32>
      tpu.vector_store %arg13[%swap3A_126, %swap3A_127], %swap3A_130 {strides = array<i32>} : memref<64x64xf32, #tpu.memory_space<vmem>>, vector<1x16xf32>,
      %swap3A_131 = arith.index_cast %scan3A_116 : i32 to index
      %swap3A_132 = arith.constant 48 : index
      %swap3A_133 = tpu.vector_load %arg13[%swap3A_131, %swap3A_132] {strides = array<i32>} : memref<64x64xf32, #tpu.memory_space<vmem>>, vector<1x16xf32>,
      %swap3A_134 = vector.shape_cast %swap3A_133 : vector<1x16xf32> to vector<16xf32>
      %swap3A_135 = vector.shape_cast %broadcast_in_dim3A_9 : vector<16xf32> to vector<1x16xf32>
      tpu.vector_store %arg13[%swap3A_131, %swap3A_132], %swap3A_135 {strides = array<i32>} : memref<64x64xf32, #tpu.memory_space<vmem>>, vector<1x16xf32>,
    }
    %scan3A_14 = arith.constant 64 : i32
    %mul3A_15 = arith.constant 640 : i32
    %mul3A_16 = arith.muli %arg1, %mul3A_15 : i32
    %add3A_17 = arith.constant 0 : i32
    %add3A_18 = arith.addi %mul3A_16, %add3A_17 : i32
    "tpu.region"() ({
      %run_scoped3A = tpu.sem_alloc : memref<!tpu.dma_semaphore, #tpu.memory_space<semaphore_mem>>
      %dma_start3A_116 = arith.constant 0 : i32
      %dma_start3A_117 = tpu.memref_slice %arg15[%add3A_18, %dma_start3A_116] : memref<10240x64xf32, #tpu.memory_space<vmem_shared>> -> memref<64x64xf32, #tpu.memory_space<vmem_shared>>
      %dma_start3A_118 = arith.constant 0 : i32
      %dma_start3A_119 = tpu.memref_slice %arg15[%add3A_18, %dma_start3A_118] : memref<10240x64xf32, #tpu.memory_space<vmem_shared>> -> memref<64x64xf32, #tpu.memory_space<vmem_shared>>
      tpu.enqueue_dma source(%arg13 : memref<64x64xf32, #tpu.memory_space<vmem>>) target(%dma_start3A_119 : memref<64x64xf32, #tpu.memory_space<vmem_shared>>) target_semaphore(%run_scoped3A : memref<!tpu.dma_semaphore, #tpu.memory_space<semaphore_mem>>)
      %dma_wait3A_120 = arith.constant 0 : i32
      %dma_wait3A_121 = tpu.memref_slice %arg15[%add3A_18, %dma_wait3A_120] : memref<10240x64xf32, #tpu.memory_space<vmem_shared>> -> memref<64x64xf32, #tpu.memory_space<vmem_shared>>
      %dma_wait3A_122 = arith.constant 0 : i32
      %dma_wait3A_123 = tpu.memref_slice %arg15[%add3A_18, %dma_wait3A_122] : memref<10240x64xf32, #tpu.memory_space<vmem_shared>> -> memref<64x64xf32, #tpu.memory_space<vmem_shared>>
      tpu.wait_dma2 semaphore(%run_scoped3A : memref<!tpu.dma_semaphore, #tpu.memory_space<semaphore_mem>>) src(%arg13 : memref<64x64xf32, #tpu.memory_space<vmem>>) dst(%dma_wait3A_123 : memref<64x64xf32, #tpu.memory_space<vmem_shared>>)
      tpu.yield
    }) : () -> ()
    %mul3A_19 = arith.constant 640 : i32
    %mul3A_20 = arith.muli %arg1, %mul3A_19 : i32
    %add3A_21 = arith.constant 64 : i32
    %add3A_22 = arith.addi %mul3A_20, %add3A_21 : i32
    "tpu.region"() ({
      %run_scoped3A = tpu.sem_alloc : memref<!tpu.dma_semaphore, #tpu.memory_space<semaphore_mem>>
      %dma_start3A_116 = arith.constant 0 : i32
      %dma_start3A_117 = tpu.memref_slice %arg15[%add3A_22, %dma_start3A_116] : memref<10240x64xf32, #tpu.memory_space<vmem_shared>> -> memref<64x64xf32, #tpu.memory_space<vmem_shared>>
      %dma_start3A_118 = arith.constant 0 : i32
      %dma_start3A_119 = tpu.memref_slice %arg15[%add3A_22, %dma_start3A_118] : memref<10240x64xf32, #tpu.memory_space<vmem_shared>> -> memref<64x64xf32, #tpu.memory_space<vmem_shared>>
      tpu.enqueue_dma source(%arg13 : memref<64x64xf32, #tpu.memory_space<vmem>>) target(%dma_start3A_119 : memref<64x64xf32, #tpu.memory_space<vmem_shared>>) target_semaphore(%run_scoped3A : memref<!tpu.dma_semaphore, #tpu.memory_space<semaphore_mem>>)
      %dma_wait3A_120 = arith.constant 0 : i32
      %dma_wait3A_121 = tpu.memref_slice %arg15[%add3A_22, %dma_wait3A_120] : memref<10240x64xf32, #tpu.memory_space<vmem_shared>> -> memref<64x64xf32, #tpu.memory_space<vmem_shared>>
      %dma_wait3A_122 = arith.constant 0 : i32
      %dma_wait3A_123 = tpu.memref_slice %arg15[%add3A_22, %dma_wait3A_122] : memref<10240x64xf32, #tpu.memory_space<vmem_shared>> -> memref<64x64xf32, #tpu.memory_space<vmem_shared>>
      tpu.wait_dma2 semaphore(%run_scoped3A : memref<!tpu.dma_semaphore, #tpu.memory_space<semaphore_mem>>) src(%arg13 : memref<64x64xf32, #tpu.memory_space<vmem>>) dst(%dma_wait3A_123 : memref<64x64xf32, #tpu.memory_space<vmem_shared>>)
      tpu.yield
    }) : () -> ()
    %mul3A_23 = arith.constant 640 : i32
    %mul3A_24 = arith.muli %arg1, %mul3A_23 : i32
    %add3A_25 = arith.constant 128 : i32
    %add3A_26 = arith.addi %mul3A_24, %add3A_25 : i32
    "tpu.region"() ({
      %run_scoped3A = tpu.sem_alloc : memref<!tpu.dma_semaphore, #tpu.memory_space<semaphore_mem>>
      %dma_start3A_116 = arith.constant 0 : i32
      %dma_start3A_117 = tpu.memref_slice %arg15[%add3A_26, %dma_start3A_116] : memref<10240x64xf32, #tpu.memory_space<vmem_shared>> -> memref<64x64xf32, #tpu.memory_space<vmem_shared>>
      %dma_start3A_118 = arith.constant 0 : i32
      %dma_start3A_119 = tpu.memref_slice %arg15[%add3A_26, %dma_start3A_118] : memref<10240x64xf32, #tpu.memory_space<vmem_shared>> -> memref<64x64xf32, #tpu.memory_space<vmem_shared>>
      tpu.enqueue_dma source(%arg13 : memref<64x64xf32, #tpu.memory_space<vmem>>) target(%dma_start3A_119 : memref<64x64xf32, #tpu.memory_space<vmem_shared>>) target_semaphore(%run_scoped3A : memref<!tpu.dma_semaphore, #tpu.memory_space<semaphore_mem>>)
      %dma_wait3A_120 = arith.constant 0 : i32
      %dma_wait3A_121 = tpu.memref_slice %arg15[%add3A_26, %dma_wait3A_120] : memref<10240x64xf32, #tpu.memory_space<vmem_shared>> -> memref<64x64xf32, #tpu.memory_space<vmem_shared>>
      %dma_wait3A_122 = arith.constant 0 : i32
      %dma_wait3A_123 = tpu.memref_slice %arg15[%add3A_26, %dma_wait3A_122] : memref<10240x64xf32, #tpu.memory_space<vmem_shared>> -> memref<64x64xf32, #tpu.memory_space<vmem_shared>>
      tpu.wait_dma2 semaphore(%run_scoped3A : memref<!tpu.dma_semaphore, #tpu.memory_space<semaphore_mem>>) src(%arg13 : memref<64x64xf32, #tpu.memory_space<vmem>>) dst(%dma_wait3A_123 : memref<64x64xf32, #tpu.memory_space<vmem_shared>>)
      tpu.yield
    }) : () -> ()
    %mul3A_27 = arith.constant 640 : i32
    %mul3A_28 = arith.muli %arg1, %mul3A_27 : i32
    %add3A_29 = arith.constant 192 : i32
    %add3A_30 = arith.addi %mul3A_28, %add3A_29 : i32
    "tpu.region"() ({
      %run_scoped3A = tpu.sem_alloc : memref<!tpu.dma_semaphore, #tpu.memory_space<semaphore_mem>>
      %dma_start3A_116 = arith.constant 0 : i32
      %dma_start3A_117 = tpu.memref_slice %arg15[%add3A_30, %dma_start3A_116] : memref<10240x64xf32, #tpu.memory_space<vmem_shared>> -> memref<64x64xf32, #tpu.memory_space<vmem_shared>>
      %dma_start3A_118 = arith.constant 0 : i32
      %dma_start3A_119 = tpu.memref_slice %arg15[%add3A_30, %dma_start3A_118] : memref<10240x64xf32, #tpu.memory_space<vmem_shared>> -> memref<64x64xf32, #tpu.memory_space<vmem_shared>>
      tpu.enqueue_dma source(%arg13 : memref<64x64xf32, #tpu.memory_space<vmem>>) target(%dma_start3A_119 : memref<64x64xf32, #tpu.memory_space<vmem_shared>>) target_semaphore(%run_scoped3A : memref<!tpu.dma_semaphore, #tpu.memory_space<semaphore_mem>>)
      %dma_wait3A_120 = arith.constant 0 : i32
      %dma_wait3A_121 = tpu.memref_slice %arg15[%add3A_30, %dma_wait3A_120] : memref<10240x64xf32, #tpu.memory_space<vmem_shared>> -> memref<64x64xf32, #tpu.memory_space<vmem_shared>>
      %dma_wait3A_122 = arith.constant 0 : i32
      %dma_wait3A_123 = tpu.memref_slice %arg15[%add3A_30, %dma_wait3A_122] : memref<10240x64xf32, #tpu.memory_space<vmem_shared>> -> memref<64x64xf32, #tpu.memory_space<vmem_shared>>
      tpu.wait_dma2 semaphore(%run_scoped3A : memref<!tpu.dma_semaphore, #tpu.memory_space<semaphore_mem>>) src(%arg13 : memref<64x64xf32, #tpu.memory_space<vmem>>) dst(%dma_wait3A_123 : memref<64x64xf32, #tpu.memory_space<vmem_shared>>)
      tpu.yield
    }) : () -> ()
    %mul3A_31 = arith.constant 640 : i32
    %mul3A_32 = arith.muli %arg1, %mul3A_31 : i32
    %add3A_33 = arith.constant 256 : i32
    %add3A_34 = arith.addi %mul3A_32, %add3A_33 : i32
    "tpu.region"() ({
      %run_scoped3A = tpu.sem_alloc : memref<!tpu.dma_semaphore, #tpu.memory_space<semaphore_mem>>
      %dma_start3A_116 = arith.constant 0 : i32
      %dma_start3A_117 = tpu.memref_slice %arg15[%add3A_34, %dma_start3A_116] : memref<10240x64xf32, #tpu.memory_space<vmem_shared>> -> memref<64x64xf32, #tpu.memory_space<vmem_shared>>
      %dma_start3A_118 = arith.constant 0 : i32
      %dma_start3A_119 = tpu.memref_slice %arg15[%add3A_34, %dma_start3A_118] : memref<10240x64xf32, #tpu.memory_space<vmem_shared>> -> memref<64x64xf32, #tpu.memory_space<vmem_shared>>
      tpu.enqueue_dma source(%arg13 : memref<64x64xf32, #tpu.memory_space<vmem>>) target(%dma_start3A_119 : memref<64x64xf32, #tpu.memory_space<vmem_shared>>) target_semaphore(%run_scoped3A : memref<!tpu.dma_semaphore, #tpu.memory_space<semaphore_mem>>)
      %dma_wait3A_120 = arith.constant 0 : i32
      %dma_wait3A_121 = tpu.memref_slice %arg15[%add3A_34, %dma_wait3A_120] : memref<10240x64xf32, #tpu.memory_space<vmem_shared>> -> memref<64x64xf32, #tpu.memory_space<vmem_shared>>
      %dma_wait3A_122 = arith.constant 0 : i32
      %dma_wait3A_123 = tpu.memref_slice %arg15[%add3A_34, %dma_wait3A_122] : memref<10240x64xf32, #tpu.memory_space<vmem_shared>> -> memref<64x64xf32, #tpu.memory_space<vmem_shared>>
      tpu.wait_dma2 semaphore(%run_scoped3A : memref<!tpu.dma_semaphore, #tpu.memory_space<semaphore_mem>>) src(%arg13 : memref<64x64xf32, #tpu.memory_space<vmem>>) dst(%dma_wait3A_123 : memref<64x64xf32, #tpu.memory_space<vmem_shared>>)
      tpu.yield
    }) : () -> ()
    %mul3A_35 = arith.constant 640 : i32
    %mul3A_36 = arith.muli %arg1, %mul3A_35 : i32
    %add3A_37 = arith.constant 320 : i32
    %add3A_38 = arith.addi %mul3A_36, %add3A_37 : i32
    "tpu.region"() ({
      %run_scoped3A = tpu.sem_alloc : memref<!tpu.dma_semaphore, #tpu.memory_space<semaphore_mem>>
      %dma_start3A_116 = arith.constant 0 : i32
      %dma_start3A_117 = tpu.memref_slice %arg15[%add3A_38, %dma_start3A_116] : memref<10240x64xf32, #tpu.memory_space<vmem_shared>> -> memref<64x64xf32, #tpu.memory_space<vmem_shared>>
      %dma_start3A_118 = arith.constant 0 : i32
      %dma_start3A_119 = tpu.memref_slice %arg15[%add3A_38, %dma_start3A_118] : memref<10240x64xf32, #tpu.memory_space<vmem_shared>> -> memref<64x64xf32, #tpu.memory_space<vmem_shared>>
      tpu.enqueue_dma source(%arg13 : memref<64x64xf32, #tpu.memory_space<vmem>>) target(%dma_start3A_119 : memref<64x64xf32, #tpu.memory_space<vmem_shared>>) target_semaphore(%run_scoped3A : memref<!tpu.dma_semaphore, #tpu.memory_space<semaphore_mem>>)
      %dma_wait3A_120 = arith.constant 0 : i32
      %dma_wait3A_121 = tpu.memref_slice %arg15[%add3A_38, %dma_wait3A_120] : memref<10240x64xf32, #tpu.memory_space<vmem_shared>> -> memref<64x64xf32, #tpu.memory_space<vmem_shared>>
      %dma_wait3A_122 = arith.constant 0 : i32
      %dma_wait3A_123 = tpu.memref_slice %arg15[%add3A_38, %dma_wait3A_122] : memref<10240x64xf32, #tpu.memory_space<vmem_shared>> -> memref<64x64xf32, #tpu.memory_space<vmem_shared>>
      tpu.wait_dma2 semaphore(%run_scoped3A : memref<!tpu.dma_semaphore, #tpu.memory_space<semaphore_mem>>) src(%arg13 : memref<64x64xf32, #tpu.memory_space<vmem>>) dst(%dma_wait3A_123 : memref<64x64xf32, #tpu.memory_space<vmem_shared>>)
      tpu.yield
    }) : () -> ()
    %mul3A_39 = arith.constant 640 : i32
    %mul3A_40 = arith.muli %arg1, %mul3A_39 : i32
    %add3A_41 = arith.constant 384 : i32
    %add3A_42 = arith.addi %mul3A_40, %add3A_41 : i32
    "tpu.region"() ({
      %run_scoped3A = tpu.sem_alloc : memref<!tpu.dma_semaphore, #tpu.memory_space<semaphore_mem>>
      %dma_start3A_116 = arith.constant 0 : i32
      %dma_start3A_117 = tpu.memref_slice %arg15[%add3A_42, %dma_start3A_116] : memref<10240x64xf32, #tpu.memory_space<vmem_shared>> -> memref<64x64xf32, #tpu.memory_space<vmem_shared>>
      %dma_start3A_118 = arith.constant 0 : i32
      %dma_start3A_119 = tpu.memref_slice %arg15[%add3A_42, %dma_start3A_118] : memref<10240x64xf32, #tpu.memory_space<vmem_shared>> -> memref<64x64xf32, #tpu.memory_space<vmem_shared>>
      tpu.enqueue_dma source(%arg13 : memref<64x64xf32, #tpu.memory_space<vmem>>) target(%dma_start3A_119 : memref<64x64xf32, #tpu.memory_space<vmem_shared>>) target_semaphore(%run_scoped3A : memref<!tpu.dma_semaphore, #tpu.memory_space<semaphore_mem>>)
      %dma_wait3A_120 = arith.constant 0 : i32
      %dma_wait3A_121 = tpu.memref_slice %arg15[%add3A_42, %dma_wait3A_120] : memref<10240x64xf32, #tpu.memory_space<vmem_shared>> -> memref<64x64xf32, #tpu.memory_space<vmem_shared>>
      %dma_wait3A_122 = arith.constant 0 : i32
      %dma_wait3A_123 = tpu.memref_slice %arg15[%add3A_42, %dma_wait3A_122] : memref<10240x64xf32, #tpu.memory_space<vmem_shared>> -> memref<64x64xf32, #tpu.memory_space<vmem_shared>>
      tpu.wait_dma2 semaphore(%run_scoped3A : memref<!tpu.dma_semaphore, #tpu.memory_space<semaphore_mem>>) src(%arg13 : memref<64x64xf32, #tpu.memory_space<vmem>>) dst(%dma_wait3A_123 : memref<64x64xf32, #tpu.memory_space<vmem_shared>>)
      tpu.yield
    }) : () -> ()
    %mul3A_43 = arith.constant 640 : i32
    %mul3A_44 = arith.muli %arg1, %mul3A_43 : i32
    %add3A_45 = arith.constant 448 : i32
    %add3A_46 = arith.addi %mul3A_44, %add3A_45 : i32
    "tpu.region"() ({
      %run_scoped3A = tpu.sem_alloc : memref<!tpu.dma_semaphore, #tpu.memory_space<semaphore_mem>>
      %dma_start3A_116 = arith.constant 0 : i32
      %dma_start3A_117 = tpu.memref_slice %arg15[%add3A_46, %dma_start3A_116] : memref<10240x64xf32, #tpu.memory_space<vmem_shared>> -> memref<64x64xf32, #tpu.memory_space<vmem_shared>>
      %dma_start3A_118 = arith.constant 0 : i32
      %dma_start3A_119 = tpu.memref_slice %arg15[%add3A_46, %dma_start3A_118] : memref<10240x64xf32, #tpu.memory_space<vmem_shared>> -> memref<64x64xf32, #tpu.memory_space<vmem_shared>>
      tpu.enqueue_dma source(%arg13 : memref<64x64xf32, #tpu.memory_space<vmem>>) target(%dma_start3A_119 : memref<64x64xf32, #tpu.memory_space<vmem_shared>>) target_semaphore(%run_scoped3A : memref<!tpu.dma_semaphore, #tpu.memory_space<semaphore_mem>>)
      %dma_wait3A_120 = arith.constant 0 : i32
      %dma_wait3A_121 = tpu.memref_slice %arg15[%add3A_46, %dma_wait3A_120] : memref<10240x64xf32, #tpu.memory_space<vmem_shared>> -> memref<64x64xf32, #tpu.memory_space<vmem_shared>>
      %dma_wait3A_122 = arith.constant 0 : i32
      %dma_wait3A_123 = tpu.memref_slice %arg15[%add3A_46, %dma_wait3A_122] : memref<10240x64xf32, #tpu.memory_space<vmem_shared>> -> memref<64x64xf32, #tpu.memory_space<vmem_shared>>
      tpu.wait_dma2 semaphore(%run_scoped3A : memref<!tpu.dma_semaphore, #tpu.memory_space<semaphore_mem>>) src(%arg13 : memref<64x64xf32, #tpu.memory_space<vmem>>) dst(%dma_wait3A_123 : memref<64x64xf32, #tpu.memory_space<vmem_shared>>)
      tpu.yield
    }) : () -> ()
    %mul3A_47 = arith.constant 640 : i32
    %mul3A_48 = arith.muli %arg1, %mul3A_47 : i32
    %add3A_49 = arith.constant 512 : i32
    %add3A_50 = arith.addi %mul3A_48, %add3A_49 : i32
    "tpu.region"() ({
      %run_scoped3A = tpu.sem_alloc : memref<!tpu.dma_semaphore, #tpu.memory_space<semaphore_mem>>
      %dma_start3A_116 = arith.constant 0 : i32
      %dma_start3A_117 = tpu.memref_slice %arg15[%add3A_50, %dma_start3A_116] : memref<10240x64xf32, #tpu.memory_space<vmem_shared>> -> memref<64x64xf32, #tpu.memory_space<vmem_shared>>
      %dma_start3A_118 = arith.constant 0 : i32
      %dma_start3A_119 = tpu.memref_slice %arg15[%add3A_50, %dma_start3A_118] : memref<10240x64xf32, #tpu.memory_space<vmem_shared>> -> memref<64x64xf32, #tpu.memory_space<vmem_shared>>
      tpu.enqueue_dma source(%arg13 : memref<64x64xf32, #tpu.memory_space<vmem>>) target(%dma_start3A_119 : memref<64x64xf32, #tpu.memory_space<vmem_shared>>) target_semaphore(%run_scoped3A : memref<!tpu.dma_semaphore, #tpu.memory_space<semaphore_mem>>)
      %dma_wait3A_120 = arith.constant 0 : i32
      %dma_wait3A_121 = tpu.memref_slice %arg15[%add3A_50, %dma_wait3A_120] : memref<10240x64xf32, #tpu.memory_space<vmem_shared>> -> memref<64x64xf32, #tpu.memory_space<vmem_shared>>
      %dma_wait3A_122 = arith.constant 0 : i32
      %dma_wait3A_123 = tpu.memref_slice %arg15[%add3A_50, %dma_wait3A_122] : memref<10240x64xf32, #tpu.memory_space<vmem_shared>> -> memref<64x64xf32, #tpu.memory_space<vmem_shared>>
      tpu.wait_dma2 semaphore(%run_scoped3A : memref<!tpu.dma_semaphore, #tpu.memory_space<semaphore_mem>>) src(%arg13 : memref<64x64xf32, #tpu.memory_space<vmem>>) dst(%dma_wait3A_123 : memref<64x64xf32, #tpu.memory_space<vmem_shared>>)
      tpu.yield
    }) : () -> ()
    %mul3A_51 = arith.constant 640 : i32
    %mul3A_52 = arith.muli %arg1, %mul3A_51 : i32
    %add3A_53 = arith.constant 576 : i32
    %add3A_54 = arith.addi %mul3A_52, %add3A_53 : i32
    "tpu.region"() ({
      %run_scoped3A = tpu.sem_alloc : memref<!tpu.dma_semaphore, #tpu.memory_space<semaphore_mem>>
      %dma_start3A_116 = arith.constant 0 : i32
      %dma_start3A_117 = tpu.memref_slice %arg15[%add3A_54, %dma_start3A_116] : memref<10240x64xf32, #tpu.memory_space<vmem_shared>> -> memref<64x64xf32, #tpu.memory_space<vmem_shared>>
      %dma_start3A_118 = arith.constant 0 : i32
      %dma_start3A_119 = tpu.memref_slice %arg15[%add3A_54, %dma_start3A_118] : memref<10240x64xf32, #tpu.memory_space<vmem_shared>> -> memref<64x64xf32, #tpu.memory_space<vmem_shared>>
      tpu.enqueue_dma source(%arg13 : memref<64x64xf32, #tpu.memory_space<vmem>>) target(%dma_start3A_119 : memref<64x64xf32, #tpu.memory_space<vmem_shared>>) target_semaphore(%run_scoped3A : memref<!tpu.dma_semaphore, #tpu.memory_space<semaphore_mem>>)
      %dma_wait3A_120 = arith.constant 0 : i32
      %dma_wait3A_121 = tpu.memref_slice %arg15[%add3A_54, %dma_wait3A_120] : memref<10240x64xf32, #tpu.memory_space<vmem_shared>> -> memref<64x64xf32, #tpu.memory_space<vmem_shared>>
      %dma_wait3A_122 = arith.constant 0 : i32
      %dma_wait3A_123 = tpu.memref_slice %arg15[%add3A_54, %dma_wait3A_122] : memref<10240x64xf32, #tpu.memory_space<vmem_shared>> -> memref<64x64xf32, #tpu.memory_space<vmem_shared>>
      tpu.wait_dma2 semaphore(%run_scoped3A : memref<!tpu.dma_semaphore, #tpu.memory_space<semaphore_mem>>) src(%arg13 : memref<64x64xf32, #tpu.memory_space<vmem>>) dst(%dma_wait3A_123 : memref<64x64xf32, #tpu.memory_space<vmem_shared>>)
      tpu.yield
    }) : () -> ()
    %barrier3A = arith.constant 0 : index
    tpu.barrier barrier_id(%barrier3A)
    %dma_start3A = arith.constant 0 : i32
    %dma_start3A_55 = arith.constant 0 : i32
    %dma_start3A_56 = tpu.memref_slice %arg7[%dma_start3A, %dma_start3A_55] : memref<40x128xi32, #tpu.memory_space<vmem>> -> memref<1x128xi32, #tpu.memory_space<vmem>>
    %dma_start3A_57 = tpu.memref_squeeze %dma_start3A_56 : memref<1x128xi32, #tpu.memory_space<vmem>> -> memref<128xi32, #tpu.memory_space<vmem>>
    %dma_start3A_58 = arith.constant 0 : i32
    %dma_start3A_59 = arith.constant 0 : i32
    %dma_start3A_60 = tpu.memref_slice %arg14[%dma_start3A_58, %dma_start3A_59] : memref<10240x64xf32, #tpu.memory_space<vmem_shared>> -> memref<10240x64xf32, #tpu.memory_space<vmem_shared>>
    tpu.enqueue_indirect_dma source(%dma_start3A_60 : memref<10240x64xf32, #tpu.memory_space<vmem_shared>>) target(%arg9 : memref<128x64xf32, #tpu.memory_space<vmem>>) offsets(%dma_start3A_57 : memref<128xi32, #tpu.memory_space<vmem>>) semaphore(%arg16 : memref<!tpu.dma_semaphore, #tpu.memory_space<semaphore_mem>>)
    %dma_start3A_61 = arith.constant 1 : i32
    %dma_start3A_62 = arith.constant 0 : i32
    %dma_start3A_63 = tpu.memref_slice %arg7[%dma_start3A_61, %dma_start3A_62] : memref<40x128xi32, #tpu.memory_space<vmem>> -> memref<1x128xi32, #tpu.memory_space<vmem>>
    %dma_start3A_64 = tpu.memref_squeeze %dma_start3A_63 : memref<1x128xi32, #tpu.memory_space<vmem>> -> memref<128xi32, #tpu.memory_space<vmem>>
    %dma_start3A_65 = arith.constant 0 : i32
    %dma_start3A_66 = arith.constant 0 : i32
    %dma_start3A_67 = tpu.memref_slice %arg14[%dma_start3A_65, %dma_start3A_66] : memref<10240x64xf32, #tpu.memory_space<vmem_shared>> -> memref<10240x64xf32, #tpu.memory_space<vmem_shared>>
    tpu.enqueue_indirect_dma source(%dma_start3A_67 : memref<10240x64xf32, #tpu.memory_space<vmem_shared>>) target(%arg10 : memref<128x64xf32, #tpu.memory_space<vmem>>) offsets(%dma_start3A_64 : memref<128xi32, #tpu.memory_space<vmem>>) semaphore(%arg17 : memref<!tpu.dma_semaphore, #tpu.memory_space<semaphore_mem>>)
    %dma_start3A_68 = arith.constant 2 : i32
    %dma_start3A_69 = arith.constant 0 : i32
    %dma_start3A_70 = tpu.memref_slice %arg7[%dma_start3A_68, %dma_start3A_69] : memref<40x128xi32, #tpu.memory_space<vmem>> -> memref<1x128xi32, #tpu.memory_space<vmem>>
    %dma_start3A_71 = tpu.memref_squeeze %dma_start3A_70 : memref<1x128xi32, #tpu.memory_space<vmem>> -> memref<128xi32, #tpu.memory_space<vmem>>
    %dma_start3A_72 = arith.constant 0 : i32
    %dma_start3A_73 = arith.constant 0 : i32
    %dma_start3A_74 = tpu.memref_slice %arg14[%dma_start3A_72, %dma_start3A_73] : memref<10240x64xf32, #tpu.memory_space<vmem_shared>> -> memref<10240x64xf32, #tpu.memory_space<vmem_shared>>
    tpu.enqueue_indirect_dma source(%dma_start3A_74 : memref<10240x64xf32, #tpu.memory_space<vmem_shared>>) target(%arg11 : memref<128x64xf32, #tpu.memory_space<vmem>>) offsets(%dma_start3A_71 : memref<128xi32, #tpu.memory_space<vmem>>) semaphore(%arg18 : memref<!tpu.dma_semaphore, #tpu.memory_space<semaphore_mem>>)
    %scan3A_75 = arith.constant 0 : i32
    %scan3A_76 = arith.constant 0 : i32
    %scan3A_77 = arith.constant 10 : i32
    %scan3A_78 = arith.addi %scan3A_76, %scan3A_77 : i32
    %scan3A_79 = arith.constant 1 : i32
    scf.for %scan3A_116 = %scan3A_76 to %scan3A_78 step %scan3A_79  : i32 {
      %mul3A_117 = arith.constant 4 : i32
      %mul3A_118 = arith.muli %mul3A_117, %scan3A_116 : i32
      %add3A_119 = arith.constant 0 : i32
      %add3A_120 = arith.addi %mul3A_118, %add3A_119 : i32
      %dma_wait3A_121 = arith.constant 0 : i32
      %dma_wait3A_122 = tpu.memref_slice %arg7[%add3A_120, %dma_wait3A_121] : memref<40x128xi32, #tpu.memory_space<vmem>> -> memref<1x128xi32, #tpu.memory_space<vmem>>
      %dma_wait3A_123 = tpu.memref_squeeze %dma_wait3A_122 : memref<1x128xi32, #tpu.memory_space<vmem>> -> memref<128xi32, #tpu.memory_space<vmem>>
      %dma_wait3A_124 = arith.constant 0 : i32
      %dma_wait3A_125 = arith.constant 0 : i32
      %dma_wait3A_126 = tpu.memref_slice %arg14[%dma_wait3A_124, %dma_wait3A_125] : memref<10240x64xf32, #tpu.memory_space<vmem_shared>> -> memref<10240x64xf32, #tpu.memory_space<vmem_shared>>
      tpu.wait_indirect_dma semaphore(%arg16 : memref<!tpu.dma_semaphore, #tpu.memory_space<semaphore_mem>>) src(%dma_wait3A_126 : memref<10240x64xf32, #tpu.memory_space<vmem_shared>>) dst(%arg9 : memref<128x64xf32, #tpu.memory_space<vmem>>)
      %dma_start3A_127 = arith.constant 0 : i32
      %dma_start3A_128 = tpu.memref_slice %arg8[%add3A_120, %dma_start3A_127] : memref<40x128xi32, #tpu.memory_space<vmem>> -> memref<1x128xi32, #tpu.memory_space<vmem>>
      %dma_start3A_129 = tpu.memref_squeeze %dma_start3A_128 : memref<1x128xi32, #tpu.memory_space<vmem>> -> memref<128xi32, #tpu.memory_space<vmem>>
      %dma_start3A_130 = arith.constant 0 : i32
      %dma_start3A_131 = arith.constant 0 : i32
      %dma_start3A_132 = tpu.memref_slice %arg15[%dma_start3A_130, %dma_start3A_131] : memref<10240x64xf32, #tpu.memory_space<vmem_shared>> -> memref<10240x64xf32, #tpu.memory_space<vmem_shared>>
      tpu.enqueue_indirect_dma source(%arg9 : memref<128x64xf32, #tpu.memory_space<vmem>>) target(%dma_start3A_132 : memref<10240x64xf32, #tpu.memory_space<vmem_shared>>) offsets(%dma_start3A_129 : memref<128xi32, #tpu.memory_space<vmem>>) semaphore(%arg20 : memref<!tpu.dma_semaphore, #tpu.memory_space<semaphore_mem>>) {add = true}
      %add3A_133 = arith.constant 3 : i32
      %add3A_134 = arith.addi %add3A_120, %add3A_133 : i32
      %lt3A = arith.constant 40 : i32
      %lt3A_135 = arith.cmpi slt, %add3A_134, %lt3A : i32
      %convert_element_type3A_136 = arith.extui %lt3A_135 : i1 to i32
      %cond3A_137 = arith.constant 0 : i32
      %cond3A_138 = arith.cmpi ne, %convert_element_type3A_136, %cond3A_137 : i32
      scf.if %cond3A_138 {
        %ge3A = arith.constant 1 : i32
        %ge3A_208 = arith.cmpi sge, %add3A_120, %ge3A : i32
        %convert_element_type3A_209 = arith.extui %ge3A_208 : i1 to i32
        %cond3A_210 = arith.constant 0 : i32
        %cond3A_211 = arith.cmpi ne, %convert_element_type3A_209, %cond3A_210 : i32
        scf.if %cond3A_211 {
          %sub3A = arith.constant 1 : i32
          %sub3A_220 = arith.subi %add3A_120, %sub3A : i32
          %dma_wait3A_221 = arith.constant 0 : i32
          %dma_wait3A_222 = tpu.memref_slice %arg8[%sub3A_220, %dma_wait3A_221] : memref<40x128xi32, #tpu.memory_space<vmem>> -> memref<1x128xi32, #tpu.memory_space<vmem>>
          %dma_wait3A_223 = tpu.memref_squeeze %dma_wait3A_222 : memref<1x128xi32, #tpu.memory_space<vmem>> -> memref<128xi32, #tpu.memory_space<vmem>>
          %dma_wait3A_224 = arith.constant 0 : i32
          %dma_wait3A_225 = arith.constant 0 : i32
          %dma_wait3A_226 = tpu.memref_slice %arg15[%dma_wait3A_224, %dma_wait3A_225] : memref<10240x64xf32, #tpu.memory_space<vmem_shared>> -> memref<10240x64xf32, #tpu.memory_space<vmem_shared>>
          tpu.wait_indirect_dma semaphore(%arg23 : memref<!tpu.dma_semaphore, #tpu.memory_space<semaphore_mem>>) src(%arg12 : memref<128x64xf32, #tpu.memory_space<vmem>>) dst(%dma_wait3A_226 : memref<10240x64xf32, #tpu.memory_space<vmem_shared>>)
        } else {
        }
        %add3A_212 = arith.constant 3 : i32
        %add3A_213 = arith.addi %add3A_120, %add3A_212 : i32
        %dma_start3A_214 = arith.constant 0 : i32
        %dma_start3A_215 = tpu.memref_slice %arg7[%add3A_213, %dma_start3A_214] : memref<40x128xi32, #tpu.memory_space<vmem>> -> memref<1x128xi32, #tpu.memory_space<vmem>>
        %dma_start3A_216 = tpu.memref_squeeze %dma_start3A_215 : memref<1x128xi32, #tpu.memory_space<vmem>> -> memref<128xi32, #tpu.memory_space<vmem>>
        %dma_start3A_217 = arith.constant 0 : i32
        %dma_start3A_218 = arith.constant 0 : i32
        %dma_start3A_219 = tpu.memref_slice %arg14[%dma_start3A_217, %dma_start3A_218] : memref<10240x64xf32, #tpu.memory_space<vmem_shared>> -> memref<10240x64xf32, #tpu.memory_space<vmem_shared>>
        tpu.enqueue_indirect_dma source(%dma_start3A_219 : memref<10240x64xf32, #tpu.memory_space<vmem_shared>>) target(%arg12 : memref<128x64xf32, #tpu.memory_space<vmem>>) offsets(%dma_start3A_216 : memref<128xi32, #tpu.memory_space<vmem>>) semaphore(%arg19 : memref<!tpu.dma_semaphore, #tpu.memory_space<semaphore_mem>>)
      } else {
      }
      %mul3A_139 = arith.constant 4 : i32
      %mul3A_140 = arith.muli %mul3A_139, %scan3A_116 : i32
      %add3A_141 = arith.constant 1 : i32
      %add3A_142 = arith.addi %mul3A_140, %add3A_141 : i32
      %dma_wait3A_143 = arith.constant 0 : i32
      %dma_wait3A_144 = tpu.memref_slice %arg7[%add3A_142, %dma_wait3A_143] : memref<40x128xi32, #tpu.memory_space<vmem>> -> memref<1x128xi32, #tpu.memory_space<vmem>>
      %dma_wait3A_145 = tpu.memref_squeeze %dma_wait3A_144 : memref<1x128xi32, #tpu.memory_space<vmem>> -> memref<128xi32, #tpu.memory_space<vmem>>
      %dma_wait3A_146 = arith.constant 0 : i32
      %dma_wait3A_147 = arith.constant 0 : i32
      %dma_wait3A_148 = tpu.memref_slice %arg14[%dma_wait3A_146, %dma_wait3A_147] : memref<10240x64xf32, #tpu.memory_space<vmem_shared>> -> memref<10240x64xf32, #tpu.memory_space<vmem_shared>>
      tpu.wait_indirect_dma semaphore(%arg17 : memref<!tpu.dma_semaphore, #tpu.memory_space<semaphore_mem>>) src(%dma_wait3A_148 : memref<10240x64xf32, #tpu.memory_space<vmem_shared>>) dst(%arg10 : memref<128x64xf32, #tpu.memory_space<vmem>>)
      %dma_start3A_149 = arith.constant 0 : i32
      %dma_start3A_150 = tpu.memref_slice %arg8[%add3A_142, %dma_start3A_149] : memref<40x128xi32, #tpu.memory_space<vmem>> -> memref<1x128xi32, #tpu.memory_space<vmem>>
      %dma_start3A_151 = tpu.memref_squeeze %dma_start3A_150 : memref<1x128xi32, #tpu.memory_space<vmem>> -> memref<128xi32, #tpu.memory_space<vmem>>
      %dma_start3A_152 = arith.constant 0 : i32
      %dma_start3A_153 = arith.constant 0 : i32
      %dma_start3A_154 = tpu.memref_slice %arg15[%dma_start3A_152, %dma_start3A_153] : memref<10240x64xf32, #tpu.memory_space<vmem_shared>> -> memref<10240x64xf32, #tpu.memory_space<vmem_shared>>
      tpu.enqueue_indirect_dma source(%arg10 : memref<128x64xf32, #tpu.memory_space<vmem>>) target(%dma_start3A_154 : memref<10240x64xf32, #tpu.memory_space<vmem_shared>>) offsets(%dma_start3A_151 : memref<128xi32, #tpu.memory_space<vmem>>) semaphore(%arg21 : memref<!tpu.dma_semaphore, #tpu.memory_space<semaphore_mem>>) {add = true}
      %add3A_155 = arith.constant 3 : i32
      %add3A_156 = arith.addi %add3A_142, %add3A_155 : i32
      %lt3A_157 = arith.constant 40 : i32
      %lt3A_158 = arith.cmpi slt, %add3A_156, %lt3A_157 : i32
      %convert_element_type3A_159 = arith.extui %lt3A_158 : i1 to i32
      %cond3A_160 = arith.constant 0 : i32
      %cond3A_161 = arith.cmpi ne, %convert_element_type3A_159, %cond3A_160 : i32
      scf.if %cond3A_161 {
        %ge3A = arith.constant 1 : i32
        %ge3A_208 = arith.cmpi sge, %add3A_142, %ge3A : i32
        %convert_element_type3A_209 = arith.extui %ge3A_208 : i1 to i32
        %cond3A_210 = arith.constant 0 : i32
        %cond3A_211 = arith.cmpi ne, %convert_element_type3A_209, %cond3A_210 : i32
        scf.if %cond3A_211 {
          %sub3A = arith.constant 1 : i32
          %sub3A_220 = arith.subi %add3A_142, %sub3A : i32
          %dma_wait3A_221 = arith.constant 0 : i32
          %dma_wait3A_222 = tpu.memref_slice %arg8[%sub3A_220, %dma_wait3A_221] : memref<40x128xi32, #tpu.memory_space<vmem>> -> memref<1x128xi32, #tpu.memory_space<vmem>>
          %dma_wait3A_223 = tpu.memref_squeeze %dma_wait3A_222 : memref<1x128xi32, #tpu.memory_space<vmem>> -> memref<128xi32, #tpu.memory_space<vmem>>
          %dma_wait3A_224 = arith.constant 0 : i32
          %dma_wait3A_225 = arith.constant 0 : i32
          %dma_wait3A_226 = tpu.memref_slice %arg15[%dma_wait3A_224, %dma_wait3A_225] : memref<10240x64xf32, #tpu.memory_space<vmem_shared>> -> memref<10240x64xf32, #tpu.memory_space<vmem_shared>>
          tpu.wait_indirect_dma semaphore(%arg20 : memref<!tpu.dma_semaphore, #tpu.memory_space<semaphore_mem>>) src(%arg9 : memref<128x64xf32, #tpu.memory_space<vmem>>) dst(%dma_wait3A_226 : memref<10240x64xf32, #tpu.memory_space<vmem_shared>>)
        } else {
        }
        %add3A_212 = arith.constant 3 : i32
        %add3A_213 = arith.addi %add3A_142, %add3A_212 : i32
        %dma_start3A_214 = arith.constant 0 : i32
        %dma_start3A_215 = tpu.memref_slice %arg7[%add3A_213, %dma_start3A_214] : memref<40x128xi32, #tpu.memory_space<vmem>> -> memref<1x128xi32, #tpu.memory_space<vmem>>
        %dma_start3A_216 = tpu.memref_squeeze %dma_start3A_215 : memref<1x128xi32, #tpu.memory_space<vmem>> -> memref<128xi32, #tpu.memory_space<vmem>>
        %dma_start3A_217 = arith.constant 0 : i32
        %dma_start3A_218 = arith.constant 0 : i32
        %dma_start3A_219 = tpu.memref_slice %arg14[%dma_start3A_217, %dma_start3A_218] : memref<10240x64xf32, #tpu.memory_space<vmem_shared>> -> memref<10240x64xf32, #tpu.memory_space<vmem_shared>>
        tpu.enqueue_indirect_dma source(%dma_start3A_219 : memref<10240x64xf32, #tpu.memory_space<vmem_shared>>) target(%arg9 : memref<128x64xf32, #tpu.memory_space<vmem>>) offsets(%dma_start3A_216 : memref<128xi32, #tpu.memory_space<vmem>>) semaphore(%arg16 : memref<!tpu.dma_semaphore, #tpu.memory_space<semaphore_mem>>)
      } else {
      }
      %mul3A_162 = arith.constant 4 : i32
      %mul3A_163 = arith.muli %mul3A_162, %scan3A_116 : i32
      %add3A_164 = arith.constant 2 : i32
      %add3A_165 = arith.addi %mul3A_163, %add3A_164 : i32
      %dma_wait3A_166 = arith.constant 0 : i32
      %dma_wait3A_167 = tpu.memref_slice %arg7[%add3A_165, %dma_wait3A_166] : memref<40x128xi32, #tpu.memory_space<vmem>> -> memref<1x128xi32, #tpu.memory_space<vmem>>
      %dma_wait3A_168 = tpu.memref_squeeze %dma_wait3A_167 : memref<1x128xi32, #tpu.memory_space<vmem>> -> memref<128xi32, #tpu.memory_space<vmem>>
      %dma_wait3A_169 = arith.constant 0 : i32
      %dma_wait3A_170 = arith.constant 0 : i32
      %dma_wait3A_171 = tpu.memref_slice %arg14[%dma_wait3A_169, %dma_wait3A_170] : memref<10240x64xf32, #tpu.memory_space<vmem_shared>> -> memref<10240x64xf32, #tpu.memory_space<vmem_shared>>
      tpu.wait_indirect_dma semaphore(%arg18 : memref<!tpu.dma_semaphore, #tpu.memory_space<semaphore_mem>>) src(%dma_wait3A_171 : memref<10240x64xf32, #tpu.memory_space<vmem_shared>>) dst(%arg11 : memref<128x64xf32, #tpu.memory_space<vmem>>)
      %dma_start3A_172 = arith.constant 0 : i32
      %dma_start3A_173 = tpu.memref_slice %arg8[%add3A_165, %dma_start3A_172] : memref<40x128xi32, #tpu.memory_space<vmem>> -> memref<1x128xi32, #tpu.memory_space<vmem>>
      %dma_start3A_174 = tpu.memref_squeeze %dma_start3A_173 : memref<1x128xi32, #tpu.memory_space<vmem>> -> memref<128xi32, #tpu.memory_space<vmem>>
      %dma_start3A_175 = arith.constant 0 : i32
      %dma_start3A_176 = arith.constant 0 : i32
      %dma_start3A_177 = tpu.memref_slice %arg15[%dma_start3A_175, %dma_start3A_176] : memref<10240x64xf32, #tpu.memory_space<vmem_shared>> -> memref<10240x64xf32, #tpu.memory_space<vmem_shared>>
      tpu.enqueue_indirect_dma source(%arg11 : memref<128x64xf32, #tpu.memory_space<vmem>>) target(%dma_start3A_177 : memref<10240x64xf32, #tpu.memory_space<vmem_shared>>) offsets(%dma_start3A_174 : memref<128xi32, #tpu.memory_space<vmem>>) semaphore(%arg22 : memref<!tpu.dma_semaphore, #tpu.memory_space<semaphore_mem>>) {add = true}
      %add3A_178 = arith.constant 3 : i32
      %add3A_179 = arith.addi %add3A_165, %add3A_178 : i32
      %lt3A_180 = arith.constant 40 : i32
      %lt3A_181 = arith.cmpi slt, %add3A_179, %lt3A_180 : i32
      %convert_element_type3A_182 = arith.extui %lt3A_181 : i1 to i32
      %cond3A_183 = arith.constant 0 : i32
      %cond3A_184 = arith.cmpi ne, %convert_element_type3A_182, %cond3A_183 : i32
      scf.if %cond3A_184 {
        %ge3A = arith.constant 1 : i32
        %ge3A_208 = arith.cmpi sge, %add3A_165, %ge3A : i32
        %convert_element_type3A_209 = arith.extui %ge3A_208 : i1 to i32
        %cond3A_210 = arith.constant 0 : i32
        %cond3A_211 = arith.cmpi ne, %convert_element_type3A_209, %cond3A_210 : i32
        scf.if %cond3A_211 {
          %sub3A = arith.constant 1 : i32
          %sub3A_220 = arith.subi %add3A_165, %sub3A : i32
          %dma_wait3A_221 = arith.constant 0 : i32
          %dma_wait3A_222 = tpu.memref_slice %arg8[%sub3A_220, %dma_wait3A_221] : memref<40x128xi32, #tpu.memory_space<vmem>> -> memref<1x128xi32, #tpu.memory_space<vmem>>
          %dma_wait3A_223 = tpu.memref_squeeze %dma_wait3A_222 : memref<1x128xi32, #tpu.memory_space<vmem>> -> memref<128xi32, #tpu.memory_space<vmem>>
          %dma_wait3A_224 = arith.constant 0 : i32
          %dma_wait3A_225 = arith.constant 0 : i32
          %dma_wait3A_226 = tpu.memref_slice %arg15[%dma_wait3A_224, %dma_wait3A_225] : memref<10240x64xf32, #tpu.memory_space<vmem_shared>> -> memref<10240x64xf32, #tpu.memory_space<vmem_shared>>
          tpu.wait_indirect_dma semaphore(%arg21 : memref<!tpu.dma_semaphore, #tpu.memory_space<semaphore_mem>>) src(%arg10 : memref<128x64xf32, #tpu.memory_space<vmem>>) dst(%dma_wait3A_226 : memref<10240x64xf32, #tpu.memory_space<vmem_shared>>)
        } else {
        }
        %add3A_212 = arith.constant 3 : i32
        %add3A_213 = arith.addi %add3A_165, %add3A_212 : i32
        %dma_start3A_214 = arith.constant 0 : i32
        %dma_start3A_215 = tpu.memref_slice %arg7[%add3A_213, %dma_start3A_214] : memref<40x128xi32, #tpu.memory_space<vmem>> -> memref<1x128xi32, #tpu.memory_space<vmem>>
        %dma_start3A_216 = tpu.memref_squeeze %dma_start3A_215 : memref<1x128xi32, #tpu.memory_space<vmem>> -> memref<128xi32, #tpu.memory_space<vmem>>
        %dma_start3A_217 = arith.constant 0 : i32
        %dma_start3A_218 = arith.constant 0 : i32
        %dma_start3A_219 = tpu.memref_slice %arg14[%dma_start3A_217, %dma_start3A_218] : memref<10240x64xf32, #tpu.memory_space<vmem_shared>> -> memref<10240x64xf32, #tpu.memory_space<vmem_shared>>
        tpu.enqueue_indirect_dma source(%dma_start3A_219 : memref<10240x64xf32, #tpu.memory_space<vmem_shared>>) target(%arg10 : memref<128x64xf32, #tpu.memory_space<vmem>>) offsets(%dma_start3A_216 : memref<128xi32, #tpu.memory_space<vmem>>) semaphore(%arg17 : memref<!tpu.dma_semaphore, #tpu.memory_space<semaphore_mem>>)
      } else {
      }
      %mul3A_185 = arith.constant 4 : i32
      %mul3A_186 = arith.muli %mul3A_185, %scan3A_116 : i32
      %add3A_187 = arith.constant 3 : i32
      %add3A_188 = arith.addi %mul3A_186, %add3A_187 : i32
      %dma_wait3A_189 = arith.constant 0 : i32
      %dma_wait3A_190 = tpu.memref_slice %arg7[%add3A_188, %dma_wait3A_189] : memref<40x128xi32, #tpu.memory_space<vmem>> -> memref<1x128xi32, #tpu.memory_space<vmem>>
      %dma_wait3A_191 = tpu.memref_squeeze %dma_wait3A_190 : memref<1x128xi32, #tpu.memory_space<vmem>> -> memref<128xi32, #tpu.memory_space<vmem>>
      %dma_wait3A_192 = arith.constant 0 : i32
      %dma_wait3A_193 = arith.constant 0 : i32
      %dma_wait3A_194 = tpu.memref_slice %arg14[%dma_wait3A_192, %dma_wait3A_193] : memref<10240x64xf32, #tpu.memory_space<vmem_shared>> -> memref<10240x64xf32, #tpu.memory_space<vmem_shared>>
      tpu.wait_indirect_dma semaphore(%arg19 : memref<!tpu.dma_semaphore, #tpu.memory_space<semaphore_mem>>) src(%dma_wait3A_194 : memref<10240x64xf32, #tpu.memory_space<vmem_shared>>) dst(%arg12 : memref<128x64xf32, #tpu.memory_space<vmem>>)
      %dma_start3A_195 = arith.constant 0 : i32
      %dma_start3A_196 = tpu.memref_slice %arg8[%add3A_188, %dma_start3A_195] : memref<40x128xi32, #tpu.memory_space<vmem>> -> memref<1x128xi32, #tpu.memory_space<vmem>>
      %dma_start3A_197 = tpu.memref_squeeze %dma_start3A_196 : memref<1x128xi32, #tpu.memory_space<vmem>> -> memref<128xi32, #tpu.memory_space<vmem>>
      %dma_start3A_198 = arith.constant 0 : i32
      %dma_start3A_199 = arith.constant 0 : i32
      %dma_start3A_200 = tpu.memref_slice %arg15[%dma_start3A_198, %dma_start3A_199] : memref<10240x64xf32, #tpu.memory_space<vmem_shared>> -> memref<10240x64xf32, #tpu.memory_space<vmem_shared>>
      tpu.enqueue_indirect_dma source(%arg12 : memref<128x64xf32, #tpu.memory_space<vmem>>) target(%dma_start3A_200 : memref<10240x64xf32, #tpu.memory_space<vmem_shared>>) offsets(%dma_start3A_197 : memref<128xi32, #tpu.memory_space<vmem>>) semaphore(%arg23 : memref<!tpu.dma_semaphore, #tpu.memory_space<semaphore_mem>>) {add = true}
      %add3A_201 = arith.constant 3 : i32
      %add3A_202 = arith.addi %add3A_188, %add3A_201 : i32
      %lt3A_203 = arith.constant 40 : i32
      %lt3A_204 = arith.cmpi slt, %add3A_202, %lt3A_203 : i32
      %convert_element_type3A_205 = arith.extui %lt3A_204 : i1 to i32
      %cond3A_206 = arith.constant 0 : i32
      %cond3A_207 = arith.cmpi ne, %convert_element_type3A_205, %cond3A_206 : i32
      scf.if %cond3A_207 {
        %ge3A = arith.constant 1 : i32
        %ge3A_208 = arith.cmpi sge, %add3A_188, %ge3A : i32
        %convert_element_type3A_209 = arith.extui %ge3A_208 : i1 to i32
        %cond3A_210 = arith.constant 0 : i32
        %cond3A_211 = arith.cmpi ne, %convert_element_type3A_209, %cond3A_210 : i32
        scf.if %cond3A_211 {
          %sub3A = arith.constant 1 : i32
          %sub3A_220 = arith.subi %add3A_188, %sub3A : i32
          %dma_wait3A_221 = arith.constant 0 : i32
          %dma_wait3A_222 = tpu.memref_slice %arg8[%sub3A_220, %dma_wait3A_221] : memref<40x128xi32, #tpu.memory_space<vmem>> -> memref<1x128xi32, #tpu.memory_space<vmem>>
          %dma_wait3A_223 = tpu.memref_squeeze %dma_wait3A_222 : memref<1x128xi32, #tpu.memory_space<vmem>> -> memref<128xi32, #tpu.memory_space<vmem>>
          %dma_wait3A_224 = arith.constant 0 : i32
          %dma_wait3A_225 = arith.constant 0 : i32
          %dma_wait3A_226 = tpu.memref_slice %arg15[%dma_wait3A_224, %dma_wait3A_225] : memref<10240x64xf32, #tpu.memory_space<vmem_shared>> -> memref<10240x64xf32, #tpu.memory_space<vmem_shared>>
          tpu.wait_indirect_dma semaphore(%arg22 : memref<!tpu.dma_semaphore, #tpu.memory_space<semaphore_mem>>) src(%arg11 : memref<128x64xf32, #tpu.memory_space<vmem>>) dst(%dma_wait3A_226 : memref<10240x64xf32, #tpu.memory_space<vmem_shared>>)
        } else {
        }
        %add3A_212 = arith.constant 3 : i32
        %add3A_213 = arith.addi %add3A_188, %add3A_212 : i32
        %dma_start3A_214 = arith.constant 0 : i32
        %dma_start3A_215 = tpu.memref_slice %arg7[%add3A_213, %dma_start3A_214] : memref<40x128xi32, #tpu.memory_space<vmem>> -> memref<1x128xi32, #tpu.memory_space<vmem>>
        %dma_start3A_216 = tpu.memref_squeeze %dma_start3A_215 : memref<1x128xi32, #tpu.memory_space<vmem>> -> memref<128xi32, #tpu.memory_space<vmem>>
        %dma_start3A_217 = arith.constant 0 : i32
        %dma_start3A_218 = arith.constant 0 : i32
        %dma_start3A_219 = tpu.memref_slice %arg14[%dma_start3A_217, %dma_start3A_218] : memref<10240x64xf32, #tpu.memory_space<vmem_shared>> -> memref<10240x64xf32, #tpu.memory_space<vmem_shared>>
        tpu.enqueue_indirect_dma source(%dma_start3A_219 : memref<10240x64xf32, #tpu.memory_space<vmem_shared>>) target(%arg11 : memref<128x64xf32, #tpu.memory_space<vmem>>) offsets(%dma_start3A_216 : memref<128xi32, #tpu.memory_space<vmem>>) semaphore(%arg18 : memref<!tpu.dma_semaphore, #tpu.memory_space<semaphore_mem>>)
      } else {
      }
    }
    %scan3A_80 = arith.constant 10 : i32
    %dma_wait3A = arith.constant 36 : i32
    %dma_wait3A_81 = arith.constant 0 : i32
    %dma_wait3A_82 = tpu.memref_slice %arg8[%dma_wait3A, %dma_wait3A_81] : memref<40x128xi32, #tpu.memory_space<vmem>> -> memref<1x128xi32, #tpu.memory_space<vmem>>
    %dma_wait3A_83 = tpu.memref_squeeze %dma_wait3A_82 : memref<1x128xi32, #tpu.memory_space<vmem>> -> memref<128xi32, #tpu.memory_space<vmem>>
    %dma_wait3A_84 = arith.constant 0 : i32
    %dma_wait3A_85 = arith.constant 0 : i32
    %dma_wait3A_86 = tpu.memref_slice %arg15[%dma_wait3A_84, %dma_wait3A_85] : memref<10240x64xf32, #tpu.memory_space<vmem_shared>> -> memref<10240x64xf32, #tpu.memory_space<vmem_shared>>
    tpu.wait_indirect_dma semaphore(%arg20 : memref<!tpu.dma_semaphore, #tpu.memory_space<semaphore_mem>>) src(%arg9 : memref<128x64xf32, #tpu.memory_space<vmem>>) dst(%dma_wait3A_86 : memref<10240x64xf32, #tpu.memory_space<vmem_shared>>)
    %dma_wait3A_87 = arith.constant 37 : i32
    %dma_wait3A_88 = arith.constant 0 : i32
    %dma_wait3A_89 = tpu.memref_slice %arg8[%dma_wait3A_87, %dma_wait3A_88] : memref<40x128xi32, #tpu.memory_space<vmem>> -> memref<1x128xi32, #tpu.memory_space<vmem>>
    %dma_wait3A_90 = tpu.memref_squeeze %dma_wait3A_89 : memref<1x128xi32, #tpu.memory_space<vmem>> -> memref<128xi32, #tpu.memory_space<vmem>>
    %dma_wait3A_91 = arith.constant 0 : i32
    %dma_wait3A_92 = arith.constant 0 : i32
    %dma_wait3A_93 = tpu.memref_slice %arg15[%dma_wait3A_91, %dma_wait3A_92] : memref<10240x64xf32, #tpu.memory_space<vmem_shared>> -> memref<10240x64xf32, #tpu.memory_space<vmem_shared>>
    tpu.wait_indirect_dma semaphore(%arg21 : memref<!tpu.dma_semaphore, #tpu.memory_space<semaphore_mem>>) src(%arg10 : memref<128x64xf32, #tpu.memory_space<vmem>>) dst(%dma_wait3A_93 : memref<10240x64xf32, #tpu.memory_space<vmem_shared>>)
    %dma_wait3A_94 = arith.constant 38 : i32
    %dma_wait3A_95 = arith.constant 0 : i32
    %dma_wait3A_96 = tpu.memref_slice %arg8[%dma_wait3A_94, %dma_wait3A_95] : memref<40x128xi32, #tpu.memory_space<vmem>> -> memref<1x128xi32, #tpu.memory_space<vmem>>
    %dma_wait3A_97 = tpu.memref_squeeze %dma_wait3A_96 : memref<1x128xi32, #tpu.memory_space<vmem>> -> memref<128xi32, #tpu.memory_space<vmem>>
    %dma_wait3A_98 = arith.constant 0 : i32
    %dma_wait3A_99 = arith.constant 0 : i32
    %dma_wait3A_100 = tpu.memref_slice %arg15[%dma_wait3A_98, %dma_wait3A_99] : memref<10240x64xf32, #tpu.memory_space<vmem_shared>> -> memref<10240x64xf32, #tpu.memory_space<vmem_shared>>
    tpu.wait_indirect_dma semaphore(%arg22 : memref<!tpu.dma_semaphore, #tpu.memory_space<semaphore_mem>>) src(%arg11 : memref<128x64xf32, #tpu.memory_space<vmem>>) dst(%dma_wait3A_100 : memref<10240x64xf32, #tpu.memory_space<vmem_shared>>)
    %dma_wait3A_101 = arith.constant 39 : i32
    %dma_wait3A_102 = arith.constant 0 : i32
    %dma_wait3A_103 = tpu.memref_slice %arg8[%dma_wait3A_101, %dma_wait3A_102] : memref<40x128xi32, #tpu.memory_space<vmem>> -> memref<1x128xi32, #tpu.memory_space<vmem>>
    %dma_wait3A_104 = tpu.memref_squeeze %dma_wait3A_103 : memref<1x128xi32, #tpu.memory_space<vmem>> -> memref<128xi32, #tpu.memory_space<vmem>>
    %dma_wait3A_105 = arith.constant 0 : i32
    %dma_wait3A_106 = arith.constant 0 : i32
    %dma_wait3A_107 = tpu.memref_slice %arg15[%dma_wait3A_105, %dma_wait3A_106] : memref<10240x64xf32, #tpu.memory_space<vmem_shared>> -> memref<10240x64xf32, #tpu.memory_space<vmem_shared>>
    tpu.wait_indirect_dma semaphore(%arg23 : memref<!tpu.dma_semaphore, #tpu.memory_space<semaphore_mem>>) src(%arg12 : memref<128x64xf32, #tpu.memory_space<vmem>>) dst(%dma_wait3A_107 : memref<10240x64xf32, #tpu.memory_space<vmem_shared>>)
    %barrier3A_108 = arith.constant 0 : index
    tpu.barrier barrier_id(%barrier3A_108)
    %eq3A = arith.constant 0 : i32
    %eq3A_109 = arith.cmpi eq, %arg0, %eq3A : i32
    %convert_element_type3A = arith.extui %eq3A_109 : i1 to i32
    %cond3A = arith.constant 0 : i32
    %cond3A_110 = arith.cmpi ne, %convert_element_type3A, %cond3A : i32
    scf.if %cond3A_110 {
      %mul3A_116 = arith.constant 640 : i32
      %mul3A_117 = arith.muli %arg1, %mul3A_116 : i32
      %mul3A_118 = arith.constant 640 : i32
      %mul3A_119 = arith.muli %arg1, %mul3A_118 : i32
      "tpu.region"() ({
        %run_scoped3A = tpu.sem_alloc : memref<!tpu.dma_semaphore, #tpu.memory_space<semaphore_mem>>
        %dma_start3A_120 = arith.constant 0 : i32
        %dma_start3A_121 = tpu.memref_slice %arg5[%mul3A_119, %dma_start3A_120] : memref<10240x64xf32, #tpu.memory_space<hbm>> -> memref<640x64xf32, #tpu.memory_space<hbm>>
        %dma_start3A_122 = arith.constant 0 : i32
        %dma_start3A_123 = tpu.memref_slice %arg15[%mul3A_117, %dma_start3A_122] : memref<10240x64xf32, #tpu.memory_space<vmem_shared>> -> memref<640x64xf32, #tpu.memory_space<vmem_shared>>
        tpu.enqueue_dma source(%dma_start3A_123 : memref<640x64xf32, #tpu.memory_space<vmem_shared>>) target(%dma_start3A_121 : memref<640x64xf32, #tpu.memory_space<hbm>>) target_semaphore(%run_scoped3A : memref<!tpu.dma_semaphore, #tpu.memory_space<semaphore_mem>>)
        %dma_wait3A_124 = arith.constant 0 : i32
        %dma_wait3A_125 = tpu.memref_slice %arg5[%mul3A_119, %dma_wait3A_124] : memref<10240x64xf32, #tpu.memory_space<hbm>> -> memref<640x64xf32, #tpu.memory_space<hbm>>
        %dma_wait3A_126 = arith.constant 0 : i32
        %dma_wait3A_127 = tpu.memref_slice %arg15[%mul3A_117, %dma_wait3A_126] : memref<10240x64xf32, #tpu.memory_space<vmem_shared>> -> memref<640x64xf32, #tpu.memory_space<vmem_shared>>
        tpu.wait_dma2 semaphore(%run_scoped3A : memref<!tpu.dma_semaphore, #tpu.memory_space<semaphore_mem>>) src(%dma_wait3A_127 : memref<640x64xf32, #tpu.memory_space<vmem_shared>>) dst(%dma_wait3A_125 : memref<640x64xf32, #tpu.memory_space<hbm>>)
        tpu.yield
      }) : () -> ()
    } else {
    }
    %eq3A_111 = arith.constant 1 : i32
    %eq3A_112 = arith.cmpi eq, %arg0, %eq3A_111 : i32
    %convert_element_type3A_113 = arith.extui %eq3A_112 : i1 to i32
    %cond3A_114 = arith.constant 0 : i32
    %cond3A_115 = arith.cmpi ne, %convert_element_type3A_113, %cond3A_114 : i32
    scf.if %cond3A_115 {
      %mul3A_116 = arith.constant 640 : i32
      %mul3A_117 = arith.muli %arg1, %mul3A_116 : i32
      %mul3A_118 = arith.constant 640 : i32
      %mul3A_119 = arith.muli %arg1, %mul3A_118 : i32
      "tpu.region"() ({
        %run_scoped3A = tpu.sem_alloc : memref<!tpu.dma_semaphore, #tpu.memory_space<semaphore_mem>>
        %dma_start3A_120 = arith.constant 0 : i32
        %dma_start3A_121 = tpu.memref_slice %arg6[%mul3A_119, %dma_start3A_120] : memref<10240x64xf32, #tpu.memory_space<hbm>> -> memref<640x64xf32, #tpu.memory_space<hbm>>
        %dma_start3A_122 = arith.constant 0 : i32
        %dma_start3A_123 = tpu.memref_slice %arg15[%mul3A_117, %dma_start3A_122] : memref<10240x64xf32, #tpu.memory_space<vmem_shared>> -> memref<640x64xf32, #tpu.memory_space<vmem_shared>>
        tpu.enqueue_dma source(%dma_start3A_123 : memref<640x64xf32, #tpu.memory_space<vmem_shared>>) target(%dma_start3A_121 : memref<640x64xf32, #tpu.memory_space<hbm>>) target_semaphore(%run_scoped3A : memref<!tpu.dma_semaphore, #tpu.memory_space<semaphore_mem>>)
        %dma_wait3A_124 = arith.constant 0 : i32
        %dma_wait3A_125 = tpu.memref_slice %arg6[%mul3A_119, %dma_wait3A_124] : memref<10240x64xf32, #tpu.memory_space<hbm>> -> memref<640x64xf32, #tpu.memory_space<hbm>>
        %dma_wait3A_126 = arith.constant 0 : i32
        %dma_wait3A_127 = tpu.memref_slice %arg15[%mul3A_117, %dma_wait3A_126] : memref<10240x64xf32, #tpu.memory_space<vmem_shared>> -> memref<640x64xf32, #tpu.memory_space<vmem_shared>>
        tpu.wait_dma2 semaphore(%run_scoped3A : memref<!tpu.dma_semaphore, #tpu.memory_space<semaphore_mem>>) src(%dma_wait3A_127 : memref<640x64xf32, #tpu.memory_space<vmem_shared>>) dst(%dma_wait3A_125 : memref<640x64xf32, #tpu.memory_space<hbm>>)
        tpu.yield
      }) : () -> ()
    } else {
    }
    return
  }
}

#map = affine_map<(d0, d1) -> (0, 0)>
module attributes {stable_mosaic.version = 14 : i64} {
  func.func @_edge_body(%arg0: i32, %arg1: i32, %arg2: memref<10240x64xf32, #tpu.memory_space<hbm>>, %arg3: memref<1280x128xi32, #tpu.memory_space<hbm>>, %arg4: memref<1280x128xi32, #tpu.memory_space<hbm>>, %arg5: memref<10240x64xf32, #tpu.memory_space<hbm>>, %arg6: memref<10240x64xf32, #tpu.memory_space<hbm>>, %arg7: memref<40x128xi32, #tpu.memory_space<vmem>>, %arg8: memref<40x128xi32, #tpu.memory_space<vmem>>, %arg9: memref<128x64xf32, #tpu.memory_space<vmem>>, %arg10: memref<128x64xf32, #tpu.memory_space<vmem>>, %arg11: memref<128x64xf32, #tpu.memory_space<vmem>>, %arg12: memref<128x64xf32, #tpu.memory_space<vmem>>, %arg13: memref<64x64xf32, #tpu.memory_space<vmem>>, %arg14: memref<10240x64xf32, #tpu.memory_space<vmem_shared>>, %arg15: memref<10240x64xf32, #tpu.memory_space<vmem_shared>>, %arg16: memref<!tpu.dma_semaphore, #tpu.memory_space<semaphore_mem>>, %arg17: memref<!tpu.dma_semaphore, #tpu.memory_space<semaphore_mem>>, %arg18: memref<!tpu.dma_semaphore, #tpu.memory_space<semaphore_mem>>, %arg19: memref<!tpu.dma_semaphore, #tpu.memory_space<semaphore_mem>>, %arg20: memref<!tpu.dma_semaphore, #tpu.memory_space<semaphore_mem>>, %arg21: memref<!tpu.dma_semaphore, #tpu.memory_space<semaphore_mem>>, %arg22: memref<!tpu.dma_semaphore, #tpu.memory_space<semaphore_mem>>, %arg23: memref<!tpu.dma_semaphore, #tpu.memory_space<semaphore_mem>>) attributes {dimension_semantics = [#tpu.dimension_semantics<core_parallel>, #tpu.dimension_semantics<subcore_parallel>], iteration_bounds = array<i64: 2, 16>, scalar_prefetch = 0 : i64, scratch_operands = 17 : i64, tpu.core_type = #tpu.core_type<sc_vector_subcore>, window_params = [{transform_indices = #map}, {transform_indices = #map}, {transform_indices = #map}, {transform_indices = #map}, {transform_indices = #map}]} {
    %mul3A = arith.constant 16 : i32
    %mul3A_0 = arith.muli %arg0, %mul3A : i32
    %add3A = arith.addi %mul3A_0, %arg1 : i32
    %mul3A_1 = arith.constant 40 : i32
    %mul3A_2 = arith.muli %add3A, %mul3A_1 : i32
    "tpu.region"() ({
      %run_scoped3A = tpu.sem_alloc : memref<!tpu.dma_semaphore, #tpu.memory_space<semaphore_mem>>
      %dma_start3A_116 = arith.constant 0 : i32
      %dma_start3A_117 = tpu.memref_slice %arg3[%mul3A_2, %dma_start3A_116] : memref<1280x128xi32, #tpu.memory_space<hbm>> -> memref<40x128xi32, #tpu.memory_space<hbm>>
      %dma_start3A_118 = arith.constant 0 : i32
      %dma_start3A_119 = tpu.memref_slice %arg3[%mul3A_2, %dma_start3A_118] : memref<1280x128xi32, #tpu.memory_space<hbm>> -> memref<40x128xi32, #tpu.memory_space<hbm>>
      tpu.enqueue_dma source(%dma_start3A_119 : memref<40x128xi32, #tpu.memory_space<hbm>>) target(%arg7 : memref<40x128xi32, #tpu.memory_space<vmem>>) target_semaphore(%run_scoped3A : memref<!tpu.dma_semaphore, #tpu.memory_space<semaphore_mem>>)
      %dma_wait3A_120 = arith.constant 0 : i32
      %dma_wait3A_121 = tpu.memref_slice %arg3[%mul3A_2, %dma_wait3A_120] : memref<1280x128xi32, #tpu.memory_space<hbm>> -> memref<40x128xi32, #tpu.memory_space<hbm>>
      %dma_wait3A_122 = arith.constant 0 : i32
      %dma_wait3A_123 = tpu.memref_slice %arg3[%mul3A_2, %dma_wait3A_122] : memref<1280x128xi32, #tpu.memory_space<hbm>> -> memref<40x128xi32, #tpu.memory_space<hbm>>
      tpu.wait_dma2 semaphore(%run_scoped3A : memref<!tpu.dma_semaphore, #tpu.memory_space<semaphore_mem>>) src(%dma_wait3A_123 : memref<40x128xi32, #tpu.memory_space<hbm>>) dst(%arg7 : memref<40x128xi32, #tpu.memory_space<vmem>>)
      tpu.yield
    }) : () -> ()
    %mul3A_3 = arith.constant 40 : i32
    %mul3A_4 = arith.muli %add3A, %mul3A_3 : i32
    "tpu.region"() ({
      %run_scoped3A = tpu.sem_alloc : memref<!tpu.dma_semaphore, #tpu.memory_space<semaphore_mem>>
      %dma_start3A_116 = arith.constant 0 : i32
      %dma_start3A_117 = tpu.memref_slice %arg4[%mul3A_4, %dma_start3A_116] : memref<1280x128xi32, #tpu.memory_space<hbm>> -> memref<40x128xi32, #tpu.memory_space<hbm>>
      %dma_start3A_118 = arith.constant 0 : i32
      %dma_start3A_119 = tpu.memref_slice %arg4[%mul3A_4, %dma_start3A_118] : memref<1280x128xi32, #tpu.memory_space<hbm>> -> memref<40x128xi32, #tpu.memory_space<hbm>>
      tpu.enqueue_dma source(%dma_start3A_119 : memref<40x128xi32, #tpu.memory_space<hbm>>) target(%arg8 : memref<40x128xi32, #tpu.memory_space<vmem>>) target_semaphore(%run_scoped3A : memref<!tpu.dma_semaphore, #tpu.memory_space<semaphore_mem>>)
      %dma_wait3A_120 = arith.constant 0 : i32
      %dma_wait3A_121 = tpu.memref_slice %arg4[%mul3A_4, %dma_wait3A_120] : memref<1280x128xi32, #tpu.memory_space<hbm>> -> memref<40x128xi32, #tpu.memory_space<hbm>>
      %dma_wait3A_122 = arith.constant 0 : i32
      %dma_wait3A_123 = tpu.memref_slice %arg4[%mul3A_4, %dma_wait3A_122] : memref<1280x128xi32, #tpu.memory_space<hbm>> -> memref<40x128xi32, #tpu.memory_space<hbm>>
      tpu.wait_dma2 semaphore(%run_scoped3A : memref<!tpu.dma_semaphore, #tpu.memory_space<semaphore_mem>>) src(%dma_wait3A_123 : memref<40x128xi32, #tpu.memory_space<hbm>>) dst(%arg8 : memref<40x128xi32, #tpu.memory_space<vmem>>)
      tpu.yield
    }) : () -> ()
    %mul3A_5 = arith.constant 640 : i32
    %mul3A_6 = arith.muli %arg1, %mul3A_5 : i32
    %mul3A_7 = arith.constant 640 : i32
    %mul3A_8 = arith.muli %arg1, %mul3A_7 : i32
    "tpu.region"() ({
      %run_scoped3A = tpu.sem_alloc : memref<!tpu.dma_semaphore, #tpu.memory_space<semaphore_mem>>
      %dma_start3A_116 = arith.constant 0 : i32
      %dma_start3A_117 = tpu.memref_slice %arg14[%mul3A_8, %dma_start3A_116] : memref<10240x64xf32, #tpu.memory_space<vmem_shared>> -> memref<640x64xf32, #tpu.memory_space<vmem_shared>>
      %dma_start3A_118 = arith.constant 0 : i32
      %dma_start3A_119 = tpu.memref_slice %arg2[%mul3A_6, %dma_start3A_118] : memref<10240x64xf32, #tpu.memory_space<hbm>> -> memref<640x64xf32, #tpu.memory_space<hbm>>
      tpu.enqueue_dma source(%dma_start3A_119 : memref<640x64xf32, #tpu.memory_space<hbm>>) target(%dma_start3A_117 : memref<640x64xf32, #tpu.memory_space<vmem_shared>>) target_semaphore(%run_scoped3A : memref<!tpu.dma_semaphore, #tpu.memory_space<semaphore_mem>>)
      %dma_wait3A_120 = arith.constant 0 : i32
      %dma_wait3A_121 = tpu.memref_slice %arg14[%mul3A_8, %dma_wait3A_120] : memref<10240x64xf32, #tpu.memory_space<vmem_shared>> -> memref<640x64xf32, #tpu.memory_space<vmem_shared>>
      %dma_wait3A_122 = arith.constant 0 : i32
      %dma_wait3A_123 = tpu.memref_slice %arg2[%mul3A_6, %dma_wait3A_122] : memref<10240x64xf32, #tpu.memory_space<hbm>> -> memref<640x64xf32, #tpu.memory_space<hbm>>
      tpu.wait_dma2 semaphore(%run_scoped3A : memref<!tpu.dma_semaphore, #tpu.memory_space<semaphore_mem>>) src(%dma_wait3A_123 : memref<640x64xf32, #tpu.memory_space<hbm>>) dst(%dma_wait3A_121 : memref<640x64xf32, #tpu.memory_space<vmem_shared>>)
      tpu.yield
    }) : () -> ()
    %broadcast_in_dim3A = arith.constant 0.000000e+00 : f32
    %broadcast_in_dim3A_9 = vector.broadcast %broadcast_in_dim3A : f32 to vector<16xf32>
    %scan3A = arith.constant 0 : i32
    %scan3A_10 = arith.constant 0 : i32
    %scan3A_11 = arith.constant 64 : i32
    %scan3A_12 = arith.addi %scan3A_10, %scan3A_11 : i32
    %scan3A_13 = arith.constant 1 : i32
    scf.for %scan3A_116 = %scan3A_10 to %scan3A_12 step %scan3A_13  : i32 {
      %swap3A = arith.index_cast %scan3A_116 : i32 to index
      %swap3A_117 = arith.constant 0 : index
      %swap3A_118 = tpu.vector_load %arg13[%swap3A, %swap3A_117] {strides = array<i32>} : memref<64x64xf32, #tpu.memory_space<vmem>>, vector<1x16xf32>,
      %swap3A_119 = vector.shape_cast %swap3A_118 : vector<1x16xf32> to vector<16xf32>
      %swap3A_120 = vector.shape_cast %broadcast_in_dim3A_9 : vector<16xf32> to vector<1x16xf32>
      tpu.vector_store %arg13[%swap3A, %swap3A_117], %swap3A_120 {strides = array<i32>} : memref<64x64xf32, #tpu.memory_space<vmem>>, vector<1x16xf32>,
      %swap3A_121 = arith.index_cast %scan3A_116 : i32 to index
      %swap3A_122 = arith.constant 16 : index
      %swap3A_123 = tpu.vector_load %arg13[%swap3A_121, %swap3A_122] {strides = array<i32>} : memref<64x64xf32, #tpu.memory_space<vmem>>, vector<1x16xf32>,
      %swap3A_124 = vector.shape_cast %swap3A_123 : vector<1x16xf32> to vector<16xf32>
      %swap3A_125 = vector.shape_cast %broadcast_in_dim3A_9 : vector<16xf32> to vector<1x16xf32>
      tpu.vector_store %arg13[%swap3A_121, %swap3A_122], %swap3A_125 {strides = array<i32>} : memref<64x64xf32, #tpu.memory_space<vmem>>, vector<1x16xf32>,
      %swap3A_126 = arith.index_cast %scan3A_116 : i32 to index
      %swap3A_127 = arith.constant 32 : index
      %swap3A_128 = tpu.vector_load %arg13[%swap3A_126, %swap3A_127] {strides = array<i32>} : memref<64x64xf32, #tpu.memory_space<vmem>>, vector<1x16xf32>,
      %swap3A_129 = vector.shape_cast %swap3A_128 : vector<1x16xf32> to vector<16xf32>
      %swap3A_130 = vector.shape_cast %broadcast_in_dim3A_9 : vector<16xf32> to vector<1x16xf32>
      tpu.vector_store %arg13[%swap3A_126, %swap3A_127], %swap3A_130 {strides = array<i32>} : memref<64x64xf32, #tpu.memory_space<vmem>>, vector<1x16xf32>,
      %swap3A_131 = arith.index_cast %scan3A_116 : i32 to index
      %swap3A_132 = arith.constant 48 : index
      %swap3A_133 = tpu.vector_load %arg13[%swap3A_131, %swap3A_132] {strides = array<i32>} : memref<64x64xf32, #tpu.memory_space<vmem>>, vector<1x16xf32>,
      %swap3A_134 = vector.shape_cast %swap3A_133 : vector<1x16xf32> to vector<16xf32>
      %swap3A_135 = vector.shape_cast %broadcast_in_dim3A_9 : vector<16xf32> to vector<1x16xf32>
      tpu.vector_store %arg13[%swap3A_131, %swap3A_132], %swap3A_135 {strides = array<i32>} : memref<64x64xf32, #tpu.memory_space<vmem>>, vector<1x16xf32>,
    }
    %scan3A_14 = arith.constant 64 : i32
    %mul3A_15 = arith.constant 640 : i32
    %mul3A_16 = arith.muli %arg1, %mul3A_15 : i32
    %add3A_17 = arith.constant 0 : i32
    %add3A_18 = arith.addi %mul3A_16, %add3A_17 : i32
    "tpu.region"() ({
      %run_scoped3A = tpu.sem_alloc : memref<!tpu.dma_semaphore, #tpu.memory_space<semaphore_mem>>
      %dma_start3A_116 = arith.constant 0 : i32
      %dma_start3A_117 = tpu.memref_slice %arg15[%add3A_18, %dma_start3A_116] : memref<10240x64xf32, #tpu.memory_space<vmem_shared>> -> memref<64x64xf32, #tpu.memory_space<vmem_shared>>
      %dma_start3A_118 = arith.constant 0 : i32
      %dma_start3A_119 = tpu.memref_slice %arg15[%add3A_18, %dma_start3A_118] : memref<10240x64xf32, #tpu.memory_space<vmem_shared>> -> memref<64x64xf32, #tpu.memory_space<vmem_shared>>
      tpu.enqueue_dma source(%arg13 : memref<64x64xf32, #tpu.memory_space<vmem>>) target(%dma_start3A_119 : memref<64x64xf32, #tpu.memory_space<vmem_shared>>) target_semaphore(%run_scoped3A : memref<!tpu.dma_semaphore, #tpu.memory_space<semaphore_mem>>)
      %dma_wait3A_120 = arith.constant 0 : i32
      %dma_wait3A_121 = tpu.memref_slice %arg15[%add3A_18, %dma_wait3A_120] : memref<10240x64xf32, #tpu.memory_space<vmem_shared>> -> memref<64x64xf32, #tpu.memory_space<vmem_shared>>
      %dma_wait3A_122 = arith.constant 0 : i32
      %dma_wait3A_123 = tpu.memref_slice %arg15[%add3A_18, %dma_wait3A_122] : memref<10240x64xf32, #tpu.memory_space<vmem_shared>> -> memref<64x64xf32, #tpu.memory_space<vmem_shared>>
      tpu.wait_dma2 semaphore(%run_scoped3A : memref<!tpu.dma_semaphore, #tpu.memory_space<semaphore_mem>>) src(%arg13 : memref<64x64xf32, #tpu.memory_space<vmem>>) dst(%dma_wait3A_123 : memref<64x64xf32, #tpu.memory_space<vmem_shared>>)
      tpu.yield
    }) : () -> ()
    %mul3A_19 = arith.constant 640 : i32
    %mul3A_20 = arith.muli %arg1, %mul3A_19 : i32
    %add3A_21 = arith.constant 64 : i32
    %add3A_22 = arith.addi %mul3A_20, %add3A_21 : i32
    "tpu.region"() ({
      %run_scoped3A = tpu.sem_alloc : memref<!tpu.dma_semaphore, #tpu.memory_space<semaphore_mem>>
      %dma_start3A_116 = arith.constant 0 : i32
      %dma_start3A_117 = tpu.memref_slice %arg15[%add3A_22, %dma_start3A_116] : memref<10240x64xf32, #tpu.memory_space<vmem_shared>> -> memref<64x64xf32, #tpu.memory_space<vmem_shared>>
      %dma_start3A_118 = arith.constant 0 : i32
      %dma_start3A_119 = tpu.memref_slice %arg15[%add3A_22, %dma_start3A_118] : memref<10240x64xf32, #tpu.memory_space<vmem_shared>> -> memref<64x64xf32, #tpu.memory_space<vmem_shared>>
      tpu.enqueue_dma source(%arg13 : memref<64x64xf32, #tpu.memory_space<vmem>>) target(%dma_start3A_119 : memref<64x64xf32, #tpu.memory_space<vmem_shared>>) target_semaphore(%run_scoped3A : memref<!tpu.dma_semaphore, #tpu.memory_space<semaphore_mem>>)
      %dma_wait3A_120 = arith.constant 0 : i32
      %dma_wait3A_121 = tpu.memref_slice %arg15[%add3A_22, %dma_wait3A_120] : memref<10240x64xf32, #tpu.memory_space<vmem_shared>> -> memref<64x64xf32, #tpu.memory_space<vmem_shared>>
      %dma_wait3A_122 = arith.constant 0 : i32
      %dma_wait3A_123 = tpu.memref_slice %arg15[%add3A_22, %dma_wait3A_122] : memref<10240x64xf32, #tpu.memory_space<vmem_shared>> -> memref<64x64xf32, #tpu.memory_space<vmem_shared>>
      tpu.wait_dma2 semaphore(%run_scoped3A : memref<!tpu.dma_semaphore, #tpu.memory_space<semaphore_mem>>) src(%arg13 : memref<64x64xf32, #tpu.memory_space<vmem>>) dst(%dma_wait3A_123 : memref<64x64xf32, #tpu.memory_space<vmem_shared>>)
      tpu.yield
    }) : () -> ()
    %mul3A_23 = arith.constant 640 : i32
    %mul3A_24 = arith.muli %arg1, %mul3A_23 : i32
    %add3A_25 = arith.constant 128 : i32
    %add3A_26 = arith.addi %mul3A_24, %add3A_25 : i32
    "tpu.region"() ({
      %run_scoped3A = tpu.sem_alloc : memref<!tpu.dma_semaphore, #tpu.memory_space<semaphore_mem>>
      %dma_start3A_116 = arith.constant 0 : i32
      %dma_start3A_117 = tpu.memref_slice %arg15[%add3A_26, %dma_start3A_116] : memref<10240x64xf32, #tpu.memory_space<vmem_shared>> -> memref<64x64xf32, #tpu.memory_space<vmem_shared>>
      %dma_start3A_118 = arith.constant 0 : i32
      %dma_start3A_119 = tpu.memref_slice %arg15[%add3A_26, %dma_start3A_118] : memref<10240x64xf32, #tpu.memory_space<vmem_shared>> -> memref<64x64xf32, #tpu.memory_space<vmem_shared>>
      tpu.enqueue_dma source(%arg13 : memref<64x64xf32, #tpu.memory_space<vmem>>) target(%dma_start3A_119 : memref<64x64xf32, #tpu.memory_space<vmem_shared>>) target_semaphore(%run_scoped3A : memref<!tpu.dma_semaphore, #tpu.memory_space<semaphore_mem>>)
      %dma_wait3A_120 = arith.constant 0 : i32
      %dma_wait3A_121 = tpu.memref_slice %arg15[%add3A_26, %dma_wait3A_120] : memref<10240x64xf32, #tpu.memory_space<vmem_shared>> -> memref<64x64xf32, #tpu.memory_space<vmem_shared>>
      %dma_wait3A_122 = arith.constant 0 : i32
      %dma_wait3A_123 = tpu.memref_slice %arg15[%add3A_26, %dma_wait3A_122] : memref<10240x64xf32, #tpu.memory_space<vmem_shared>> -> memref<64x64xf32, #tpu.memory_space<vmem_shared>>
      tpu.wait_dma2 semaphore(%run_scoped3A : memref<!tpu.dma_semaphore, #tpu.memory_space<semaphore_mem>>) src(%arg13 : memref<64x64xf32, #tpu.memory_space<vmem>>) dst(%dma_wait3A_123 : memref<64x64xf32, #tpu.memory_space<vmem_shared>>)
      tpu.yield
    }) : () -> ()
    %mul3A_27 = arith.constant 640 : i32
    %mul3A_28 = arith.muli %arg1, %mul3A_27 : i32
    %add3A_29 = arith.constant 192 : i32
    %add3A_30 = arith.addi %mul3A_28, %add3A_29 : i32
    "tpu.region"() ({
      %run_scoped3A = tpu.sem_alloc : memref<!tpu.dma_semaphore, #tpu.memory_space<semaphore_mem>>
      %dma_start3A_116 = arith.constant 0 : i32
      %dma_start3A_117 = tpu.memref_slice %arg15[%add3A_30, %dma_start3A_116] : memref<10240x64xf32, #tpu.memory_space<vmem_shared>> -> memref<64x64xf32, #tpu.memory_space<vmem_shared>>
      %dma_start3A_118 = arith.constant 0 : i32
      %dma_start3A_119 = tpu.memref_slice %arg15[%add3A_30, %dma_start3A_118] : memref<10240x64xf32, #tpu.memory_space<vmem_shared>> -> memref<64x64xf32, #tpu.memory_space<vmem_shared>>
      tpu.enqueue_dma source(%arg13 : memref<64x64xf32, #tpu.memory_space<vmem>>) target(%dma_start3A_119 : memref<64x64xf32, #tpu.memory_space<vmem_shared>>) target_semaphore(%run_scoped3A : memref<!tpu.dma_semaphore, #tpu.memory_space<semaphore_mem>>)
      %dma_wait3A_120 = arith.constant 0 : i32
      %dma_wait3A_121 = tpu.memref_slice %arg15[%add3A_30, %dma_wait3A_120] : memref<10240x64xf32, #tpu.memory_space<vmem_shared>> -> memref<64x64xf32, #tpu.memory_space<vmem_shared>>
      %dma_wait3A_122 = arith.constant 0 : i32
      %dma_wait3A_123 = tpu.memref_slice %arg15[%add3A_30, %dma_wait3A_122] : memref<10240x64xf32, #tpu.memory_space<vmem_shared>> -> memref<64x64xf32, #tpu.memory_space<vmem_shared>>
      tpu.wait_dma2 semaphore(%run_scoped3A : memref<!tpu.dma_semaphore, #tpu.memory_space<semaphore_mem>>) src(%arg13 : memref<64x64xf32, #tpu.memory_space<vmem>>) dst(%dma_wait3A_123 : memref<64x64xf32, #tpu.memory_space<vmem_shared>>)
      tpu.yield
    }) : () -> ()
    %mul3A_31 = arith.constant 640 : i32
    %mul3A_32 = arith.muli %arg1, %mul3A_31 : i32
    %add3A_33 = arith.constant 256 : i32
    %add3A_34 = arith.addi %mul3A_32, %add3A_33 : i32
    "tpu.region"() ({
      %run_scoped3A = tpu.sem_alloc : memref<!tpu.dma_semaphore, #tpu.memory_space<semaphore_mem>>
      %dma_start3A_116 = arith.constant 0 : i32
      %dma_start3A_117 = tpu.memref_slice %arg15[%add3A_34, %dma_start3A_116] : memref<10240x64xf32, #tpu.memory_space<vmem_shared>> -> memref<64x64xf32, #tpu.memory_space<vmem_shared>>
      %dma_start3A_118 = arith.constant 0 : i32
      %dma_start3A_119 = tpu.memref_slice %arg15[%add3A_34, %dma_start3A_118] : memref<10240x64xf32, #tpu.memory_space<vmem_shared>> -> memref<64x64xf32, #tpu.memory_space<vmem_shared>>
      tpu.enqueue_dma source(%arg13 : memref<64x64xf32, #tpu.memory_space<vmem>>) target(%dma_start3A_119 : memref<64x64xf32, #tpu.memory_space<vmem_shared>>) target_semaphore(%run_scoped3A : memref<!tpu.dma_semaphore, #tpu.memory_space<semaphore_mem>>)
      %dma_wait3A_120 = arith.constant 0 : i32
      %dma_wait3A_121 = tpu.memref_slice %arg15[%add3A_34, %dma_wait3A_120] : memref<10240x64xf32, #tpu.memory_space<vmem_shared>> -> memref<64x64xf32, #tpu.memory_space<vmem_shared>>
      %dma_wait3A_122 = arith.constant 0 : i32
      %dma_wait3A_123 = tpu.memref_slice %arg15[%add3A_34, %dma_wait3A_122] : memref<10240x64xf32, #tpu.memory_space<vmem_shared>> -> memref<64x64xf32, #tpu.memory_space<vmem_shared>>
      tpu.wait_dma2 semaphore(%run_scoped3A : memref<!tpu.dma_semaphore, #tpu.memory_space<semaphore_mem>>) src(%arg13 : memref<64x64xf32, #tpu.memory_space<vmem>>) dst(%dma_wait3A_123 : memref<64x64xf32, #tpu.memory_space<vmem_shared>>)
      tpu.yield
    }) : () -> ()
    %mul3A_35 = arith.constant 640 : i32
    %mul3A_36 = arith.muli %arg1, %mul3A_35 : i32
    %add3A_37 = arith.constant 320 : i32
    %add3A_38 = arith.addi %mul3A_36, %add3A_37 : i32
    "tpu.region"() ({
      %run_scoped3A = tpu.sem_alloc : memref<!tpu.dma_semaphore, #tpu.memory_space<semaphore_mem>>
      %dma_start3A_116 = arith.constant 0 : i32
      %dma_start3A_117 = tpu.memref_slice %arg15[%add3A_38, %dma_start3A_116] : memref<10240x64xf32, #tpu.memory_space<vmem_shared>> -> memref<64x64xf32, #tpu.memory_space<vmem_shared>>
      %dma_start3A_118 = arith.constant 0 : i32
      %dma_start3A_119 = tpu.memref_slice %arg15[%add3A_38, %dma_start3A_118] : memref<10240x64xf32, #tpu.memory_space<vmem_shared>> -> memref<64x64xf32, #tpu.memory_space<vmem_shared>>
      tpu.enqueue_dma source(%arg13 : memref<64x64xf32, #tpu.memory_space<vmem>>) target(%dma_start3A_119 : memref<64x64xf32, #tpu.memory_space<vmem_shared>>) target_semaphore(%run_scoped3A : memref<!tpu.dma_semaphore, #tpu.memory_space<semaphore_mem>>)
      %dma_wait3A_120 = arith.constant 0 : i32
      %dma_wait3A_121 = tpu.memref_slice %arg15[%add3A_38, %dma_wait3A_120] : memref<10240x64xf32, #tpu.memory_space<vmem_shared>> -> memref<64x64xf32, #tpu.memory_space<vmem_shared>>
      %dma_wait3A_122 = arith.constant 0 : i32
      %dma_wait3A_123 = tpu.memref_slice %arg15[%add3A_38, %dma_wait3A_122] : memref<10240x64xf32, #tpu.memory_space<vmem_shared>> -> memref<64x64xf32, #tpu.memory_space<vmem_shared>>
      tpu.wait_dma2 semaphore(%run_scoped3A : memref<!tpu.dma_semaphore, #tpu.memory_space<semaphore_mem>>) src(%arg13 : memref<64x64xf32, #tpu.memory_space<vmem>>) dst(%dma_wait3A_123 : memref<64x64xf32, #tpu.memory_space<vmem_shared>>)
      tpu.yield
    }) : () -> ()
    %mul3A_39 = arith.constant 640 : i32
    %mul3A_40 = arith.muli %arg1, %mul3A_39 : i32
    %add3A_41 = arith.constant 384 : i32
    %add3A_42 = arith.addi %mul3A_40, %add3A_41 : i32
    "tpu.region"() ({
      %run_scoped3A = tpu.sem_alloc : memref<!tpu.dma_semaphore, #tpu.memory_space<semaphore_mem>>
      %dma_start3A_116 = arith.constant 0 : i32
      %dma_start3A_117 = tpu.memref_slice %arg15[%add3A_42, %dma_start3A_116] : memref<10240x64xf32, #tpu.memory_space<vmem_shared>> -> memref<64x64xf32, #tpu.memory_space<vmem_shared>>
      %dma_start3A_118 = arith.constant 0 : i32
      %dma_start3A_119 = tpu.memref_slice %arg15[%add3A_42, %dma_start3A_118] : memref<10240x64xf32, #tpu.memory_space<vmem_shared>> -> memref<64x64xf32, #tpu.memory_space<vmem_shared>>
      tpu.enqueue_dma source(%arg13 : memref<64x64xf32, #tpu.memory_space<vmem>>) target(%dma_start3A_119 : memref<64x64xf32, #tpu.memory_space<vmem_shared>>) target_semaphore(%run_scoped3A : memref<!tpu.dma_semaphore, #tpu.memory_space<semaphore_mem>>)
      %dma_wait3A_120 = arith.constant 0 : i32
      %dma_wait3A_121 = tpu.memref_slice %arg15[%add3A_42, %dma_wait3A_120] : memref<10240x64xf32, #tpu.memory_space<vmem_shared>> -> memref<64x64xf32, #tpu.memory_space<vmem_shared>>
      %dma_wait3A_122 = arith.constant 0 : i32
      %dma_wait3A_123 = tpu.memref_slice %arg15[%add3A_42, %dma_wait3A_122] : memref<10240x64xf32, #tpu.memory_space<vmem_shared>> -> memref<64x64xf32, #tpu.memory_space<vmem_shared>>
      tpu.wait_dma2 semaphore(%run_scoped3A : memref<!tpu.dma_semaphore, #tpu.memory_space<semaphore_mem>>) src(%arg13 : memref<64x64xf32, #tpu.memory_space<vmem>>) dst(%dma_wait3A_123 : memref<64x64xf32, #tpu.memory_space<vmem_shared>>)
      tpu.yield
    }) : () -> ()
    %mul3A_43 = arith.constant 640 : i32
    %mul3A_44 = arith.muli %arg1, %mul3A_43 : i32
    %add3A_45 = arith.constant 448 : i32
    %add3A_46 = arith.addi %mul3A_44, %add3A_45 : i32
    "tpu.region"() ({
      %run_scoped3A = tpu.sem_alloc : memref<!tpu.dma_semaphore, #tpu.memory_space<semaphore_mem>>
      %dma_start3A_116 = arith.constant 0 : i32
      %dma_start3A_117 = tpu.memref_slice %arg15[%add3A_46, %dma_start3A_116] : memref<10240x64xf32, #tpu.memory_space<vmem_shared>> -> memref<64x64xf32, #tpu.memory_space<vmem_shared>>
      %dma_start3A_118 = arith.constant 0 : i32
      %dma_start3A_119 = tpu.memref_slice %arg15[%add3A_46, %dma_start3A_118] : memref<10240x64xf32, #tpu.memory_space<vmem_shared>> -> memref<64x64xf32, #tpu.memory_space<vmem_shared>>
      tpu.enqueue_dma source(%arg13 : memref<64x64xf32, #tpu.memory_space<vmem>>) target(%dma_start3A_119 : memref<64x64xf32, #tpu.memory_space<vmem_shared>>) target_semaphore(%run_scoped3A : memref<!tpu.dma_semaphore, #tpu.memory_space<semaphore_mem>>)
      %dma_wait3A_120 = arith.constant 0 : i32
      %dma_wait3A_121 = tpu.memref_slice %arg15[%add3A_46, %dma_wait3A_120] : memref<10240x64xf32, #tpu.memory_space<vmem_shared>> -> memref<64x64xf32, #tpu.memory_space<vmem_shared>>
      %dma_wait3A_122 = arith.constant 0 : i32
      %dma_wait3A_123 = tpu.memref_slice %arg15[%add3A_46, %dma_wait3A_122] : memref<10240x64xf32, #tpu.memory_space<vmem_shared>> -> memref<64x64xf32, #tpu.memory_space<vmem_shared>>
      tpu.wait_dma2 semaphore(%run_scoped3A : memref<!tpu.dma_semaphore, #tpu.memory_space<semaphore_mem>>) src(%arg13 : memref<64x64xf32, #tpu.memory_space<vmem>>) dst(%dma_wait3A_123 : memref<64x64xf32, #tpu.memory_space<vmem_shared>>)
      tpu.yield
    }) : () -> ()
    %mul3A_47 = arith.constant 640 : i32
    %mul3A_48 = arith.muli %arg1, %mul3A_47 : i32
    %add3A_49 = arith.constant 512 : i32
    %add3A_50 = arith.addi %mul3A_48, %add3A_49 : i32
    "tpu.region"() ({
      %run_scoped3A = tpu.sem_alloc : memref<!tpu.dma_semaphore, #tpu.memory_space<semaphore_mem>>
      %dma_start3A_116 = arith.constant 0 : i32
      %dma_start3A_117 = tpu.memref_slice %arg15[%add3A_50, %dma_start3A_116] : memref<10240x64xf32, #tpu.memory_space<vmem_shared>> -> memref<64x64xf32, #tpu.memory_space<vmem_shared>>
      %dma_start3A_118 = arith.constant 0 : i32
      %dma_start3A_119 = tpu.memref_slice %arg15[%add3A_50, %dma_start3A_118] : memref<10240x64xf32, #tpu.memory_space<vmem_shared>> -> memref<64x64xf32, #tpu.memory_space<vmem_shared>>
      tpu.enqueue_dma source(%arg13 : memref<64x64xf32, #tpu.memory_space<vmem>>) target(%dma_start3A_119 : memref<64x64xf32, #tpu.memory_space<vmem_shared>>) target_semaphore(%run_scoped3A : memref<!tpu.dma_semaphore, #tpu.memory_space<semaphore_mem>>)
      %dma_wait3A_120 = arith.constant 0 : i32
      %dma_wait3A_121 = tpu.memref_slice %arg15[%add3A_50, %dma_wait3A_120] : memref<10240x64xf32, #tpu.memory_space<vmem_shared>> -> memref<64x64xf32, #tpu.memory_space<vmem_shared>>
      %dma_wait3A_122 = arith.constant 0 : i32
      %dma_wait3A_123 = tpu.memref_slice %arg15[%add3A_50, %dma_wait3A_122] : memref<10240x64xf32, #tpu.memory_space<vmem_shared>> -> memref<64x64xf32, #tpu.memory_space<vmem_shared>>
      tpu.wait_dma2 semaphore(%run_scoped3A : memref<!tpu.dma_semaphore, #tpu.memory_space<semaphore_mem>>) src(%arg13 : memref<64x64xf32, #tpu.memory_space<vmem>>) dst(%dma_wait3A_123 : memref<64x64xf32, #tpu.memory_space<vmem_shared>>)
      tpu.yield
    }) : () -> ()
    %mul3A_51 = arith.constant 640 : i32
    %mul3A_52 = arith.muli %arg1, %mul3A_51 : i32
    %add3A_53 = arith.constant 576 : i32
    %add3A_54 = arith.addi %mul3A_52, %add3A_53 : i32
    "tpu.region"() ({
      %run_scoped3A = tpu.sem_alloc : memref<!tpu.dma_semaphore, #tpu.memory_space<semaphore_mem>>
      %dma_start3A_116 = arith.constant 0 : i32
      %dma_start3A_117 = tpu.memref_slice %arg15[%add3A_54, %dma_start3A_116] : memref<10240x64xf32, #tpu.memory_space<vmem_shared>> -> memref<64x64xf32, #tpu.memory_space<vmem_shared>>
      %dma_start3A_118 = arith.constant 0 : i32
      %dma_start3A_119 = tpu.memref_slice %arg15[%add3A_54, %dma_start3A_118] : memref<10240x64xf32, #tpu.memory_space<vmem_shared>> -> memref<64x64xf32, #tpu.memory_space<vmem_shared>>
      tpu.enqueue_dma source(%arg13 : memref<64x64xf32, #tpu.memory_space<vmem>>) target(%dma_start3A_119 : memref<64x64xf32, #tpu.memory_space<vmem_shared>>) target_semaphore(%run_scoped3A : memref<!tpu.dma_semaphore, #tpu.memory_space<semaphore_mem>>)
      %dma_wait3A_120 = arith.constant 0 : i32
      %dma_wait3A_121 = tpu.memref_slice %arg15[%add3A_54, %dma_wait3A_120] : memref<10240x64xf32, #tpu.memory_space<vmem_shared>> -> memref<64x64xf32, #tpu.memory_space<vmem_shared>>
      %dma_wait3A_122 = arith.constant 0 : i32
      %dma_wait3A_123 = tpu.memref_slice %arg15[%add3A_54, %dma_wait3A_122] : memref<10240x64xf32, #tpu.memory_space<vmem_shared>> -> memref<64x64xf32, #tpu.memory_space<vmem_shared>>
      tpu.wait_dma2 semaphore(%run_scoped3A : memref<!tpu.dma_semaphore, #tpu.memory_space<semaphore_mem>>) src(%arg13 : memref<64x64xf32, #tpu.memory_space<vmem>>) dst(%dma_wait3A_123 : memref<64x64xf32, #tpu.memory_space<vmem_shared>>)
      tpu.yield
    }) : () -> ()
    %barrier3A = arith.constant 0 : index
    tpu.barrier barrier_id(%barrier3A)
    %dma_start3A = arith.constant 0 : i32
    %dma_start3A_55 = arith.constant 0 : i32
    %dma_start3A_56 = tpu.memref_slice %arg7[%dma_start3A, %dma_start3A_55] : memref<40x128xi32, #tpu.memory_space<vmem>> -> memref<1x128xi32, #tpu.memory_space<vmem>>
    %dma_start3A_57 = tpu.memref_squeeze %dma_start3A_56 : memref<1x128xi32, #tpu.memory_space<vmem>> -> memref<128xi32, #tpu.memory_space<vmem>>
    %dma_start3A_58 = arith.constant 0 : i32
    %dma_start3A_59 = arith.constant 0 : i32
    %dma_start3A_60 = tpu.memref_slice %arg14[%dma_start3A_58, %dma_start3A_59] : memref<10240x64xf32, #tpu.memory_space<vmem_shared>> -> memref<10240x64xf32, #tpu.memory_space<vmem_shared>>
    tpu.enqueue_indirect_dma source(%dma_start3A_60 : memref<10240x64xf32, #tpu.memory_space<vmem_shared>>) target(%arg9 : memref<128x64xf32, #tpu.memory_space<vmem>>) offsets(%dma_start3A_57 : memref<128xi32, #tpu.memory_space<vmem>>) semaphore(%arg16 : memref<!tpu.dma_semaphore, #tpu.memory_space<semaphore_mem>>)
    %dma_start3A_61 = arith.constant 1 : i32
    %dma_start3A_62 = arith.constant 0 : i32
    %dma_start3A_63 = tpu.memref_slice %arg7[%dma_start3A_61, %dma_start3A_62] : memref<40x128xi32, #tpu.memory_space<vmem>> -> memref<1x128xi32, #tpu.memory_space<vmem>>
    %dma_start3A_64 = tpu.memref_squeeze %dma_start3A_63 : memref<1x128xi32, #tpu.memory_space<vmem>> -> memref<128xi32, #tpu.memory_space<vmem>>
    %dma_start3A_65 = arith.constant 0 : i32
    %dma_start3A_66 = arith.constant 0 : i32
    %dma_start3A_67 = tpu.memref_slice %arg14[%dma_start3A_65, %dma_start3A_66] : memref<10240x64xf32, #tpu.memory_space<vmem_shared>> -> memref<10240x64xf32, #tpu.memory_space<vmem_shared>>
    tpu.enqueue_indirect_dma source(%dma_start3A_67 : memref<10240x64xf32, #tpu.memory_space<vmem_shared>>) target(%arg10 : memref<128x64xf32, #tpu.memory_space<vmem>>) offsets(%dma_start3A_64 : memref<128xi32, #tpu.memory_space<vmem>>) semaphore(%arg17 : memref<!tpu.dma_semaphore, #tpu.memory_space<semaphore_mem>>)
    %dma_start3A_68 = arith.constant 2 : i32
    %dma_start3A_69 = arith.constant 0 : i32
    %dma_start3A_70 = tpu.memref_slice %arg7[%dma_start3A_68, %dma_start3A_69] : memref<40x128xi32, #tpu.memory_space<vmem>> -> memref<1x128xi32, #tpu.memory_space<vmem>>
    %dma_start3A_71 = tpu.memref_squeeze %dma_start3A_70 : memref<1x128xi32, #tpu.memory_space<vmem>> -> memref<128xi32, #tpu.memory_space<vmem>>
    %dma_start3A_72 = arith.constant 0 : i32
    %dma_start3A_73 = arith.constant 0 : i32
    %dma_start3A_74 = tpu.memref_slice %arg14[%dma_start3A_72, %dma_start3A_73] : memref<10240x64xf32, #tpu.memory_space<vmem_shared>> -> memref<10240x64xf32, #tpu.memory_space<vmem_shared>>
    tpu.enqueue_indirect_dma source(%dma_start3A_74 : memref<10240x64xf32, #tpu.memory_space<vmem_shared>>) target(%arg11 : memref<128x64xf32, #tpu.memory_space<vmem>>) offsets(%dma_start3A_71 : memref<128xi32, #tpu.memory_space<vmem>>) semaphore(%arg18 : memref<!tpu.dma_semaphore, #tpu.memory_space<semaphore_mem>>)
    %scan3A_75 = arith.constant 0 : i32
    %scan3A_76 = arith.constant 0 : i32
    %scan3A_77 = arith.constant 10 : i32
    %scan3A_78 = arith.addi %scan3A_76, %scan3A_77 : i32
    %scan3A_79 = arith.constant 1 : i32
    scf.for %scan3A_116 = %scan3A_76 to %scan3A_78 step %scan3A_79  : i32 {
      %mul3A_117 = arith.constant 4 : i32
      %mul3A_118 = arith.muli %mul3A_117, %scan3A_116 : i32
      %add3A_119 = arith.constant 0 : i32
      %add3A_120 = arith.addi %mul3A_118, %add3A_119 : i32
      %dma_wait3A_121 = arith.constant 0 : i32
      %dma_wait3A_122 = tpu.memref_slice %arg7[%add3A_120, %dma_wait3A_121] : memref<40x128xi32, #tpu.memory_space<vmem>> -> memref<1x128xi32, #tpu.memory_space<vmem>>
      %dma_wait3A_123 = tpu.memref_squeeze %dma_wait3A_122 : memref<1x128xi32, #tpu.memory_space<vmem>> -> memref<128xi32, #tpu.memory_space<vmem>>
      %dma_wait3A_124 = arith.constant 0 : i32
      %dma_wait3A_125 = arith.constant 0 : i32
      %dma_wait3A_126 = tpu.memref_slice %arg14[%dma_wait3A_124, %dma_wait3A_125] : memref<10240x64xf32, #tpu.memory_space<vmem_shared>> -> memref<10240x64xf32, #tpu.memory_space<vmem_shared>>
      tpu.wait_indirect_dma semaphore(%arg16 : memref<!tpu.dma_semaphore, #tpu.memory_space<semaphore_mem>>) src(%dma_wait3A_126 : memref<10240x64xf32, #tpu.memory_space<vmem_shared>>) dst(%arg9 : memref<128x64xf32, #tpu.memory_space<vmem>>)
      %dma_start3A_127 = arith.constant 0 : i32
      %dma_start3A_128 = tpu.memref_slice %arg8[%add3A_120, %dma_start3A_127] : memref<40x128xi32, #tpu.memory_space<vmem>> -> memref<1x128xi32, #tpu.memory_space<vmem>>
      %dma_start3A_129 = tpu.memref_squeeze %dma_start3A_128 : memref<1x128xi32, #tpu.memory_space<vmem>> -> memref<128xi32, #tpu.memory_space<vmem>>
      %dma_start3A_130 = arith.constant 0 : i32
      %dma_start3A_131 = arith.constant 0 : i32
      %dma_start3A_132 = tpu.memref_slice %arg15[%dma_start3A_130, %dma_start3A_131] : memref<10240x64xf32, #tpu.memory_space<vmem_shared>> -> memref<10240x64xf32, #tpu.memory_space<vmem_shared>>
      tpu.enqueue_indirect_dma source(%arg9 : memref<128x64xf32, #tpu.memory_space<vmem>>) target(%dma_start3A_132 : memref<10240x64xf32, #tpu.memory_space<vmem_shared>>) offsets(%dma_start3A_129 : memref<128xi32, #tpu.memory_space<vmem>>) semaphore(%arg20 : memref<!tpu.dma_semaphore, #tpu.memory_space<semaphore_mem>>) {add = true}
      %add3A_133 = arith.constant 3 : i32
      %add3A_134 = arith.addi %add3A_120, %add3A_133 : i32
      %lt3A = arith.constant 40 : i32
      %lt3A_135 = arith.cmpi slt, %add3A_134, %lt3A : i32
      %convert_element_type3A_136 = arith.extui %lt3A_135 : i1 to i32
      %cond3A_137 = arith.constant 0 : i32
      %cond3A_138 = arith.cmpi ne, %convert_element_type3A_136, %cond3A_137 : i32
      scf.if %cond3A_138 {
        %ge3A = arith.constant 1 : i32
        %ge3A_208 = arith.cmpi sge, %add3A_120, %ge3A : i32
        %convert_element_type3A_209 = arith.extui %ge3A_208 : i1 to i32
        %cond3A_210 = arith.constant 0 : i32
        %cond3A_211 = arith.cmpi ne, %convert_element_type3A_209, %cond3A_210 : i32
        scf.if %cond3A_211 {
          %sub3A = arith.constant 1 : i32
          %sub3A_220 = arith.subi %add3A_120, %sub3A : i32
          %dma_wait3A_221 = arith.constant 0 : i32
          %dma_wait3A_222 = tpu.memref_slice %arg8[%sub3A_220, %dma_wait3A_221] : memref<40x128xi32, #tpu.memory_space<vmem>> -> memref<1x128xi32, #tpu.memory_space<vmem>>
          %dma_wait3A_223 = tpu.memref_squeeze %dma_wait3A_222 : memref<1x128xi32, #tpu.memory_space<vmem>> -> memref<128xi32, #tpu.memory_space<vmem>>
          %dma_wait3A_224 = arith.constant 0 : i32
          %dma_wait3A_225 = arith.constant 0 : i32
          %dma_wait3A_226 = tpu.memref_slice %arg15[%dma_wait3A_224, %dma_wait3A_225] : memref<10240x64xf32, #tpu.memory_space<vmem_shared>> -> memref<10240x64xf32, #tpu.memory_space<vmem_shared>>
          tpu.wait_indirect_dma semaphore(%arg23 : memref<!tpu.dma_semaphore, #tpu.memory_space<semaphore_mem>>) src(%arg12 : memref<128x64xf32, #tpu.memory_space<vmem>>) dst(%dma_wait3A_226 : memref<10240x64xf32, #tpu.memory_space<vmem_shared>>)
        } else {
        }
        %add3A_212 = arith.constant 3 : i32
        %add3A_213 = arith.addi %add3A_120, %add3A_212 : i32
        %dma_start3A_214 = arith.constant 0 : i32
        %dma_start3A_215 = tpu.memref_slice %arg7[%add3A_213, %dma_start3A_214] : memref<40x128xi32, #tpu.memory_space<vmem>> -> memref<1x128xi32, #tpu.memory_space<vmem>>
        %dma_start3A_216 = tpu.memref_squeeze %dma_start3A_215 : memref<1x128xi32, #tpu.memory_space<vmem>> -> memref<128xi32, #tpu.memory_space<vmem>>
        %dma_start3A_217 = arith.constant 0 : i32
        %dma_start3A_218 = arith.constant 0 : i32
        %dma_start3A_219 = tpu.memref_slice %arg14[%dma_start3A_217, %dma_start3A_218] : memref<10240x64xf32, #tpu.memory_space<vmem_shared>> -> memref<10240x64xf32, #tpu.memory_space<vmem_shared>>
        tpu.enqueue_indirect_dma source(%dma_start3A_219 : memref<10240x64xf32, #tpu.memory_space<vmem_shared>>) target(%arg12 : memref<128x64xf32, #tpu.memory_space<vmem>>) offsets(%dma_start3A_216 : memref<128xi32, #tpu.memory_space<vmem>>) semaphore(%arg19 : memref<!tpu.dma_semaphore, #tpu.memory_space<semaphore_mem>>)
      } else {
      }
      %mul3A_139 = arith.constant 4 : i32
      %mul3A_140 = arith.muli %mul3A_139, %scan3A_116 : i32
      %add3A_141 = arith.constant 1 : i32
      %add3A_142 = arith.addi %mul3A_140, %add3A_141 : i32
      %dma_wait3A_143 = arith.constant 0 : i32
      %dma_wait3A_144 = tpu.memref_slice %arg7[%add3A_142, %dma_wait3A_143] : memref<40x128xi32, #tpu.memory_space<vmem>> -> memref<1x128xi32, #tpu.memory_space<vmem>>
      %dma_wait3A_145 = tpu.memref_squeeze %dma_wait3A_144 : memref<1x128xi32, #tpu.memory_space<vmem>> -> memref<128xi32, #tpu.memory_space<vmem>>
      %dma_wait3A_146 = arith.constant 0 : i32
      %dma_wait3A_147 = arith.constant 0 : i32
      %dma_wait3A_148 = tpu.memref_slice %arg14[%dma_wait3A_146, %dma_wait3A_147] : memref<10240x64xf32, #tpu.memory_space<vmem_shared>> -> memref<10240x64xf32, #tpu.memory_space<vmem_shared>>
      tpu.wait_indirect_dma semaphore(%arg17 : memref<!tpu.dma_semaphore, #tpu.memory_space<semaphore_mem>>) src(%dma_wait3A_148 : memref<10240x64xf32, #tpu.memory_space<vmem_shared>>) dst(%arg10 : memref<128x64xf32, #tpu.memory_space<vmem>>)
      %dma_start3A_149 = arith.constant 0 : i32
      %dma_start3A_150 = tpu.memref_slice %arg8[%add3A_142, %dma_start3A_149] : memref<40x128xi32, #tpu.memory_space<vmem>> -> memref<1x128xi32, #tpu.memory_space<vmem>>
      %dma_start3A_151 = tpu.memref_squeeze %dma_start3A_150 : memref<1x128xi32, #tpu.memory_space<vmem>> -> memref<128xi32, #tpu.memory_space<vmem>>
      %dma_start3A_152 = arith.constant 0 : i32
      %dma_start3A_153 = arith.constant 0 : i32
      %dma_start3A_154 = tpu.memref_slice %arg15[%dma_start3A_152, %dma_start3A_153] : memref<10240x64xf32, #tpu.memory_space<vmem_shared>> -> memref<10240x64xf32, #tpu.memory_space<vmem_shared>>
      tpu.enqueue_indirect_dma source(%arg10 : memref<128x64xf32, #tpu.memory_space<vmem>>) target(%dma_start3A_154 : memref<10240x64xf32, #tpu.memory_space<vmem_shared>>) offsets(%dma_start3A_151 : memref<128xi32, #tpu.memory_space<vmem>>) semaphore(%arg21 : memref<!tpu.dma_semaphore, #tpu.memory_space<semaphore_mem>>) {add = true}
      %add3A_155 = arith.constant 3 : i32
      %add3A_156 = arith.addi %add3A_142, %add3A_155 : i32
      %lt3A_157 = arith.constant 40 : i32
      %lt3A_158 = arith.cmpi slt, %add3A_156, %lt3A_157 : i32
      %convert_element_type3A_159 = arith.extui %lt3A_158 : i1 to i32
      %cond3A_160 = arith.constant 0 : i32
      %cond3A_161 = arith.cmpi ne, %convert_element_type3A_159, %cond3A_160 : i32
      scf.if %cond3A_161 {
        %ge3A = arith.constant 1 : i32
        %ge3A_208 = arith.cmpi sge, %add3A_142, %ge3A : i32
        %convert_element_type3A_209 = arith.extui %ge3A_208 : i1 to i32
        %cond3A_210 = arith.constant 0 : i32
        %cond3A_211 = arith.cmpi ne, %convert_element_type3A_209, %cond3A_210 : i32
        scf.if %cond3A_211 {
          %sub3A = arith.constant 1 : i32
          %sub3A_220 = arith.subi %add3A_142, %sub3A : i32
          %dma_wait3A_221 = arith.constant 0 : i32
          %dma_wait3A_222 = tpu.memref_slice %arg8[%sub3A_220, %dma_wait3A_221] : memref<40x128xi32, #tpu.memory_space<vmem>> -> memref<1x128xi32, #tpu.memory_space<vmem>>
          %dma_wait3A_223 = tpu.memref_squeeze %dma_wait3A_222 : memref<1x128xi32, #tpu.memory_space<vmem>> -> memref<128xi32, #tpu.memory_space<vmem>>
          %dma_wait3A_224 = arith.constant 0 : i32
          %dma_wait3A_225 = arith.constant 0 : i32
          %dma_wait3A_226 = tpu.memref_slice %arg15[%dma_wait3A_224, %dma_wait3A_225] : memref<10240x64xf32, #tpu.memory_space<vmem_shared>> -> memref<10240x64xf32, #tpu.memory_space<vmem_shared>>
          tpu.wait_indirect_dma semaphore(%arg20 : memref<!tpu.dma_semaphore, #tpu.memory_space<semaphore_mem>>) src(%arg9 : memref<128x64xf32, #tpu.memory_space<vmem>>) dst(%dma_wait3A_226 : memref<10240x64xf32, #tpu.memory_space<vmem_shared>>)
        } else {
        }
        %add3A_212 = arith.constant 3 : i32
        %add3A_213 = arith.addi %add3A_142, %add3A_212 : i32
        %dma_start3A_214 = arith.constant 0 : i32
        %dma_start3A_215 = tpu.memref_slice %arg7[%add3A_213, %dma_start3A_214] : memref<40x128xi32, #tpu.memory_space<vmem>> -> memref<1x128xi32, #tpu.memory_space<vmem>>
        %dma_start3A_216 = tpu.memref_squeeze %dma_start3A_215 : memref<1x128xi32, #tpu.memory_space<vmem>> -> memref<128xi32, #tpu.memory_space<vmem>>
        %dma_start3A_217 = arith.constant 0 : i32
        %dma_start3A_218 = arith.constant 0 : i32
        %dma_start3A_219 = tpu.memref_slice %arg14[%dma_start3A_217, %dma_start3A_218] : memref<10240x64xf32, #tpu.memory_space<vmem_shared>> -> memref<10240x64xf32, #tpu.memory_space<vmem_shared>>
        tpu.enqueue_indirect_dma source(%dma_start3A_219 : memref<10240x64xf32, #tpu.memory_space<vmem_shared>>) target(%arg9 : memref<128x64xf32, #tpu.memory_space<vmem>>) offsets(%dma_start3A_216 : memref<128xi32, #tpu.memory_space<vmem>>) semaphore(%arg16 : memref<!tpu.dma_semaphore, #tpu.memory_space<semaphore_mem>>)
      } else {
      }
      %mul3A_162 = arith.constant 4 : i32
      %mul3A_163 = arith.muli %mul3A_162, %scan3A_116 : i32
      %add3A_164 = arith.constant 2 : i32
      %add3A_165 = arith.addi %mul3A_163, %add3A_164 : i32
      %dma_wait3A_166 = arith.constant 0 : i32
      %dma_wait3A_167 = tpu.memref_slice %arg7[%add3A_165, %dma_wait3A_166] : memref<40x128xi32, #tpu.memory_space<vmem>> -> memref<1x128xi32, #tpu.memory_space<vmem>>
      %dma_wait3A_168 = tpu.memref_squeeze %dma_wait3A_167 : memref<1x128xi32, #tpu.memory_space<vmem>> -> memref<128xi32, #tpu.memory_space<vmem>>
      %dma_wait3A_169 = arith.constant 0 : i32
      %dma_wait3A_170 = arith.constant 0 : i32
      %dma_wait3A_171 = tpu.memref_slice %arg14[%dma_wait3A_169, %dma_wait3A_170] : memref<10240x64xf32, #tpu.memory_space<vmem_shared>> -> memref<10240x64xf32, #tpu.memory_space<vmem_shared>>
      tpu.wait_indirect_dma semaphore(%arg18 : memref<!tpu.dma_semaphore, #tpu.memory_space<semaphore_mem>>) src(%dma_wait3A_171 : memref<10240x64xf32, #tpu.memory_space<vmem_shared>>) dst(%arg11 : memref<128x64xf32, #tpu.memory_space<vmem>>)
      %dma_start3A_172 = arith.constant 0 : i32
      %dma_start3A_173 = tpu.memref_slice %arg8[%add3A_165, %dma_start3A_172] : memref<40x128xi32, #tpu.memory_space<vmem>> -> memref<1x128xi32, #tpu.memory_space<vmem>>
      %dma_start3A_174 = tpu.memref_squeeze %dma_start3A_173 : memref<1x128xi32, #tpu.memory_space<vmem>> -> memref<128xi32, #tpu.memory_space<vmem>>
      %dma_start3A_175 = arith.constant 0 : i32
      %dma_start3A_176 = arith.constant 0 : i32
      %dma_start3A_177 = tpu.memref_slice %arg15[%dma_start3A_175, %dma_start3A_176] : memref<10240x64xf32, #tpu.memory_space<vmem_shared>> -> memref<10240x64xf32, #tpu.memory_space<vmem_shared>>
      tpu.enqueue_indirect_dma source(%arg11 : memref<128x64xf32, #tpu.memory_space<vmem>>) target(%dma_start3A_177 : memref<10240x64xf32, #tpu.memory_space<vmem_shared>>) offsets(%dma_start3A_174 : memref<128xi32, #tpu.memory_space<vmem>>) semaphore(%arg22 : memref<!tpu.dma_semaphore, #tpu.memory_space<semaphore_mem>>) {add = true}
      %add3A_178 = arith.constant 3 : i32
      %add3A_179 = arith.addi %add3A_165, %add3A_178 : i32
      %lt3A_180 = arith.constant 40 : i32
      %lt3A_181 = arith.cmpi slt, %add3A_179, %lt3A_180 : i32
      %convert_element_type3A_182 = arith.extui %lt3A_181 : i1 to i32
      %cond3A_183 = arith.constant 0 : i32
      %cond3A_184 = arith.cmpi ne, %convert_element_type3A_182, %cond3A_183 : i32
      scf.if %cond3A_184 {
        %ge3A = arith.constant 1 : i32
        %ge3A_208 = arith.cmpi sge, %add3A_165, %ge3A : i32
        %convert_element_type3A_209 = arith.extui %ge3A_208 : i1 to i32
        %cond3A_210 = arith.constant 0 : i32
        %cond3A_211 = arith.cmpi ne, %convert_element_type3A_209, %cond3A_210 : i32
        scf.if %cond3A_211 {
          %sub3A = arith.constant 1 : i32
          %sub3A_220 = arith.subi %add3A_165, %sub3A : i32
          %dma_wait3A_221 = arith.constant 0 : i32
          %dma_wait3A_222 = tpu.memref_slice %arg8[%sub3A_220, %dma_wait3A_221] : memref<40x128xi32, #tpu.memory_space<vmem>> -> memref<1x128xi32, #tpu.memory_space<vmem>>
          %dma_wait3A_223 = tpu.memref_squeeze %dma_wait3A_222 : memref<1x128xi32, #tpu.memory_space<vmem>> -> memref<128xi32, #tpu.memory_space<vmem>>
          %dma_wait3A_224 = arith.constant 0 : i32
          %dma_wait3A_225 = arith.constant 0 : i32
          %dma_wait3A_226 = tpu.memref_slice %arg15[%dma_wait3A_224, %dma_wait3A_225] : memref<10240x64xf32, #tpu.memory_space<vmem_shared>> -> memref<10240x64xf32, #tpu.memory_space<vmem_shared>>
          tpu.wait_indirect_dma semaphore(%arg21 : memref<!tpu.dma_semaphore, #tpu.memory_space<semaphore_mem>>) src(%arg10 : memref<128x64xf32, #tpu.memory_space<vmem>>) dst(%dma_wait3A_226 : memref<10240x64xf32, #tpu.memory_space<vmem_shared>>)
        } else {
        }
        %add3A_212 = arith.constant 3 : i32
        %add3A_213 = arith.addi %add3A_165, %add3A_212 : i32
        %dma_start3A_214 = arith.constant 0 : i32
        %dma_start3A_215 = tpu.memref_slice %arg7[%add3A_213, %dma_start3A_214] : memref<40x128xi32, #tpu.memory_space<vmem>> -> memref<1x128xi32, #tpu.memory_space<vmem>>
        %dma_start3A_216 = tpu.memref_squeeze %dma_start3A_215 : memref<1x128xi32, #tpu.memory_space<vmem>> -> memref<128xi32, #tpu.memory_space<vmem>>
        %dma_start3A_217 = arith.constant 0 : i32
        %dma_start3A_218 = arith.constant 0 : i32
        %dma_start3A_219 = tpu.memref_slice %arg14[%dma_start3A_217, %dma_start3A_218] : memref<10240x64xf32, #tpu.memory_space<vmem_shared>> -> memref<10240x64xf32, #tpu.memory_space<vmem_shared>>
        tpu.enqueue_indirect_dma source(%dma_start3A_219 : memref<10240x64xf32, #tpu.memory_space<vmem_shared>>) target(%arg10 : memref<128x64xf32, #tpu.memory_space<vmem>>) offsets(%dma_start3A_216 : memref<128xi32, #tpu.memory_space<vmem>>) semaphore(%arg17 : memref<!tpu.dma_semaphore, #tpu.memory_space<semaphore_mem>>)
      } else {
      }
      %mul3A_185 = arith.constant 4 : i32
      %mul3A_186 = arith.muli %mul3A_185, %scan3A_116 : i32
      %add3A_187 = arith.constant 3 : i32
      %add3A_188 = arith.addi %mul3A_186, %add3A_187 : i32
      %dma_wait3A_189 = arith.constant 0 : i32
      %dma_wait3A_190 = tpu.memref_slice %arg7[%add3A_188, %dma_wait3A_189] : memref<40x128xi32, #tpu.memory_space<vmem>> -> memref<1x128xi32, #tpu.memory_space<vmem>>
      %dma_wait3A_191 = tpu.memref_squeeze %dma_wait3A_190 : memref<1x128xi32, #tpu.memory_space<vmem>> -> memref<128xi32, #tpu.memory_space<vmem>>
      %dma_wait3A_192 = arith.constant 0 : i32
      %dma_wait3A_193 = arith.constant 0 : i32
      %dma_wait3A_194 = tpu.memref_slice %arg14[%dma_wait3A_192, %dma_wait3A_193] : memref<10240x64xf32, #tpu.memory_space<vmem_shared>> -> memref<10240x64xf32, #tpu.memory_space<vmem_shared>>
      tpu.wait_indirect_dma semaphore(%arg19 : memref<!tpu.dma_semaphore, #tpu.memory_space<semaphore_mem>>) src(%dma_wait3A_194 : memref<10240x64xf32, #tpu.memory_space<vmem_shared>>) dst(%arg12 : memref<128x64xf32, #tpu.memory_space<vmem>>)
      %dma_start3A_195 = arith.constant 0 : i32
      %dma_start3A_196 = tpu.memref_slice %arg8[%add3A_188, %dma_start3A_195] : memref<40x128xi32, #tpu.memory_space<vmem>> -> memref<1x128xi32, #tpu.memory_space<vmem>>
      %dma_start3A_197 = tpu.memref_squeeze %dma_start3A_196 : memref<1x128xi32, #tpu.memory_space<vmem>> -> memref<128xi32, #tpu.memory_space<vmem>>
      %dma_start3A_198 = arith.constant 0 : i32
      %dma_start3A_199 = arith.constant 0 : i32
      %dma_start3A_200 = tpu.memref_slice %arg15[%dma_start3A_198, %dma_start3A_199] : memref<10240x64xf32, #tpu.memory_space<vmem_shared>> -> memref<10240x64xf32, #tpu.memory_space<vmem_shared>>
      tpu.enqueue_indirect_dma source(%arg12 : memref<128x64xf32, #tpu.memory_space<vmem>>) target(%dma_start3A_200 : memref<10240x64xf32, #tpu.memory_space<vmem_shared>>) offsets(%dma_start3A_197 : memref<128xi32, #tpu.memory_space<vmem>>) semaphore(%arg23 : memref<!tpu.dma_semaphore, #tpu.memory_space<semaphore_mem>>) {add = true}
      %add3A_201 = arith.constant 3 : i32
      %add3A_202 = arith.addi %add3A_188, %add3A_201 : i32
      %lt3A_203 = arith.constant 40 : i32
      %lt3A_204 = arith.cmpi slt, %add3A_202, %lt3A_203 : i32
      %convert_element_type3A_205 = arith.extui %lt3A_204 : i1 to i32
      %cond3A_206 = arith.constant 0 : i32
      %cond3A_207 = arith.cmpi ne, %convert_element_type3A_205, %cond3A_206 : i32
      scf.if %cond3A_207 {
        %ge3A = arith.constant 1 : i32
        %ge3A_208 = arith.cmpi sge, %add3A_188, %ge3A : i32
        %convert_element_type3A_209 = arith.extui %ge3A_208 : i1 to i32
        %cond3A_210 = arith.constant 0 : i32
        %cond3A_211 = arith.cmpi ne, %convert_element_type3A_209, %cond3A_210 : i32
        scf.if %cond3A_211 {
          %sub3A = arith.constant 1 : i32
          %sub3A_220 = arith.subi %add3A_188, %sub3A : i32
          %dma_wait3A_221 = arith.constant 0 : i32
          %dma_wait3A_222 = tpu.memref_slice %arg8[%sub3A_220, %dma_wait3A_221] : memref<40x128xi32, #tpu.memory_space<vmem>> -> memref<1x128xi32, #tpu.memory_space<vmem>>
          %dma_wait3A_223 = tpu.memref_squeeze %dma_wait3A_222 : memref<1x128xi32, #tpu.memory_space<vmem>> -> memref<128xi32, #tpu.memory_space<vmem>>
          %dma_wait3A_224 = arith.constant 0 : i32
          %dma_wait3A_225 = arith.constant 0 : i32
          %dma_wait3A_226 = tpu.memref_slice %arg15[%dma_wait3A_224, %dma_wait3A_225] : memref<10240x64xf32, #tpu.memory_space<vmem_shared>> -> memref<10240x64xf32, #tpu.memory_space<vmem_shared>>
          tpu.wait_indirect_dma semaphore(%arg22 : memref<!tpu.dma_semaphore, #tpu.memory_space<semaphore_mem>>) src(%arg11 : memref<128x64xf32, #tpu.memory_space<vmem>>) dst(%dma_wait3A_226 : memref<10240x64xf32, #tpu.memory_space<vmem_shared>>)
        } else {
        }
        %add3A_212 = arith.constant 3 : i32
        %add3A_213 = arith.addi %add3A_188, %add3A_212 : i32
        %dma_start3A_214 = arith.constant 0 : i32
        %dma_start3A_215 = tpu.memref_slice %arg7[%add3A_213, %dma_start3A_214] : memref<40x128xi32, #tpu.memory_space<vmem>> -> memref<1x128xi32, #tpu.memory_space<vmem>>
        %dma_start3A_216 = tpu.memref_squeeze %dma_start3A_215 : memref<1x128xi32, #tpu.memory_space<vmem>> -> memref<128xi32, #tpu.memory_space<vmem>>
        %dma_start3A_217 = arith.constant 0 : i32
        %dma_start3A_218 = arith.constant 0 : i32
        %dma_start3A_219 = tpu.memref_slice %arg14[%dma_start3A_217, %dma_start3A_218] : memref<10240x64xf32, #tpu.memory_space<vmem_shared>> -> memref<10240x64xf32, #tpu.memory_space<vmem_shared>>
        tpu.enqueue_indirect_dma source(%dma_start3A_219 : memref<10240x64xf32, #tpu.memory_space<vmem_shared>>) target(%arg11 : memref<128x64xf32, #tpu.memory_space<vmem>>) offsets(%dma_start3A_216 : memref<128xi32, #tpu.memory_space<vmem>>) semaphore(%arg18 : memref<!tpu.dma_semaphore, #tpu.memory_space<semaphore_mem>>)
      } else {
      }
    }
    %scan3A_80 = arith.constant 10 : i32
    %dma_wait3A = arith.constant 36 : i32
    %dma_wait3A_81 = arith.constant 0 : i32
    %dma_wait3A_82 = tpu.memref_slice %arg8[%dma_wait3A, %dma_wait3A_81] : memref<40x128xi32, #tpu.memory_space<vmem>> -> memref<1x128xi32, #tpu.memory_space<vmem>>
    %dma_wait3A_83 = tpu.memref_squeeze %dma_wait3A_82 : memref<1x128xi32, #tpu.memory_space<vmem>> -> memref<128xi32, #tpu.memory_space<vmem>>
    %dma_wait3A_84 = arith.constant 0 : i32
    %dma_wait3A_85 = arith.constant 0 : i32
    %dma_wait3A_86 = tpu.memref_slice %arg15[%dma_wait3A_84, %dma_wait3A_85] : memref<10240x64xf32, #tpu.memory_space<vmem_shared>> -> memref<10240x64xf32, #tpu.memory_space<vmem_shared>>
    tpu.wait_indirect_dma semaphore(%arg20 : memref<!tpu.dma_semaphore, #tpu.memory_space<semaphore_mem>>) src(%arg9 : memref<128x64xf32, #tpu.memory_space<vmem>>) dst(%dma_wait3A_86 : memref<10240x64xf32, #tpu.memory_space<vmem_shared>>)
    %dma_wait3A_87 = arith.constant 37 : i32
    %dma_wait3A_88 = arith.constant 0 : i32
    %dma_wait3A_89 = tpu.memref_slice %arg8[%dma_wait3A_87, %dma_wait3A_88] : memref<40x128xi32, #tpu.memory_space<vmem>> -> memref<1x128xi32, #tpu.memory_space<vmem>>
    %dma_wait3A_90 = tpu.memref_squeeze %dma_wait3A_89 : memref<1x128xi32, #tpu.memory_space<vmem>> -> memref<128xi32, #tpu.memory_space<vmem>>
    %dma_wait3A_91 = arith.constant 0 : i32
    %dma_wait3A_92 = arith.constant 0 : i32
    %dma_wait3A_93 = tpu.memref_slice %arg15[%dma_wait3A_91, %dma_wait3A_92] : memref<10240x64xf32, #tpu.memory_space<vmem_shared>> -> memref<10240x64xf32, #tpu.memory_space<vmem_shared>>
    tpu.wait_indirect_dma semaphore(%arg21 : memref<!tpu.dma_semaphore, #tpu.memory_space<semaphore_mem>>) src(%arg10 : memref<128x64xf32, #tpu.memory_space<vmem>>) dst(%dma_wait3A_93 : memref<10240x64xf32, #tpu.memory_space<vmem_shared>>)
    %dma_wait3A_94 = arith.constant 38 : i32
    %dma_wait3A_95 = arith.constant 0 : i32
    %dma_wait3A_96 = tpu.memref_slice %arg8[%dma_wait3A_94, %dma_wait3A_95] : memref<40x128xi32, #tpu.memory_space<vmem>> -> memref<1x128xi32, #tpu.memory_space<vmem>>
    %dma_wait3A_97 = tpu.memref_squeeze %dma_wait3A_96 : memref<1x128xi32, #tpu.memory_space<vmem>> -> memref<128xi32, #tpu.memory_space<vmem>>
    %dma_wait3A_98 = arith.constant 0 : i32
    %dma_wait3A_99 = arith.constant 0 : i32
    %dma_wait3A_100 = tpu.memref_slice %arg15[%dma_wait3A_98, %dma_wait3A_99] : memref<10240x64xf32, #tpu.memory_space<vmem_shared>> -> memref<10240x64xf32, #tpu.memory_space<vmem_shared>>
    tpu.wait_indirect_dma semaphore(%arg22 : memref<!tpu.dma_semaphore, #tpu.memory_space<semaphore_mem>>) src(%arg11 : memref<128x64xf32, #tpu.memory_space<vmem>>) dst(%dma_wait3A_100 : memref<10240x64xf32, #tpu.memory_space<vmem_shared>>)
    %dma_wait3A_101 = arith.constant 39 : i32
    %dma_wait3A_102 = arith.constant 0 : i32
    %dma_wait3A_103 = tpu.memref_slice %arg8[%dma_wait3A_101, %dma_wait3A_102] : memref<40x128xi32, #tpu.memory_space<vmem>> -> memref<1x128xi32, #tpu.memory_space<vmem>>
    %dma_wait3A_104 = tpu.memref_squeeze %dma_wait3A_103 : memref<1x128xi32, #tpu.memory_space<vmem>> -> memref<128xi32, #tpu.memory_space<vmem>>
    %dma_wait3A_105 = arith.constant 0 : i32
    %dma_wait3A_106 = arith.constant 0 : i32
    %dma_wait3A_107 = tpu.memref_slice %arg15[%dma_wait3A_105, %dma_wait3A_106] : memref<10240x64xf32, #tpu.memory_space<vmem_shared>> -> memref<10240x64xf32, #tpu.memory_space<vmem_shared>>
    tpu.wait_indirect_dma semaphore(%arg23 : memref<!tpu.dma_semaphore, #tpu.memory_space<semaphore_mem>>) src(%arg12 : memref<128x64xf32, #tpu.memory_space<vmem>>) dst(%dma_wait3A_107 : memref<10240x64xf32, #tpu.memory_space<vmem_shared>>)
    %barrier3A_108 = arith.constant 0 : index
    tpu.barrier barrier_id(%barrier3A_108)
    %eq3A = arith.constant 0 : i32
    %eq3A_109 = arith.cmpi eq, %arg0, %eq3A : i32
    %convert_element_type3A = arith.extui %eq3A_109 : i1 to i32
    %cond3A = arith.constant 0 : i32
    %cond3A_110 = arith.cmpi ne, %convert_element_type3A, %cond3A : i32
    scf.if %cond3A_110 {
      %mul3A_116 = arith.constant 640 : i32
      %mul3A_117 = arith.muli %arg1, %mul3A_116 : i32
      %mul3A_118 = arith.constant 640 : i32
      %mul3A_119 = arith.muli %arg1, %mul3A_118 : i32
      "tpu.region"() ({
        %run_scoped3A = tpu.sem_alloc : memref<!tpu.dma_semaphore, #tpu.memory_space<semaphore_mem>>
        %dma_start3A_120 = arith.constant 0 : i32
        %dma_start3A_121 = tpu.memref_slice %arg5[%mul3A_119, %dma_start3A_120] : memref<10240x64xf32, #tpu.memory_space<hbm>> -> memref<640x64xf32, #tpu.memory_space<hbm>>
        %dma_start3A_122 = arith.constant 0 : i32
        %dma_start3A_123 = tpu.memref_slice %arg15[%mul3A_117, %dma_start3A_122] : memref<10240x64xf32, #tpu.memory_space<vmem_shared>> -> memref<640x64xf32, #tpu.memory_space<vmem_shared>>
        tpu.enqueue_dma source(%dma_start3A_123 : memref<640x64xf32, #tpu.memory_space<vmem_shared>>) target(%dma_start3A_121 : memref<640x64xf32, #tpu.memory_space<hbm>>) target_semaphore(%run_scoped3A : memref<!tpu.dma_semaphore, #tpu.memory_space<semaphore_mem>>)
        %dma_wait3A_124 = arith.constant 0 : i32
        %dma_wait3A_125 = tpu.memref_slice %arg5[%mul3A_119, %dma_wait3A_124] : memref<10240x64xf32, #tpu.memory_space<hbm>> -> memref<640x64xf32, #tpu.memory_space<hbm>>
        %dma_wait3A_126 = arith.constant 0 : i32
        %dma_wait3A_127 = tpu.memref_slice %arg15[%mul3A_117, %dma_wait3A_126] : memref<10240x64xf32, #tpu.memory_space<vmem_shared>> -> memref<640x64xf32, #tpu.memory_space<vmem_shared>>
        tpu.wait_dma2 semaphore(%run_scoped3A : memref<!tpu.dma_semaphore, #tpu.memory_space<semaphore_mem>>) src(%dma_wait3A_127 : memref<640x64xf32, #tpu.memory_space<vmem_shared>>) dst(%dma_wait3A_125 : memref<640x64xf32, #tpu.memory_space<hbm>>)
        tpu.yield
      }) : () -> ()
    } else {
    }
    %eq3A_111 = arith.constant 1 : i32
    %eq3A_112 = arith.cmpi eq, %arg0, %eq3A_111 : i32
    %convert_element_type3A_113 = arith.extui %eq3A_112 : i1 to i32
    %cond3A_114 = arith.constant 0 : i32
    %cond3A_115 = arith.cmpi ne, %convert_element_type3A_113, %cond3A_114 : i32
    scf.if %cond3A_115 {
      %mul3A_116 = arith.constant 640 : i32
      %mul3A_117 = arith.muli %arg1, %mul3A_116 : i32
      %mul3A_118 = arith.constant 640 : i32
      %mul3A_119 = arith.muli %arg1, %mul3A_118 : i32
      "tpu.region"() ({
        %run_scoped3A = tpu.sem_alloc : memref<!tpu.dma_semaphore, #tpu.memory_space<semaphore_mem>>
        %dma_start3A_120 = arith.constant 0 : i32
        %dma_start3A_121 = tpu.memref_slice %arg6[%mul3A_119, %dma_start3A_120] : memref<10240x64xf32, #tpu.memory_space<hbm>> -> memref<640x64xf32, #tpu.memory_space<hbm>>
        %dma_start3A_122 = arith.constant 0 : i32
        %dma_start3A_123 = tpu.memref_slice %arg15[%mul3A_117, %dma_start3A_122] : memref<10240x64xf32, #tpu.memory_space<vmem_shared>> -> memref<640x64xf32, #tpu.memory_space<vmem_shared>>
        tpu.enqueue_dma source(%dma_start3A_123 : memref<640x64xf32, #tpu.memory_space<vmem_shared>>) target(%dma_start3A_121 : memref<640x64xf32, #tpu.memory_space<hbm>>) target_semaphore(%run_scoped3A : memref<!tpu.dma_semaphore, #tpu.memory_space<semaphore_mem>>)
        %dma_wait3A_124 = arith.constant 0 : i32
        %dma_wait3A_125 = tpu.memref_slice %arg6[%mul3A_119, %dma_wait3A_124] : memref<10240x64xf32, #tpu.memory_space<hbm>> -> memref<640x64xf32, #tpu.memory_space<hbm>>
        %dma_wait3A_126 = arith.constant 0 : i32
        %dma_wait3A_127 = tpu.memref_slice %arg15[%mul3A_117, %dma_wait3A_126] : memref<10240x64xf32, #tpu.memory_space<vmem_shared>> -> memref<640x64xf32, #tpu.memory_space<vmem_shared>>
        tpu.wait_dma2 semaphore(%run_scoped3A : memref<!tpu.dma_semaphore, #tpu.memory_space<semaphore_mem>>) src(%dma_wait3A_127 : memref<640x64xf32, #tpu.memory_space<vmem_shared>>) dst(%dma_wait3A_125 : memref<640x64xf32, #tpu.memory_space<hbm>>)
        tpu.yield
      }) : () -> ()
    } else {
    }
    return
  }
}

module attributes {stable_mosaic.version = 14 : i64} {
  func.func @_mm1s_body(%arg0: i32, %arg1: memref<2048x256xf32, #tpu.memory_space<vmem>>, %arg2: memref<256x64xf32, #tpu.memory_space<vmem>>, %arg3: memref<2048x1xf32, #tpu.memory_space<vmem>>, %arg4: memref<2048x64xf32, #tpu.memory_space<vmem>>) attributes {dimension_semantics = [#tpu.dimension_semantics<arbitrary>], iteration_bounds = array<i64: 5>, scalar_prefetch = 0 : i64, scratch_operands = 0 : i64, tpu.core_type = #tpu.core_type<tc>, window_params = [{transform_indices = @transform_0, window_bounds = array<i64: 2048, 256>}, {pipeline_mode = #tpu.pipeline_mode<synchronous>, transform_indices = @transform_1, window_bounds = array<i64: 256, 64>}, {transform_indices = @transform_2, window_bounds = array<i64: 2048, 1>}, {transform_indices = @transform_3, window_bounds = array<i64: 2048, 64>}]} {
    %get3A = arith.constant 0 : index
    %get3A_0 = arith.constant 0 : index
    %get3A_1 = vector.load %arg1[%get3A, %get3A_0] : memref<2048x256xf32, #tpu.memory_space<vmem>>, vector<2048x256xf32>
    %get3A_2 = arith.constant 0 : index
    %get3A_3 = arith.constant 0 : index
    %get3A_4 = vector.load %arg2[%get3A_2, %get3A_3] : memref<256x64xf32, #tpu.memory_space<vmem>>, vector<256x64xf32>
    %dot_general3A = arith.constant dense<0.000000e+00> : vector<2048x64xf32>
    %dot_general3A_5 = tpu.matmul %get3A_1, %get3A_4, %dot_general3A {dimension_numbers = #tpu.dot_dimension_numbers<[1], [0], [0], [1], [0, 0, 1, 1], [], []>, transpose_lhs_hint = false} : vector<2048x256xf32>, vector<256x64xf32>, vector<2048x64xf32> -> vector<2048x64xf32>
    %get3A_6 = arith.constant 0 : index
    %get3A_7 = arith.constant 0 : index
    %get3A_8 = vector.load %arg3[%get3A_6, %get3A_7] : memref<2048x1xf32, #tpu.memory_space<vmem>>, vector<2048x1xf32>
    %add3A = arith.constant 1.000000e+00 : f32
    %add3A_9 = vector.broadcast %add3A : f32 to vector<2048x1xf32>
    %add3A_10 = arith.addf %get3A_8, %add3A_9 : vector<2048x1xf32>
    %max3A = arith.constant 9.99999996E-13 : f32
    %max3A_11 = vector.broadcast %max3A : f32 to vector<2048x1xf32>
    %max3A_12 = arith.maximumf %add3A_10, %max3A_11 : vector<2048x1xf32>
    %rsqrt3A = math.rsqrt %max3A_12 : vector<2048x1xf32>
    %broadcast_in_dim3A = vector.shape_cast %rsqrt3A : vector<2048x1xf32> to vector<2048x1xf32>
    %broadcast_in_dim3A_13 = vector.broadcast %broadcast_in_dim3A : vector<2048x1xf32> to vector<2048x64xf32>
    %mul3A = arith.mulf %dot_general3A_5, %broadcast_in_dim3A_13 : vector<2048x64xf32>
    %swap3A = arith.constant 0 : index
    %swap3A_14 = arith.constant 0 : index
    %swap3A_15 = vector.load %arg4[%swap3A, %swap3A_14] : memref<2048x64xf32, #tpu.memory_space<vmem>>, vector<2048x64xf32>
    tpu.vector_store %arg4[%swap3A, %swap3A_14], %mul3A {strides = array<i32>} : memref<2048x64xf32, #tpu.memory_space<vmem>>, vector<2048x64xf32>,
    return
  }
  func.func @transform_0(%arg0: i32) -> (i32, i32) {
    %c0_i32 = arith.constant 0 : i32
    %c0_i32_0 = arith.constant 0 : i32
    return %arg0, %c0_i32 : i32, i32
  }
  func.func @transform_1(%arg0: i32) -> (i32, i32) {
    %c0_i32 = arith.constant 0 : i32
    %c0_i32_0 = arith.constant 0 : i32
    %c0_i32_1 = arith.constant 0 : i32
    return %c0_i32, %c0_i32_0 : i32, i32
  }
  func.func @transform_2(%arg0: i32) -> (i32, i32) {
    %c0_i32 = arith.constant 0 : i32
    %c0_i32_0 = arith.constant 0 : i32
    return %arg0, %c0_i32 : i32, i32
  }
  func.func @transform_3(%arg0: i32) -> (i32, i32) {
    %c0_i32 = arith.constant 0 : i32
    %c0_i32_0 = arith.constant 0 : i32
    return %arg0, %c0_i32 : i32, i32
  }
}

module attributes {stable_mosaic.version = 14 : i64} {
  func.func @_layer_body(%arg0: i32, %arg1: memref<2048x64xf32, #tpu.memory_space<vmem>>, %arg2: memref<2048x64xf32, #tpu.memory_space<vmem>>, %arg3: memref<2048x64xf32, #tpu.memory_space<vmem>>, %arg4: memref<2048x1xf32, #tpu.memory_space<vmem>>, %arg5: memref<1x64xf32, #tpu.memory_space<vmem>>, %arg6: memref<64x64xf32, #tpu.memory_space<vmem>>, %arg7: memref<2048x64xf32, #tpu.memory_space<vmem>>) attributes {dimension_semantics = [#tpu.dimension_semantics<arbitrary>], iteration_bounds = array<i64: 5>, scalar_prefetch = 0 : i64, scratch_operands = 0 : i64, tpu.core_type = #tpu.core_type<tc>, window_params = [{transform_indices = @transform_0, window_bounds = array<i64: 2048, 64>}, {transform_indices = @transform_1, window_bounds = array<i64: 2048, 64>}, {transform_indices = @transform_2, window_bounds = array<i64: 2048, 64>}, {transform_indices = @transform_3, window_bounds = array<i64: 2048, 1>}, {pipeline_mode = #tpu.pipeline_mode<synchronous>, transform_indices = @transform_4, window_bounds = array<i64: 1, 64>}, {pipeline_mode = #tpu.pipeline_mode<synchronous>, transform_indices = @transform_5, window_bounds = array<i64: 64, 64>}, {transform_indices = @transform_6, window_bounds = array<i64: 2048, 64>}]} {
    %get3A = arith.constant 0 : index
    %get3A_0 = arith.constant 0 : index
    %get3A_1 = vector.load %arg4[%get3A, %get3A_0] : memref<2048x1xf32, #tpu.memory_space<vmem>>, vector<2048x1xf32>
    %add3A = arith.constant 1.000000e+00 : f32
    %add3A_2 = vector.broadcast %add3A : f32 to vector<2048x1xf32>
    %add3A_3 = arith.addf %get3A_1, %add3A_2 : vector<2048x1xf32>
    %max3A = arith.constant 9.99999996E-13 : f32
    %max3A_4 = vector.broadcast %max3A : f32 to vector<2048x1xf32>
    %max3A_5 = arith.maximumf %add3A_3, %max3A_4 : vector<2048x1xf32>
    %rsqrt3A = math.rsqrt %max3A_5 : vector<2048x1xf32>
    %broadcast_in_dim3A = vector.shape_cast %rsqrt3A : vector<2048x1xf32> to vector<2048x1xf32>
    %broadcast_in_dim3A_6 = vector.broadcast %broadcast_in_dim3A : vector<2048x1xf32> to vector<2048x64xf32>
    %get3A_7 = arith.constant 0 : index
    %get3A_8 = arith.constant 0 : index
    %get3A_9 = vector.load %arg1[%get3A_7, %get3A_8] : memref<2048x64xf32, #tpu.memory_space<vmem>>, vector<2048x64xf32>
    %get3A_10 = arith.constant 0 : index
    %get3A_11 = arith.constant 0 : index
    %get3A_12 = vector.load %arg2[%get3A_10, %get3A_11] : memref<2048x64xf32, #tpu.memory_space<vmem>>, vector<2048x64xf32>
    %add3A_13 = arith.addf %get3A_9, %get3A_12 : vector<2048x64xf32>
    %get3A_14 = arith.constant 0 : index
    %get3A_15 = arith.constant 0 : index
    %get3A_16 = vector.load %arg3[%get3A_14, %get3A_15] : memref<2048x64xf32, #tpu.memory_space<vmem>>, vector<2048x64xf32>
    %add3A_17 = arith.addf %add3A_13, %get3A_16 : vector<2048x64xf32>
    %mul3A = arith.mulf %add3A_17, %broadcast_in_dim3A_6 : vector<2048x64xf32>
    %get3A_18 = arith.constant 0 : index
    %get3A_19 = arith.constant 0 : index
    %get3A_20 = vector.load %arg5[%get3A_18, %get3A_19] : memref<1x64xf32, #tpu.memory_space<vmem>>, vector<1x64xf32>
    %add3A_21 = vector.broadcast %get3A_20 : vector<1x64xf32> to vector<2048x64xf32>
    %add3A_22 = arith.addf %mul3A, %add3A_21 : vector<2048x64xf32>
    %gt3A = arith.constant 0.000000e+00 : f32
    %gt3A_23 = vector.broadcast %gt3A : f32 to vector<2048x64xf32>
    %gt3A_24 = arith.cmpf ogt, %add3A_22, %gt3A_23 : vector<2048x64xf32>
    %min3A = arith.constant 0.000000e+00 : f32
    %min3A_25 = vector.broadcast %min3A : f32 to vector<2048x64xf32>
    %min3A_26 = arith.minimumf %add3A_22, %min3A_25 : vector<2048x64xf32>
    %exp3A = math.exp %min3A_26 : vector<2048x64xf32>
    %sub3A = arith.constant 1.000000e+00 : f32
    %sub3A_27 = vector.broadcast %sub3A : f32 to vector<2048x64xf32>
    %sub3A_28 = arith.subf %exp3A, %sub3A_27 : vector<2048x64xf32>
    %select_n3A = arith.select %gt3A_24, %add3A_22, %sub3A_28 : vector<2048x64xi1>, vector<2048x64xf32>
    %get3A_29 = arith.constant 0 : index
    %get3A_30 = arith.constant 0 : index
    %get3A_31 = vector.load %arg6[%get3A_29, %get3A_30] : memref<64x64xf32, #tpu.memory_space<vmem>>, vector<64x64xf32>
    %dot_general3A = arith.constant dense<0.000000e+00> : vector<2048x64xf32>
    %dot_general3A_32 = tpu.matmul %select_n3A, %get3A_31, %dot_general3A {dimension_numbers = #tpu.dot_dimension_numbers<[1], [0], [0], [1], [0, 0, 1, 1], [], []>, transpose_lhs_hint = false} : vector<2048x64xf32>, vector<64x64xf32>, vector<2048x64xf32> -> vector<2048x64xf32>
    %mul3A_33 = arith.mulf %dot_general3A_32, %broadcast_in_dim3A_6 : vector<2048x64xf32>
    %swap3A = arith.constant 0 : index
    %swap3A_34 = arith.constant 0 : index
    %swap3A_35 = vector.load %arg7[%swap3A, %swap3A_34] : memref<2048x64xf32, #tpu.memory_space<vmem>>, vector<2048x64xf32>
    tpu.vector_store %arg7[%swap3A, %swap3A_34], %mul3A_33 {strides = array<i32>} : memref<2048x64xf32, #tpu.memory_space<vmem>>, vector<2048x64xf32>,
    return
  }
  func.func @transform_0(%arg0: i32) -> (i32, i32) {
    %c0_i32 = arith.constant 0 : i32
    %c0_i32_0 = arith.constant 0 : i32
    return %arg0, %c0_i32 : i32, i32
  }
  func.func @transform_1(%arg0: i32) -> (i32, i32) {
    %c0_i32 = arith.constant 0 : i32
    %c0_i32_0 = arith.constant 0 : i32
    return %arg0, %c0_i32 : i32, i32
  }
  func.func @transform_2(%arg0: i32) -> (i32, i32) {
    %c0_i32 = arith.constant 0 : i32
    %c0_i32_0 = arith.constant 0 : i32
    return %arg0, %c0_i32 : i32, i32
  }
  func.func @transform_3(%arg0: i32) -> (i32, i32) {
    %c0_i32 = arith.constant 0 : i32
    %c0_i32_0 = arith.constant 0 : i32
    return %arg0, %c0_i32 : i32, i32
  }
  func.func @transform_4(%arg0: i32) -> (i32, i32) {
    %c0_i32 = arith.constant 0 : i32
    %c0_i32_0 = arith.constant 0 : i32
    %c0_i32_1 = arith.constant 0 : i32
    return %c0_i32, %c0_i32_0 : i32, i32
  }
  func.func @transform_5(%arg0: i32) -> (i32, i32) {
    %c0_i32 = arith.constant 0 : i32
    %c0_i32_0 = arith.constant 0 : i32
    %c0_i32_1 = arith.constant 0 : i32
    return %c0_i32, %c0_i32_0 : i32, i32
  }
  func.func @transform_6(%arg0: i32) -> (i32, i32) {
    %c0_i32 = arith.constant 0 : i32
    %c0_i32_0 = arith.constant 0 : i32
    return %arg0, %c0_i32 : i32, i32
  }
}

module attributes {stable_mosaic.version = 14 : i64} {
  func.func @_head_body(%arg0: memref<10240x64xf32, #tpu.memory_space<vmem>>, %arg1: memref<10240x64xf32, #tpu.memory_space<vmem>>, %arg2: memref<10240x64xf32, #tpu.memory_space<vmem>>, %arg3: memref<10240x1xf32, #tpu.memory_space<vmem>>, %arg4: memref<1x64xf32, #tpu.memory_space<vmem>>, %arg5: memref<64x512xf32, #tpu.memory_space<vmem>>, %arg6: memref<1x512xf32, #tpu.memory_space<vmem>>, %arg7: memref<512x16xf32, #tpu.memory_space<vmem>>, %arg8: memref<1x16xf32, #tpu.memory_space<vmem>>, %arg9: memref<1x16xf32, #tpu.memory_space<vmem>>) attributes {dimension_semantics = [], scalar_prefetch = 0 : i64, scratch_operands = 0 : i64, tpu.core_type = #tpu.core_type<tc>} {
    %get3A = arith.constant 0 : index
    %get3A_0 = arith.constant 0 : index
    %get3A_1 = vector.load %arg3[%get3A, %get3A_0] : memref<10240x1xf32, #tpu.memory_space<vmem>>, vector<10240x1xf32>
    %add3A = arith.constant 1.000000e+00 : f32
    %add3A_2 = vector.broadcast %add3A : f32 to vector<10240x1xf32>
    %add3A_3 = arith.addf %get3A_1, %add3A_2 : vector<10240x1xf32>
    %max3A = arith.constant 9.99999996E-13 : f32
    %max3A_4 = vector.broadcast %max3A : f32 to vector<10240x1xf32>
    %max3A_5 = arith.maximumf %add3A_3, %max3A_4 : vector<10240x1xf32>
    %rsqrt3A = math.rsqrt %max3A_5 : vector<10240x1xf32>
    %broadcast_in_dim3A = vector.shape_cast %rsqrt3A : vector<10240x1xf32> to vector<10240x1xf32>
    %broadcast_in_dim3A_6 = vector.broadcast %broadcast_in_dim3A : vector<10240x1xf32> to vector<10240x64xf32>
    %get3A_7 = arith.constant 0 : index
    %get3A_8 = arith.constant 0 : index
    %get3A_9 = vector.load %arg0[%get3A_7, %get3A_8] : memref<10240x64xf32, #tpu.memory_space<vmem>>, vector<10240x64xf32>
    %get3A_10 = arith.constant 0 : index
    %get3A_11 = arith.constant 0 : index
    %get3A_12 = vector.load %arg1[%get3A_10, %get3A_11] : memref<10240x64xf32, #tpu.memory_space<vmem>>, vector<10240x64xf32>
    %add3A_13 = arith.addf %get3A_9, %get3A_12 : vector<10240x64xf32>
    %get3A_14 = arith.constant 0 : index
    %get3A_15 = arith.constant 0 : index
    %get3A_16 = vector.load %arg2[%get3A_14, %get3A_15] : memref<10240x64xf32, #tpu.memory_space<vmem>>, vector<10240x64xf32>
    %add3A_17 = arith.addf %add3A_13, %get3A_16 : vector<10240x64xf32>
    %mul3A = arith.mulf %add3A_17, %broadcast_in_dim3A_6 : vector<10240x64xf32>
    %get3A_18 = arith.constant 0 : index
    %get3A_19 = arith.constant 0 : index
    %get3A_20 = vector.load %arg4[%get3A_18, %get3A_19] : memref<1x64xf32, #tpu.memory_space<vmem>>, vector<1x64xf32>
    %add3A_21 = vector.broadcast %get3A_20 : vector<1x64xf32> to vector<10240x64xf32>
    %add3A_22 = arith.addf %mul3A, %add3A_21 : vector<10240x64xf32>
    %gt3A = arith.constant 0.000000e+00 : f32
    %gt3A_23 = vector.broadcast %gt3A : f32 to vector<10240x64xf32>
    %gt3A_24 = arith.cmpf ogt, %add3A_22, %gt3A_23 : vector<10240x64xf32>
    %min3A = arith.constant 0.000000e+00 : f32
    %min3A_25 = vector.broadcast %min3A : f32 to vector<10240x64xf32>
    %min3A_26 = arith.minimumf %add3A_22, %min3A_25 : vector<10240x64xf32>
    %exp3A = math.exp %min3A_26 : vector<10240x64xf32>
    %sub3A = arith.constant 1.000000e+00 : f32
    %sub3A_27 = vector.broadcast %sub3A : f32 to vector<10240x64xf32>
    %sub3A_28 = arith.subf %exp3A, %sub3A_27 : vector<10240x64xf32>
    %select_n3A = arith.select %gt3A_24, %add3A_22, %sub3A_28 : vector<10240x64xi1>, vector<10240x64xf32>
    %iota3A = tpu.iota {dimensions = array<i32: 0>} : vector<10240x1xi32>
    %lt3A = arith.constant 10000 : i32
    %lt3A_29 = vector.broadcast %lt3A : i32 to vector<10240x1xi32>
    %lt3A_30 = arith.cmpi slt, %iota3A, %lt3A_29 : vector<10240x1xi32>
    %jit3A = arith.constant 0.000000e+00 : f32
    %broadcast_in_dim3A_31 = vector.shape_cast %lt3A_30 : vector<10240x1xi1> to vector<10240x1xi1>
    %broadcast_in_dim3A_32 = vector.broadcast %broadcast_in_dim3A_31 : vector<10240x1xi1> to vector<10240x64xi1>
    %broadcast_in_dim3A_33 = vector.broadcast %jit3A : f32 to vector<10240x64xf32>
    %select_n3A_34 = arith.select %broadcast_in_dim3A_32, %select_n3A, %broadcast_in_dim3A_33 : vector<10240x64xi1>, vector<10240x64xf32>
    %reduce_sum3A = arith.constant dense<0.000000e+00> : vector<64xf32>
    %reduce_sum3A_35 = vector.multi_reduction <add>, %select_n3A_34, %reduce_sum3A [0] : vector<10240x64xf32> to vector<64xf32>
    %broadcast_in_dim3A_36 = vector.shape_cast %reduce_sum3A_35 : vector<64xf32> to vector<1x64xf32>
    %get3A_37 = arith.constant 0 : index
    %get3A_38 = arith.constant 0 : index
    %get3A_39 = vector.load %arg5[%get3A_37, %get3A_38] : memref<64x512xf32, #tpu.memory_space<vmem>>, vector<64x512xf32>
    %dot_general3A = arith.constant dense<0.000000e+00> : vector<1x512xf32>
    %dot_general3A_40 = tpu.matmul %broadcast_in_dim3A_36, %get3A_39, %dot_general3A {dimension_numbers = #tpu.dot_dimension_numbers<[1], [0], [0], [1], [0, 0, 1, 1], [], []>, transpose_lhs_hint = false} : vector<1x64xf32>, vector<64x512xf32>, vector<1x512xf32> -> vector<1x512xf32>
    %get3A_41 = arith.constant 0 : index
    %get3A_42 = arith.constant 0 : index
    %get3A_43 = vector.load %arg6[%get3A_41, %get3A_42] : memref<1x512xf32, #tpu.memory_space<vmem>>, vector<1x512xf32>
    %add3A_44 = arith.addf %dot_general3A_40, %get3A_43 : vector<1x512xf32>
    %max3A_45 = arith.constant 0.000000e+00 : f32
    %max3A_46 = vector.broadcast %max3A_45 : f32 to vector<1x512xf32>
    %max3A_47 = arith.maximumf %add3A_44, %max3A_46 : vector<1x512xf32>
    %get3A_48 = arith.constant 0 : index
    %get3A_49 = arith.constant 0 : index
    %get3A_50 = vector.load %arg7[%get3A_48, %get3A_49] : memref<512x16xf32, #tpu.memory_space<vmem>>, vector<512x16xf32>
    %dot_general3A_51 = arith.constant dense<0.000000e+00> : vector<1x16xf32>
    %dot_general3A_52 = tpu.matmul %max3A_47, %get3A_50, %dot_general3A_51 {dimension_numbers = #tpu.dot_dimension_numbers<[1], [0], [0], [1], [0, 0, 1, 1], [], []>, transpose_lhs_hint = false} : vector<1x512xf32>, vector<512x16xf32>, vector<1x16xf32> -> vector<1x16xf32>
    %get3A_53 = arith.constant 0 : index
    %get3A_54 = arith.constant 0 : index
    %get3A_55 = vector.load %arg8[%get3A_53, %get3A_54] : memref<1x16xf32, #tpu.memory_space<vmem>>, vector<1x16xf32>
    %add3A_56 = arith.addf %dot_general3A_52, %get3A_55 : vector<1x16xf32>
    %reduce_max3A = arith.constant dense<0xFF800000> : vector<1xf32>
    %reduce_max3A_57 = vector.multi_reduction <maximumf>, %add3A_56, %reduce_max3A [1] : vector<1x16xf32> to vector<1xf32>
    %broadcast_in_dim3A_58 = vector.shape_cast %reduce_max3A_57 : vector<1xf32> to vector<1x1xf32>
    %sub3A_59 = vector.broadcast %broadcast_in_dim3A_58 : vector<1x1xf32> to vector<1x16xf32>
    %sub3A_60 = arith.subf %add3A_56, %sub3A_59 : vector<1x16xf32>
    %exp3A_61 = math.exp %sub3A_60 : vector<1x16xf32>
    %reduce_sum3A_62 = arith.constant dense<0.000000e+00> : vector<1xf32>
    %reduce_sum3A_63 = vector.multi_reduction <add>, %exp3A_61, %reduce_sum3A_62 [1] : vector<1x16xf32> to vector<1xf32>
    %broadcast_in_dim3A_64 = vector.shape_cast %reduce_sum3A_63 : vector<1xf32> to vector<1x1xf32>
    %div3A = vector.broadcast %broadcast_in_dim3A_64 : vector<1x1xf32> to vector<1x16xf32>
    %div3A_65 = arith.divf %exp3A_61, %div3A : vector<1x16xf32>
    %swap3A = arith.constant 0 : index
    %swap3A_66 = arith.constant 0 : index
    %swap3A_67 = vector.load %arg9[%swap3A, %swap3A_66] : memref<1x16xf32, #tpu.memory_space<vmem>>, vector<1x16xf32>
    tpu.vector_store %arg9[%swap3A, %swap3A_66], %div3A_65 {strides = array<i32>} : memref<1x16xf32, #tpu.memory_space<vmem>>, vector<1x16xf32>,
    return
  }
}

</mosaic_0001>

<sc_bundles>
// kernel: kernel.11.cloned.1.call-start
scs
__scs_entry_jumppad:
0x0: {  	(pc) =	sbr.rel $0x88, $3  }
0x1: {  	(tag) =	ssettag $0x0;
	lr =	simm.s32 $0x1  }
0x2: {  	[smem:$0x3F97] =	sst lr;
	_ =	strace $0xD0000000  }
0x3: {  	_ = 	snop  }
0x4: {  	_ = 	snop  }
0x5: {  	_ = 	snop  }
0x6: {  	_ = 	snop  }
0x7: {  	_ = 	snop  }
__scs_overlays_trampoline_lowered:
0x8: {  	[smem:$0x3FA6] =	sst s0  }
0x9: {  	[smem:$0x3FA7] =	sst s1  }
0xa: {  	[smem:$0x3FA8] =	sst s2  }
0xb: {  	[smem:$0x3FA9] =	sst s3  }
0xc: {  	[smem:$0x3FAA] =	sst s4  }
0xd: {  	[smem:$0x3FAB] =	sst s5  }
0xe: {  	[smem:$0x3FAC] =	sst s6  }
0xf: {  	[smem:$0x3FAD] =	sst s7  }
0x10: {  	[smem:$0x3FAE] =	sst s8  }
0x11: {  	[smem:$0x3FAF] =	sst s9;
	s0 =	simm.s32 @!p0 $0x0  }
0x12: {  	s1 =	sld [smem:$0x3F95];
	s0 =	simm.s32 @p0 $0x1  }
0x13: {  	[smem:$0x3FB0] =	sst s0;
	s0 =	simm.s32 @!p1 $0x0  }
0x14: {  	s2 =	sld [smem:$0x3F94];
	s0 =	simm.s32 @p1 $0x1  }
0x15: {  	[smem:$0x3FB1] =	sst s0;
	s0 =	simm.s32 @!p2 $0x0  }
0x16: {  	s3 =	sld [smem:$0x3FDB];
	s0 =	simm.s32 @p2 $0x1  }
0x17: {  	s4 =	simm.s32 $0x1BF5;
	[smem:$0x3FB3] =	sst s0  }
0x18: {  	s0 =	sld [smem:$0x3F96];
	_ =	swait.ge [sflag:s4], $0x0  }
0x19: {  	s7 =	sld [smem:$0x3F97]  }
0x1a: {  	s8 =	sadd.s32 $0xFFFFE003, lr  }
0x1b: {  	s9 =	sadd.s32 $0xFFFFFEF7, lr;
	s5 =	simm.s32 $0xFFFFFFFF;
	p2 =	slt.u32 s8, $0xFFFFF086  }
0x1c: {  	p1 =	slt.u32 s9, $0xF7A;
	s5 =	simm.s32 @!p2 $0x0  }
0x1d: {  	s5 =	simm.s32 @p1 $0x1;
	p0 =	seq.s32 s7, s2  }
0x1e: {  	s7 =	smul.u32 @!p0 $0xF7A, s2;
	p2 =	seq.s32 @!p0 s5, $0x0  }
0x1f: {  	s9 =	smul.u32 $0xF7A, s1;
	s8 =	simm.s32 @!p0 $0x1BF5;
	p2 =	por !p2, p0  }
0x20: {  	[sflag:s8] =	ssyncset.s32 @!p0 $0xFFFFF086;
	s6 =	sadd.s32 @!p0 s3, s7;
	s7 =	simm.s32 @!p0 $0x108  }
0x21: {  	s3 =	sadd.s32 s3, s9;
	s6 =	sadd.s32 @!p0 $0x88, s6;
	s7 =	simm.s32 @p2 $0x1082  }
0x22: {  	[simem:s7], [sflag:s8] =	dma.local @!p0 [hbm:s6], $0xF7A  }
0x23: {  	s9 =	sor.u32 $0xD0000000, s2;
	s6 =	simm.s32 $0x108;
	_ =	swait.ge @!p0 [sflag:s8], $0x0  }
0x24: {  	s3 =	sadd.s32 $0x88, s3;
	s6 =	simm.s32 @!p1 $0x1082;
	[sflag:s4] =	ssyncset.s32 $0xFFFFF086  }
0x25: {  	[simem:s6], [sflag:s4] =	dma.local [hbm:s3], $0xF7A  }
0x26: {  	[smem:$0x3F97] =	sst s1;
	(tag) =	ssettag s2;
	_ =	strace s9  }
0x27: {  	s1 =	sld [smem:$0x3FA7]  }
0x28: {  	s2 =	sld [smem:$0x3FA8]  }
0x29: {  	s4 =	sld [smem:$0x3FAA]  }
0x2a: {  	p0 =	seq.s32 s5, $0x0;
	s5 =	sld [smem:$0x3FAB]  }
0x2b: {  	s6 =	sld [smem:$0x3FAC]  }
0x2c: {  	s7 =	sld [smem:$0x3FAD]  }
0x2d: {  	s3 =	simm.s32 $0x108;
	s8 =	sld [smem:$0x3FAE]  }
0x2e: {  	s3 =	simm.s32 @!p0 $0x1082;
	s9 =	sld [smem:$0x3FAF]  }
0x2f: {  	lr =	sadd.s32 s0, s3;
	s0 =	sld [smem:$0x3FA6]  }
0x30: {  	s3 =	sld [smem:$0x3FA9]  }
0x31: {  	[smem:$0x3FB2] =	sst s10  }
0x32: {  	s10 =	sld [smem:$0x3FB0];
	_ =	sdelay $0x3  }
0x33: {  	p0 =	seq.s32 s10, $0x1;
	s10 =	sld [smem:$0x3FB2];
	_ =	sdelay $0x3  }
0x34: {  	[smem:$0x3FB2] =	sst s10  }
0x35: {  	s10 =	sld [smem:$0x3FB1];
	_ =	sdelay $0x3  }
0x36: {  	p1 =	seq.s32 s10, $0x1;
	s10 =	sld [smem:$0x3FB2];
	_ =	sdelay $0x3  }
0x37: {  	[smem:$0x3FB2] =	sst s10  }
0x38: {  	s10 =	sld [smem:$0x3FB3]  }
0x39: {  	_ = 	snop;
	(pc) =	sbr.ind lr, $3  }
0x3a: {  	_ = 	snop  }
0x3b: {  	_ = 	snop  }
0x3c: {  	p2 =	seq.s32 s10, $0x1;
	s10 =	sld [smem:$0x3FB2]  }
0x3d: {  	_ =	shalt  }
0x3e: {  	_ =	shalt  }
0x3f: {  	_ =	shalt  }
0x40: {  	_ =	shalt  }
0x41: {  	_ =	shalt  }
0x42: {  	_ =	shalt  }
0x43: {  	_ =	shalt  }
0x44: {  	_ =	shalt  }
0x45: {  	_ =	shalt  }
0x46: {  	_ =	shalt  }
0x47: {  	_ =	shalt  }
0x48: {  	_ =	shalt  }
0x49: {  	_ =	shalt  }
0x4a: {  	_ =	shalt  }
0x4b: {  	_ =	shalt  }
0x4c: {  	_ =	shalt  }
0x4d: {  	_ =	shalt  }
0x4e: {  	_ =	shalt  }
0x4f: {  	_ =	shalt  }
0x50: {  	_ =	shalt  }
0x51: {  	_ =	shalt  }
0x52: {  	_ =	shalt  }
0x53: {  	_ =	shalt  }
0x54: {  	_ =	shalt  }
0x55: {  	_ =	shalt  }
0x56: {  	_ =	shalt  }
0x57: {  	_ =	shalt  }
0x58: {  	_ =	shalt  }
0x59: {  	_ =	shalt  }
0x5a: {  	_ =	shalt  }
0x5b: {  	_ =	shalt  }
0x5c: {  	_ =	shalt  }
0x5d: {  	_ =	shalt  }
0x5e: {  	_ =	shalt  }
0x5f: {  	_ =	shalt  }
0x60: {  	_ =	shalt  }
0x61: {  	_ =	shalt  }
0x62: {  	_ =	shalt  }
0x63: {  	_ =	shalt  }
0x64: {  	_ =	shalt  }
0x65: {  	_ =	shalt  }
0x66: {  	_ =	shalt  }
0x67: {  	_ =	shalt  }
0x68: {  	_ =	shalt  }
0x69: {  	_ =	shalt  }
0x6a: {  	_ =	shalt  }
0x6b: {  	_ =	shalt  }
0x6c: {  	_ =	shalt  }
0x6d: {  	_ =	shalt  }
0x6e: {  	_ =	shalt  }
0x6f: {  	_ =	shalt  }
0x70: {  	_ =	shalt  }
0x71: {  	_ =	shalt  }
0x72: {  	_ =	shalt  }
0x73: {  	_ =	shalt  }
0x74: {  	_ =	shalt  }
0x75: {  	_ =	shalt  }
0x76: {  	_ =	shalt  }
0x77: {  	_ =	shalt  }
0x78: {  	_ =	shalt  }
0x79: {  	_ =	shalt  }
0x7a: {  	_ =	shalt  }
0x7b: {  	_ =	shalt  }
0x7c: {  	_ =	shalt  }
0x7d: {  	_ =	shalt  }
0x7e: {  	_ =	shalt  }
0x7f: {  	_ =	shalt  }
0x80: {  	_ =	shalt  }
0x81: {  	_ =	shalt  }
0x82: {  	_ =	shalt  }
0x83: {  	_ =	shalt  }
0x84: {  	_ =	shalt  }
0x85: {  	_ =	shalt  }
0x86: {  	_ =	shalt  }
0x87: {  	_ =	shalt  }
.Lfunc_end0:
.L_simem_size_0:
called_computation.1_lowered:
.L_overlay_start_0:
0x88: {  	s2 =	sld [smem:$0x3FD9]  }
0x89: {  	s3 =	sld [smem:$0x3FFE];
	_ =	sdelay $0x1  }
0x8a: {  	s1 =	srdreg.scid  }
0x8b: {  	s0 =	sand.u32 $0x1, s1  }
0x8c: {  	s16 =	sshll.u32 s0, $0xA;
	s2 =	sadd.s32 s3, s2  }
0x8d: {  	s2 =	sadd.s32 s2, s16  }
0x8e: {  	[smem:$0x3FBE] =	sst s2  }
0x8f: {  	_ = 	snop  }
0x90: {  	(tm) =	ssettm $0x1  }
0x91: {  	s17 =	sld [smem:$0x3FFB];
	_ =	sdelay $0x3  }
0x92: {  	_ =	strace s17  }
0x93: {  	s2 =	sld [smem:$0x3FFC];
	_ =	sdelay $0x3  }
0x94: {  	_ =	strace s2  }
0x95: {  	s2 =	sld [smem:$0x3FFD];
	_ =	sdelay $0x3  }
0x96: {  	_ =	strace s2  }
0x97: {  	_ =	strace $0x8FFFFFFF  }
0x98: {  	s18 =	sld [smem:$0x3FDB];
	_ =	sdelay $0x1  }
0x99: {  	s19 =	simm.s32 $_scs_section_size  }
0x9a: {  	s4 =	simm.s32 $_size__tile_overlayer_lowered;
	s5 =	simm.s32 $_tile_overlayer_lowered  }
0x9b: {  	s22 =	simm.s32 $0x1BFF;
	s21 =	sshll.u32 s5, $0x1;
	s2 =	sadd.s32 s19, s18  }
0x9c: {  	s6 =	simm.s32 $0x0;
	s20 =	sshll.u32 s4, $0x1;
	s4 =	sadd.s32 s21, s2  }
0x9d: {  	[timem:s6], [sflag:s22] =	dma.local [hbm:s4], s20  }
0x9e: {  	_ =	swait.ge [sflag:s22], s20  }
0x9f: {  	s3 =	ssub.s32 $0x0, s20;
	[sflag:s22] =	ssyncset.done $0x0  }
0xa0: {  	[sflag:s22] =	ssyncadd.s32 s3;
	_ =	sdelay $0x1  }
0xa1: {  	s23 =	simm.s32 $0x1B8B  }
0xa2: {  	_ =	swait.ge [sflag:s23], $0x1  }
0xa3: {  	[sflag:s23] =	ssyncset.done $0x0  }
0xa4: {  	s25 =	simm.s32 $0x1B8E;
	s24 =	sld [smem:$0x3FFE];
	[sflag:s23] =	ssyncadd.s32 $0xFFFFFFFF  }
0xa5: {  	s26 =	simm.s32 $execute0_lowered;
	[smem:$0x3FD2] =	sst s25  }
0xa6: {  	s4 =	sshll.u32 s26, $0x1;
	_ =	strace $0x80000049;
	[dreg:$0x1] =	wrdreg $0xFFFFFFFF  }
0xa7: {  	s28 =	simm.s32 $_size_execute0_lowered;
	s2 =	sadd.s32 s2, s4;
	[dreg:$0x0] =	wrdreg $0x0  }
0xa8: {  	s4 =	sshll.u32 s28, $0x1;
	[dreg:$0x2] =	wrdreg s2  }
0xa9: {  	[dreg:$0x3] =	wrdreg s4  }
0xaa: {  	[dreg:$0x4] =	wrdreg $0xC0  }
0xab: {  	_ =	task [dreg:s6], $0x5FFFF  }
0xac: {  	[dreg:$0x1] =	wrdreg $0xFFFFFFFF  }
0xad: {  	[dreg:$0x0] =	wrdreg $0x60  }
0xae: {  	[dreg:$0x2] =	wrdreg s24  }
0xaf: {  	[dreg:$0x3] =	wrdreg $0xB8000  }
0xb0: {  	[dreg:$0x4] =	wrdreg $0x158000  }
0xb1: {  	[dreg:$0x5] =	wrdreg $0x9  }
0xb2: {  	_ =	task.clear_ibuf [dreg:s6], $0x6FFFF;
	_ =	strace $0x90000049  }
0xb3: {  	s29 =	simm.s32 $0x9;
	_ =	strace $0x8000004B  }
0xb4: {  	_ =	swait.ge [sflag:s29], $0x1  }
0xb5: {  	[sflag:s29] =	ssyncadd.s32 $0xFFFFFFFF  }
0xb6: {  	_ =	strace $0x9000004B  }
0xb7: {  	_ =	sfence  }
0xb8: {  	s30 =	sld [smem:$0x0];
	_ =	sdelay $0x2  }
0xb9: {  	s31 =	sshll.u32 s1, $0xD;
	s1 =	sshrl.u32 s1, $0x2  }
0xba: {  	s3 =	sand.u32 $0x4000, s31;
	s1 =	sadd.s32 s1, s30  }
0xbb: {  	s0 =	sor.u32 s3, s0;
	s1 =	sshll.u32 s1, $0x11  }
0xbc: {  	s0 =	sor.u32 s1, s0  }
0xbd: {  	s0 =	sadd.s32 $0x8F2B, s0  }
0xbe: {  	[sflag:s0] =	ssyncadd.remote.s32 $0x1  }
0xbf: {  	_ =	sfence.sel $0xFFFF  }
0xc0: {  	[dreg:$0x0] =	wrdreg $0xFFFFFFFF;
	(pc) =	sbr.abs _section_cstart, $3  }
0xc1: {  	[dreg:$0x1] =	wrdreg $0xFFFFFFFF  }
0xc2: {  	_ =	task.clear_ibuf [dreg:s6], $0x2FFFF;
	_ =	strace $0x9FFFFFFF  }
0xc3: {  	(tm) =	ssettm $0x7FFFFFFF  }
tec
execute0_lowered:
.L_overlay_start_1:
0x0: {  	(tag) =	ssettag $0x1  }
0x1: {  	s0 =	rddreg [dreg:$0x0]  }
0x2: {  	s1 =	rddreg [dreg:$0x1]  }
0x3: {  	s2 =	rddreg [dreg:$0x2];
	s3 =	srdreg.scid;
	s5 =	simm.s32 $0x0  }
0x4: {  	s8 =	stileid.u32;
	s29 =	simm.s32 $0x6800;
	s30 =	simm.s32 $0x1  }
0x5: {  	s31 =	simm.s32 $0x5;
	s28 =	simm.s32 $0x3;
	s9 =	simm.s32 $0x0  }
0x6: {  	s3 =	sand.u32 $0x1, s3;
	[smem:$0x7FF] =	sst s5;
	s12 =	smul.u32 $0xA000, s8  }
0x7: {  	s5 =	simm.s32 $0x4;
	s4 =	sshll.u32 s3, $0x4;
	_ =	strace $0x8000004A  }
0x8: {  	s7 =	ssub.s32 $0x2, s3;
	s4 =	sor.u32 s8, s4;
	s8 =	smul.u32 $0x28000, s8  }
0x9: {  	p0 =	seq.s32 s3, $0x1;
	s6 =	sshrl.u32 s12, $0x3;
	s4 =	smul.u32 $0x280, s4  }
0xa: {  	s3 =	simm.s32 $0x49A00;
	s13 =	sshrl.u32 s7, $0x1;
	s6 =	sadd.s32 s6, s0  }
0xb: {  	s15 =	sshrl.u32 s8, $0x2;
	s18 =	sadd.s32 $0x35A00, s6;
	s0 =	sadd.s32 s4, s0  }
0xc: {  	s4 =	ssub.s32 s7, s13;
	[dreg:$0x6] =	wrdreg s18;
	s14 =	sadd.s32 $0x8A00, s0  }
0xd: {  	s7 =	sadd.s32 s15, s2;
	s0 =	sadd.s32 $0x2E00, s0;
	[dreg:$0x4] =	wrdreg s14  }
0xe: {  	s16 =	sadd.s32 s12, s1;
	s19 =	sadd.s32 $0x1000, s7;
	[dreg:$0x5] =	wrdreg s0  }
0xf: {  	s3 =	simm.s32 @!p0 $0x5DA00;
	s20 =	sadd.s32 $0x2000, s7;
	[dreg:$0x7] =	wrdreg s19  }
0x10: {  	s8 =	sadd.s32 s12, s2;
	s21 =	sadd.s32 $0x3000, s7;
	[dreg:$0x8] =	wrdreg s20  }
0x11: {  	s22 =	sadd.s32 $0x4000, s7;
	s23 =	sadd.s32 $0x5000, s7;
	[dreg:$0x9] =	wrdreg s21  }
0x12: {  	s24 =	sadd.s32 $0x6000, s7;
	s25 =	sadd.s32 $0x7000, s7;
	[dreg:$0xa] =	wrdreg s22  }
0x13: {  	s26 =	sadd.s32 $0x8000, s7;
	s17 =	sadd.s32 $0x9000, s7;
	[dreg:$0xb] =	wrdreg s23  }
0x14: {  	s18 =	smax.u32 s4, $0x1;
	s4 =	simm.s32 $0x6;
	[dreg:$0xc] =	wrdreg s24  }
.Ltmp0:
0x15: {  	s7 =	simm.s32 $0x8;
	[dreg:$0xd] =	wrdreg s25;
	(pc) =	sbr.rel .LBB2_1-.Ltmp0, $4  }
0x16: {  	[dreg:$0xe] =	wrdreg s26;
	s19 =	sadd.s32 s3, s6;
	s20 =	simm.s32 $0x9  }
0x17: {  	s21 =	simm.s32 $0x1400;
	s22 =	sshrl.u32 s16, $0x3;
	s23 =	simm.s32 $0xA800  }
0x18: {  	s24 =	simm.s32 $0x80;
	s25 =	simm.s32 $0x2800;
	s26 =	simm.s32 $0x4800  }
0x19: {  	v0 =	vimm.f32 $0.0e+00;
	s0 =	simm.s32 $0x8800;
	s3 =	simm.s32 $0x2;
	s6 =	simm.s32 $0x7  }
.LBB2_6:
0x1a: {  	_ =	swait.ge [sflag:s31], $0x2000  }
0x1b: {  	[sflag:s31] =	ssyncset.done $0x0  }
0x1c: {  	[sflag:s31] =	ssyncadd.s32 $0xFFFFE000  }
0x1d: {  	_ =	swait.ge [sflag:s4], $0x2000  }
0x1e: {  	[sflag:s4] =	ssyncset.done $0x0  }
0x1f: {  	[sflag:s4] =	ssyncadd.s32 $0xFFFFE000  }
0x20: {  	_ =	swait.ge [sflag:s6], $0x2000  }
0x21: {  	[sflag:s6] =	ssyncset.done $0x0  }
0x22: {  	[sflag:s6] =	ssyncadd.s32 $0xFFFFE000  }
0x23: {  	_ =	swait.ge [sflag:s7], $0x2000  }
0x24: {  	s9 =	sadd.s32 $0x1, s9;
	[sflag:s7] =	ssyncset.done $0x0  }
0x25: {  	p0 =	sne.s32 s9, s18;
	[sflag:s7] =	ssyncadd.s32 $0xFFFFE000  }
.Ltmp1:
0x26: {  	s11 =	sshrl.u32 s8, $0x3;
	[bflag:$0x0] =	sbarrier.arrive $0xFFFF;
	(pc) =	sbr.rel @!p0 .LBB2_7-.Ltmp1, $4  }
0x27: {  	[hbm:s19], [sflag:s10] =	dma.local [spmem:s11], $0x1400  }
0x28: {  	_ =	swait.ge [sflag:s20], $0x1400  }
0x29: {  	[sflag:s20] =	ssyncset.done $0x0  }
0x2a: {  	[sflag:s20] =	ssyncadd.s32 $0xFFFFEC00  }
.LBB2_1:
0x2b: {  	s10 =	simm.s32 $0x0;
	s11 =	rddreg [dreg:$0x4]  }
0x2c: {  	[tilespmem:s10], [sflag:$0x9] =	stream.linear.gather [hbm4b:s11+s10], $0x1400, $0x38;
	[tilespmem:$0x1F800] =	vst v63  }
0x2d: {  	_ =	swait.ge [sflag:s20], $0x1400  }
0x2e: {  	[sflag:s20] =	ssyncset.done $0x0  }
0x2f: {  	s14 =	rddreg [dreg:$0x5];
	[sflag:s20] =	ssyncadd.s32 $0xFFFFEC00  }
0x30: {  	[tilespmem:s21], [sflag:$0x9] =	stream.linear.gather [hbm4b:s14+s10], $0x1400, $0x38;
	[tilespmem:$0x1F800] =	vst v63  }
0x31: {  	s15 =	stileid.u32;
	_ =	swait.ge [sflag:s20], $0x1400  }
0x32: {  	s10 =	sshll.u32 s15, $0x6;
	[sflag:s20] =	ssyncset.done $0x0  }
0x33: {  	s10 =	sor.u32 $0x1C09, s10;
	s16 =	rddreg [dreg:$0x6];
	[sflag:s20] =	ssyncadd.s32 $0xFFFFEC00  }
0x34: {  	[spmem:s22], [sflag:s10] =	dma.local [hbm:s16], $0x1400  }
0x35: {  	_ =	swait.ge [sflag:s20], $0x1400  }
0x36: {  	[sflag:s20] =	ssyncset.done $0x0  }
0x37: {  	s12 =	simm.s32 $0x100;
	s11 =	simm.s32 $0x0;
	[sflag:s20] =	ssyncadd.s32 $0xFFFFEC00  }
.LBB2_2:
0x38: {  	p0 =	sne.s32 s12, $0x3F00;
	[tilespmem:s11+$0xA830] =	vst v0;
	s13 =	smov.u32 s12;
	s12 =	sadd.s32 $0x100, s12  }
.Ltmp2:
0x39: {  	[tilespmem:s11+$0xA820] =	vst v0;
	(pc) =	sbr.rel @p0 .LBB2_2-.Ltmp2, $3  }
0x3a: {  	[tilespmem:s11+$0xA800] =	vst v0  }
0x3b: {  	[tilespmem:s11+$0xA810] =	vst v0;
	_ =	sdelay $0x1  }
0x3c: {  	s11 =	sshra.s32 s13, $0x2  }
0x3d: {  	[tilespmem:s11+$0xA830] =	vst v0  }
0x3e: {  	[tilespmem:s11+$0xA820] =	vst v0  }
0x3f: {  	[tilespmem:s11+$0xA800] =	vst v0  }
0x40: {  	[tilespmem:s11+$0xA810] =	vst v0  }
0x41: {  	[spmem:s8] =	stream.linear.scatter [tilespmem:s23], [sflag:$0x9], $0x1000, $0x38;
	[tilespmem:$0x1F800] =	vst v63  }
0x42: {  	_ =	swait.ge [sflag:s20], $0x1000  }
0x43: {  	[sflag:s20] =	ssyncset.done $0x0  }
0x44: {  	s16 =	rddreg [dreg:$0x7];
	[sflag:s20] =	ssyncadd.s32 $0xFFFFF000  }
0x45: {  	[spmem:s16] =	stream.linear.scatter [tilespmem:s23], [sflag:$0x9], $0x1000, $0x38;
	[tilespmem:$0x1F800] =	vst v63  }
0x46: {  	_ =	swait.ge [sflag:s20], $0x1000  }
0x47: {  	[sflag:s20] =	ssyncset.done $0x0  }
0x48: {  	s12 =	rddreg [dreg:$0x8];
	[sflag:s20] =	ssyncadd.s32 $0xFFFFF000  }
0x49: {  	[spmem:s12] =	stream.linear.scatter [tilespmem:s23], [sflag:$0x9], $0x1000, $0x38;
	[tilespmem:$0x1F800] =	vst v63  }
0x4a: {  	_ =	swait.ge [sflag:s20], $0x1000  }
0x4b: {  	[sflag:s20] =	ssyncset.done $0x0  }
0x4c: {  	s13 =	rddreg [dreg:$0x9];
	[sflag:s20] =	ssyncadd.s32 $0xFFFFF000  }
0x4d: {  	[spmem:s13] =	stream.linear.scatter [tilespmem:s23], [sflag:$0x9], $0x1000, $0x38;
	[tilespmem:$0x1F800] =	vst v63  }
0x4e: {  	_ =	swait.ge [sflag:s20], $0x1000  }
0x4f: {  	[sflag:s20] =	ssyncset.done $0x0  }
0x50: {  	s14 =	rddreg [dreg:$0xa];
	[sflag:s20] =	ssyncadd.s32 $0xFFFFF000  }
0x51: {  	[spmem:s14] =	stream.linear.scatter [tilespmem:s23], [sflag:$0x9], $0x1000, $0x38;
	[tilespmem:$0x1F800] =	vst v63  }
0x52: {  	_ =	swait.ge [sflag:s20], $0x1000  }
0x53: {  	[sflag:s20] =	ssyncset.done $0x0  }
0x54: {  	s15 =	rddreg [dreg:$0xb];
	[sflag:s20] =	ssyncadd.s32 $0xFFFFF000  }
0x55: {  	[spmem:s15] =	stream.linear.scatter [tilespmem:s23], [sflag:$0x9], $0x1000, $0x38;
	[tilespmem:$0x1F800] =	vst v63  }
0x56: {  	_ =	swait.ge [sflag:s20], $0x1000  }
0x57: {  	[sflag:s20] =	ssyncset.done $0x0  }
0x58: {  	s16 =	rddreg [dreg:$0xc];
	[sflag:s20] =	ssyncadd.s32 $0xFFFFF000  }
0x59: {  	[spmem:s16] =	stream.linear.scatter [tilespmem:s23], [sflag:$0x9], $0x1000, $0x38;
	[tilespmem:$0x1F800] =	vst v63  }
0x5a: {  	_ =	swait.ge [sflag:s20], $0x1000  }
0x5b: {  	[sflag:s20] =	ssyncset.done $0x0  }
0x5c: {  	s12 =	rddreg [dreg:$0xd];
	[sflag:s20] =	ssyncadd.s32 $0xFFFFF000  }
0x5d: {  	[spmem:s12] =	stream.linear.scatter [tilespmem:s23], [sflag:$0x9], $0x1000, $0x38;
	[tilespmem:$0x1F800] =	vst v63  }
0x5e: {  	_ =	swait.ge [sflag:s20], $0x1000  }
0x5f: {  	[sflag:s20] =	ssyncset.done $0x0  }
0x60: {  	s13 =	rddreg [dreg:$0xe];
	[sflag:s20] =	ssyncadd.s32 $0xFFFFF000  }
0x61: {  	[spmem:s13] =	stream.linear.scatter [tilespmem:s23], [sflag:$0x9], $0x1000, $0x38;
	[tilespmem:$0x1F800] =	vst v63  }
0x62: {  	_ =	swait.ge [sflag:s20], $0x1000  }
0x63: {  	[sflag:s20] =	ssyncset.done $0x0  }
0x64: {  	[sflag:s20] =	ssyncadd.s32 $0xFFFFF000  }
0x65: {  	[spmem:s17] =	stream.linear.scatter [tilespmem:s23], [sflag:$0x9], $0x1000, $0x38;
	[tilespmem:$0x1F800] =	vst v63  }
0x66: {  	_ =	swait.ge [sflag:s20], $0x1000  }
0x67: {  	[sflag:s20] =	ssyncset.done $0x0  }
0x68: {  	[sflag:s20] =	ssyncadd.s32 $0xFFFFF000  }
0x69: {  	s11 =	simm.s32 $0x0;
	[bflag:$0x0] =	sbarrier.arrive $0xFFFF  }
0x6a: {  	[tilespmem:s25], [sflag:$0x1] =	stream.indirect.gather [spmem:s1], $0x40, s11, s24, $0xb8;
	[tilespmem:$0x1F800] =	vst v63  }
0x6b: {  	_ = 	snop  }
0x6c: {  	[tilespmem:s26], [sflag:$0x2] =	stream.indirect.gather [spmem:s1], $0x40, s24, s24, $0xb8;
	[tilespmem:$0x1F800] =	vst v63  }
0x6d: {  	s12 =	simm.s32 $0x100  }
0x6e: {  	[tilespmem:s29], [sflag:$0x3] =	stream.indirect.gather [spmem:s1], $0x40, s12, s24, $0xb8;
	[tilespmem:$0x1F800] =	vst v63  }
0x6f: {  	_ =	swait.ge [sflag:s30], $0x2000  }
0x70: {  	[sflag:s30] =	ssyncset.done $0x0  }
0x71: {  	[sflag:s30] =	ssyncadd.s32 $0xFFFFE000  }
0x72: {  	[spmem:s2] =	stream.indirect.scatter.add.f32 [tilespmem:s25], [sflag:$0x5], $0x40, s21, s24, $0xb8;
	[tilespmem:$0x1F800] =	vst v63  }
0x73: {  	s14 =	simm.s32 $0x180  }
0x74: {  	[tilespmem:s0], [sflag:$0x4] =	stream.indirect.gather [spmem:s1], $0x40, s14, s24, $0xb8;
	[tilespmem:$0x1F800] =	vst v63  }
0x75: {  	_ =	swait.ge [sflag:s3], $0x2000  }
0x76: {  	[sflag:s3] =	ssyncset.done $0x0  }
0x77: {  	s15 =	simm.s32 $0x1480;
	[sflag:s3] =	ssyncadd.s32 $0xFFFFE000  }
0x78: {  	[spmem:s2] =	stream.indirect.scatter.add.f32 [tilespmem:s26], [sflag:$0x6], $0x40, s15, s24, $0xb8;
	[tilespmem:$0x1F800] =	vst v63  }
0x79: {  	_ =	swait.ge [sflag:s31], $0x2000  }
0x7a: {  	[sflag:s31] =	ssyncset.done $0x0  }
0x7b: {  	s16 =	simm.s32 $0x200;
	[sflag:s31] =	ssyncadd.s32 $0xFFFFE000  }
0x7c: {  	[tilespmem:s25], [sflag:$0x1] =	stream.indirect.gather [spmem:s1], $0x40, s16, s24, $0xb8;
	[tilespmem:$0x1F800] =	vst v63  }
0x7d: {  	_ =	swait.ge [sflag:s28], $0x2000  }
0x7e: {  	[sflag:s28] =	ssyncset.done $0x0  }
0x7f: {  	s13 =	simm.s32 $0x1500;
	[sflag:s28] =	ssyncadd.s32 $0xFFFFE000  }
0x80: {  	[spmem:s2] =	stream.indirect.scatter.add.f32 [tilespmem:s29], [sflag:$0x7], $0x40, s13, s24, $0xb8;
	[tilespmem:$0x1F800] =	vst v63  }
0x81: {  	_ =	swait.ge [sflag:s4], $0x2000  }
0x82: {  	[sflag:s4] =	ssyncset.done $0x0  }
0x83: {  	s14 =	simm.s32 $0x280;
	[sflag:s4] =	ssyncadd.s32 $0xFFFFE000  }
0x84: {  	[tilespmem:s26], [sflag:$0x2] =	stream.indirect.gather [spmem:s1], $0x40, s14, s24, $0xb8;
	[tilespmem:$0x1F800] =	vst v63  }
0x85: {  	_ =	swait.ge [sflag:s5], $0x2000  }
0x86: {  	[sflag:s5] =	ssyncset.done $0x0  }
0x87: {  	s15 =	simm.s32 $0x1580;
	[sflag:s5] =	ssyncadd.s32 $0xFFFFE000  }
0x88: {  	[spmem:s2] =	stream.indirect.scatter.add.f32 [tilespmem:s0], [sflag:$0x8], $0x40, s15, s24, $0xb8;
	[tilespmem:$0x1F800] =	vst v63  }
0x89: {  	_ =	swait.ge [sflag:s6], $0x2000  }
0x8a: {  	[sflag:s6] =	ssyncset.done $0x0  }
0x8b: {  	s16 =	simm.s32 $0x300;
	[sflag:s6] =	ssyncadd.s32 $0xFFFFE000  }
0x8c: {  	[tilespmem:s29], [sflag:$0x3] =	stream.indirect.gather [spmem:s1], $0x40, s16, s24, $0xb8;
	[tilespmem:$0x1F800] =	vst v63  }
.LBB2_4:
0x8d: {  	_ =	swait.ge [sflag:s30], $0x2000  }
0x8e: {  	s12 =	sshra.s32 s11, $0x2;
	[sflag:s30] =	ssyncset.done $0x0  }
0x8f: {  	s13 =	sadd.s32 $0x1600, s12;
	[sflag:s30] =	ssyncadd.s32 $0xFFFFE000  }
0x90: {  	[spmem:s2] =	stream.indirect.scatter.add.f32 [tilespmem:s25], [sflag:$0x5], $0x40, s13, s24, $0xb8;
	[tilespmem:$0x1F800] =	vst v63  }
0x91: {  	_ =	swait.ge [sflag:s7], $0x2000  }
0x92: {  	[sflag:s7] =	ssyncset.done $0x0  }
0x93: {  	s14 =	sadd.s32 $0x380, s12;
	[sflag:s7] =	ssyncadd.s32 $0xFFFFE000  }
0x94: {  	[tilespmem:s0], [sflag:$0x4] =	stream.indirect.gather [spmem:s1], $0x40, s14, s24, $0xb8;
	[tilespmem:$0x1F800] =	vst v63  }
0x95: {  	_ =	swait.ge [sflag:s3], $0x2000  }
0x96: {  	p0 =	seq.s32 s11, $0x4000;
	[sflag:s3] =	ssyncset.done $0x0  }
0x97: {  	s15 =	sadd.s32 $0x1680, s12;
	s13 =	simm.s32 @p0 $0x3;
	[sflag:s3] =	ssyncadd.s32 $0xFFFFE000  }
0x98: {  	[spmem:s2] =	stream.indirect.scatter.add.f32 [tilespmem:s26], [sflag:$0x6], $0x40, s15, s24, $0xb8;
	[tilespmem:$0x1F800] =	vst v63  }
0x99: {  	_ =	swait.ge @p0 [sflag:s13], $0x2000  }
0x9a: {  	[sflag:s13] =	ssyncset.done @p0 $0x0  }
0x9b: {  	[sflag:s13] =	ssyncadd.s32 @p0 $0xFFFFE000;
	s13 =	sshra.s32 @p0 s11, $0x2  }
0x9c: {  	s14 =	simm.s32 @p0 $0x80;
	s15 =	simm.s32 @p0 $0x6800;
	s13 =	sadd.s32 @p0 $0x1700, s13  }
0x9d: {  	[spmem:s2] =	stream.indirect.scatter.add.f32 @p0 [tilespmem:s15], [sflag:$0x7], $0x40, s13, s14, $0xb8;
	[tilespmem:$0x1F800] =	vst v63  }
0x9e: {  	s13 =	simm.s32 @!p0 $0x5  }
0x9f: {  	_ =	swait.ge @!p0 [sflag:s13], $0x2000  }
0xa0: {  	[sflag:s13] =	ssyncset.done @!p0 $0x0  }
0xa1: {  	[sflag:s13] =	ssyncadd.s32 @!p0 $0xFFFFE000;
	s13 =	sshra.s32 @!p0 s11, $0x2  }
0xa2: {  	s16 =	simm.s32 @!p0 $0x2800;
	s15 =	simm.s32 @!p0 $0x80;
	s14 =	sadd.s32 @!p0 $0x400, s13  }
0xa3: {  	[tilespmem:s16], [sflag:$0x1] =	stream.indirect.gather @!p0 [spmem:s1], $0x40, s14, s15, $0xb8;
	[tilespmem:$0x1F800] =	vst v63  }
0xa4: {  	s14 =	simm.s32 @!p0 $0x3  }
0xa5: {  	_ =	swait.ge @!p0 [sflag:s14], $0x2000  }
0xa6: {  	[sflag:s14] =	ssyncset.done @!p0 $0x0  }
0xa7: {  	s16 =	simm.s32 @!p0 $0x6800;
	[sflag:s14] =	ssyncadd.s32 @!p0 $0xFFFFE000;
	s14 =	sadd.s32 @!p0 $0x1700, s13  }
0xa8: {  	[spmem:s2] =	stream.indirect.scatter.add.f32 @!p0 [tilespmem:s16], [sflag:$0x7], $0x40, s14, s15, $0xb8;
	[tilespmem:$0x1F800] =	vst v63  }
0xa9: {  	s14 =	simm.s32 @!p0 $0x6  }
0xaa: {  	_ =	swait.ge @!p0 [sflag:s14], $0x2000  }
0xab: {  	[sflag:s14] =	ssyncset.done @!p0 $0x0  }
0xac: {  	s13 =	sadd.s32 @!p0 $0x480, s13;
	[sflag:s14] =	ssyncadd.s32 @!p0 $0xFFFFE000;
	s14 =	simm.s32 @!p0 $0x4800  }
0xad: {  	[tilespmem:s14], [sflag:$0x2] =	stream.indirect.gather @!p0 [spmem:s1], $0x40, s13, s15, $0xb8;
	[tilespmem:$0x1F800] =	vst v63  }
.Ltmp3:
0xae: {  	_ = 	snop;
	(pc) =	sbr.rel @p0 .LBB2_6-.Ltmp3, $4  }
0xaf: {  	_ =	swait.ge [sflag:s5], $0x2000  }
0xb0: {  	[sflag:s5] =	ssyncset.done $0x0  }
0xb1: {  	s16 =	sadd.s32 $0x1780, s12;
	[sflag:s5] =	ssyncadd.s32 $0xFFFFE000  }
0xb2: {  	[spmem:s2] =	stream.indirect.scatter.add.f32 [tilespmem:s0], [sflag:$0x8], $0x40, s16, s24, $0xb8;
	[tilespmem:$0x1F800] =	vst v63  }
.Ltmp4:
0xb3: {  	(pc) =	sbr.rel .LBB2_4-.Ltmp4, $4  }
0xb4: {  	_ =	swait.ge [sflag:s6], $0x2000  }
0xb5: {  	[sflag:s6] =	ssyncset.done $0x0  }
0xb6: {  	s12 =	sadd.s32 $0x500, s12;
	s11 =	sadd.s32 $0x800, s11;
	[sflag:s6] =	ssyncadd.s32 $0xFFFFE000  }
0xb7: {  	[tilespmem:s29], [sflag:$0x3] =	stream.indirect.gather [spmem:s1], $0x40, s12, s24, $0xb8;
	[tilespmem:$0x1F800] =	vst v63  }
.LBB2_7:
0xb8: {  	_ =	sfence.sel $0x180000  }
0xb9: {  	[bflag:$0x0] =	sbarrier.arrive $0xFFFF  }
0xba: {  	_ =	strace $0x9000004A  }
0xbb: {  	s0 =	stileid.u32;
	[bflag:$0x2] =	sbarrier.arrive $0xFFFF  }
0xbc: {  	p0 =	sne.s32 s0, $0x0;
	s0 =	rddreg [dreg:$0x3]  }
0xbd: {  	s0 =	sadd.s32 @!p0 $0x100000, s0  }
0xbe: {  	[sflag:s0] =	ssyncadd.tile.s32 @!p0 $0x1;
	_ =	shalt  }
.Lfunc_end2:
_tile_overlayer_lowered:
.L_overlay_start_2:
0xbf: {  	(tag) =	ssettag $0x2  }
0xc0: {  	s0 =	rddreg [dreg:$0x0];
	s2 =	stileid.u32  }
0xc1: {  	s1 =	rddreg [dreg:$0x1];
	p0 =	sne.s32 s2, $0x0  }
0xc2: {  	s3 =	rddreg [dreg:$0x2];
	[bflag:$0x3] =	sbarrier.arrive $0xFFFF;
	s2 =	simm.s32 @!p0 $0x1C09  }
0xc3: {  	[timem:s3], [sflag:s2] =	dma.local @!p0 [hbm:s0], s1  }
0xc4: {  	s0 =	simm.s32 @!p0 $0x9  }
0xc5: {  	_ =	swait.ge @!p0 [sflag:s0], s1  }
0xc6: {  	s1 =	ssub.s32 @!p0 $0x0, s1;
	[sflag:s0] =	ssyncset.done @!p0 $0x0  }
0xc7: {  	[sflag:s0] =	ssyncadd.s32 @!p0 s1  }
0xc8: {  	[bflag:$0x3] =	sbarrier.arrive $0xFFFF  }
0xc9: {  	_ =	shalt  }

// kernel: kernel.14.cloned.1.call-start
scs
__scs_entry_jumppad:
0x0: {  	(pc) =	sbr.rel $0x88, $3  }
0x1: {  	(tag) =	ssettag $0x0;
	lr =	simm.s32 $0x1  }
0x2: {  	[smem:$0x3F97] =	sst lr;
	_ =	strace $0xD0000000  }
0x3: {  	_ = 	snop  }
0x4: {  	_ = 	snop  }
0x5: {  	_ = 	snop  }
0x6: {  	_ = 	snop  }
0x7: {  	_ = 	snop  }
__scs_overlays_trampoline_lowered:
0x8: {  	[smem:$0x3FA6] =	sst s0  }
0x9: {  	[smem:$0x3FA7] =	sst s1  }
0xa: {  	[smem:$0x3FA8] =	sst s2  }
0xb: {  	[smem:$0x3FA9] =	sst s3  }
0xc: {  	[smem:$0x3FAA] =	sst s4  }
0xd: {  	[smem:$0x3FAB] =	sst s5  }
0xe: {  	[smem:$0x3FAC] =	sst s6  }
0xf: {  	[smem:$0x3FAD] =	sst s7  }
0x10: {  	[smem:$0x3FAE] =	sst s8  }
0x11: {  	[smem:$0x3FAF] =	sst s9;
	s0 =	simm.s32 @!p0 $0x0  }
0x12: {  	s1 =	sld [smem:$0x3F95];
	s0 =	simm.s32 @p0 $0x1  }
0x13: {  	[smem:$0x3FB0] =	sst s0;
	s0 =	simm.s32 @!p1 $0x0  }
0x14: {  	s2 =	sld [smem:$0x3F94];
	s0 =	simm.s32 @p1 $0x1  }
0x15: {  	[smem:$0x3FB1] =	sst s0;
	s0 =	simm.s32 @!p2 $0x0  }
0x16: {  	s3 =	sld [smem:$0x3FDB];
	s0 =	simm.s32 @p2 $0x1  }
0x17: {  	s4 =	simm.s32 $0x1BF5;
	[smem:$0x3FB3] =	sst s0  }
0x18: {  	s0 =	sld [smem:$0x3F96];
	_ =	swait.ge [sflag:s4], $0x0  }
0x19: {  	s7 =	sld [smem:$0x3F97]  }
0x1a: {  	s8 =	sadd.s32 $0xFFFFE003, lr  }
0x1b: {  	s9 =	sadd.s32 $0xFFFFFEF7, lr;
	s5 =	simm.s32 $0xFFFFFFFF;
	p2 =	slt.u32 s8, $0xFFFFF086  }
0x1c: {  	p1 =	slt.u32 s9, $0xF7A;
	s5 =	simm.s32 @!p2 $0x0  }
0x1d: {  	s5 =	simm.s32 @p1 $0x1;
	p0 =	seq.s32 s7, s2  }
0x1e: {  	s7 =	smul.u32 @!p0 $0xF7A, s2;
	p2 =	seq.s32 @!p0 s5, $0x0  }
0x1f: {  	s9 =	smul.u32 $0xF7A, s1;
	s8 =	simm.s32 @!p0 $0x1BF5;
	p2 =	por !p2, p0  }
0x20: {  	[sflag:s8] =	ssyncset.s32 @!p0 $0xFFFFF086;
	s6 =	sadd.s32 @!p0 s3, s7;
	s7 =	simm.s32 @!p0 $0x108  }
0x21: {  	s3 =	sadd.s32 s3, s9;
	s6 =	sadd.s32 @!p0 $0x88, s6;
	s7 =	simm.s32 @p2 $0x1082  }
0x22: {  	[simem:s7], [sflag:s8] =	dma.local @!p0 [hbm:s6], $0xF7A  }
0x23: {  	s9 =	sor.u32 $0xD0000000, s2;
	s6 =	simm.s32 $0x108;
	_ =	swait.ge @!p0 [sflag:s8], $0x0  }
0x24: {  	s3 =	sadd.s32 $0x88, s3;
	s6 =	simm.s32 @!p1 $0x1082;
	[sflag:s4] =	ssyncset.s32 $0xFFFFF086  }
0x25: {  	[simem:s6], [sflag:s4] =	dma.local [hbm:s3], $0xF7A  }
0x26: {  	[smem:$0x3F97] =	sst s1;
	(tag) =	ssettag s2;
	_ =	strace s9  }
0x27: {  	s1 =	sld [smem:$0x3FA7]  }
0x28: {  	s2 =	sld [smem:$0x3FA8]  }
0x29: {  	s4 =	sld [smem:$0x3FAA]  }
0x2a: {  	p0 =	seq.s32 s5, $0x0;
	s5 =	sld [smem:$0x3FAB]  }
0x2b: {  	s6 =	sld [smem:$0x3FAC]  }
0x2c: {  	s7 =	sld [smem:$0x3FAD]  }
0x2d: {  	s3 =	simm.s32 $0x108;
	s8 =	sld [smem:$0x3FAE]  }
0x2e: {  	s3 =	simm.s32 @!p0 $0x1082;
	s9 =	sld [smem:$0x3FAF]  }
0x2f: {  	lr =	sadd.s32 s0, s3;
	s0 =	sld [smem:$0x3FA6]  }
0x30: {  	s3 =	sld [smem:$0x3FA9]  }
0x31: {  	[smem:$0x3FB2] =	sst s10  }
0x32: {  	s10 =	sld [smem:$0x3FB0];
	_ =	sdelay $0x3  }
0x33: {  	p0 =	seq.s32 s10, $0x1;
	s10 =	sld [smem:$0x3FB2];
	_ =	sdelay $0x3  }
0x34: {  	[smem:$0x3FB2] =	sst s10  }
0x35: {  	s10 =	sld [smem:$0x3FB1];
	_ =	sdelay $0x3  }
0x36: {  	p1 =	seq.s32 s10, $0x1;
	s10 =	sld [smem:$0x3FB2];
	_ =	sdelay $0x3  }
0x37: {  	[smem:$0x3FB2] =	sst s10  }
0x38: {  	s10 =	sld [smem:$0x3FB3]  }
0x39: {  	_ = 	snop;
	(pc) =	sbr.ind lr, $3  }
0x3a: {  	_ = 	snop  }
0x3b: {  	_ = 	snop  }
0x3c: {  	p2 =	seq.s32 s10, $0x1;
	s10 =	sld [smem:$0x3FB2]  }
0x3d: {  	_ =	shalt  }
0x3e: {  	_ =	shalt  }
0x3f: {  	_ =	shalt  }
0x40: {  	_ =	shalt  }
0x41: {  	_ =	shalt  }
0x42: {  	_ =	shalt  }
0x43: {  	_ =	shalt  }
0x44: {  	_ =	shalt  }
0x45: {  	_ =	shalt  }
0x46: {  	_ =	shalt  }
0x47: {  	_ =	shalt  }
0x48: {  	_ =	shalt  }
0x49: {  	_ =	shalt  }
0x4a: {  	_ =	shalt  }
0x4b: {  	_ =	shalt  }
0x4c: {  	_ =	shalt  }
0x4d: {  	_ =	shalt  }
0x4e: {  	_ =	shalt  }
0x4f: {  	_ =	shalt  }
0x50: {  	_ =	shalt  }
0x51: {  	_ =	shalt  }
0x52: {  	_ =	shalt  }
0x53: {  	_ =	shalt  }
0x54: {  	_ =	shalt  }
0x55: {  	_ =	shalt  }
0x56: {  	_ =	shalt  }
0x57: {  	_ =	shalt  }
0x58: {  	_ =	shalt  }
0x59: {  	_ =	shalt  }
0x5a: {  	_ =	shalt  }
0x5b: {  	_ =	shalt  }
0x5c: {  	_ =	shalt  }
0x5d: {  	_ =	shalt  }
0x5e: {  	_ =	shalt  }
0x5f: {  	_ =	shalt  }
0x60: {  	_ =	shalt  }
0x61: {  	_ =	shalt  }
0x62: {  	_ =	shalt  }
0x63: {  	_ =	shalt  }
0x64: {  	_ =	shalt  }
0x65: {  	_ =	shalt  }
0x66: {  	_ =	shalt  }
0x67: {  	_ =	shalt  }
0x68: {  	_ =	shalt  }
0x69: {  	_ =	shalt  }
0x6a: {  	_ =	shalt  }
0x6b: {  	_ =	shalt  }
0x6c: {  	_ =	shalt  }
0x6d: {  	_ =	shalt  }
0x6e: {  	_ =	shalt  }
0x6f: {  	_ =	shalt  }
0x70: {  	_ =	shalt  }
0x71: {  	_ =	shalt  }
0x72: {  	_ =	shalt  }
0x73: {  	_ =	shalt  }
0x74: {  	_ =	shalt  }
0x75: {  	_ =	shalt  }
0x76: {  	_ =	shalt  }
0x77: {  	_ =	shalt  }
0x78: {  	_ =	shalt  }
0x79: {  	_ =	shalt  }
0x7a: {  	_ =	shalt  }
0x7b: {  	_ =	shalt  }
0x7c: {  	_ =	shalt  }
0x7d: {  	_ =	shalt  }
0x7e: {  	_ =	shalt  }
0x7f: {  	_ =	shalt  }
0x80: {  	_ =	shalt  }
0x81: {  	_ =	shalt  }
0x82: {  	_ =	shalt  }
0x83: {  	_ =	shalt  }
0x84: {  	_ =	shalt  }
0x85: {  	_ =	shalt  }
0x86: {  	_ =	shalt  }
0x87: {  	_ =	shalt  }
.Lfunc_end0:
.L_simem_size_0:
called_computation.2_lowered:
.L_overlay_start_0:
0x88: {  	s2 =	sld [smem:$0x3FD9]  }
0x89: {  	s3 =	sld [smem:$0x3FFE];
	_ =	sdelay $0x1  }
0x8a: {  	s1 =	srdreg.scid  }
0x8b: {  	s0 =	sand.u32 $0x1, s1  }
0x8c: {  	s16 =	sshll.u32 s0, $0xA;
	s2 =	sadd.s32 s3, s2  }
0x8d: {  	s2 =	sadd.s32 s2, s16  }
0x8e: {  	[smem:$0x3FBE] =	sst s2  }
0x8f: {  	_ = 	snop  }
0x90: {  	(tm) =	ssettm $0x1  }
0x91: {  	s17 =	sld [smem:$0x3FFB];
	_ =	sdelay $0x3  }
0x92: {  	_ =	strace s17  }
0x93: {  	s2 =	sld [smem:$0x3FFC];
	_ =	sdelay $0x3  }
0x94: {  	_ =	strace s2  }
0x95: {  	s2 =	sld [smem:$0x3FFD];
	_ =	sdelay $0x3  }
0x96: {  	_ =	strace s2  }
0x97: {  	_ =	strace $0x8FFFFFFF  }
0x98: {  	s18 =	sld [smem:$0x3FDB];
	_ =	sdelay $0x1  }
0x99: {  	s19 =	simm.s32 $_scs_section_size  }
0x9a: {  	s4 =	simm.s32 $_size__tile_overlayer_lowered;
	s5 =	simm.s32 $_tile_overlayer_lowered  }
0x9b: {  	s22 =	simm.s32 $0x1BFF;
	s21 =	sshll.u32 s5, $0x1;
	s2 =	sadd.s32 s19, s18  }
0x9c: {  	s6 =	simm.s32 $0x0;
	s20 =	sshll.u32 s4, $0x1;
	s4 =	sadd.s32 s21, s2  }
0x9d: {  	[timem:s6], [sflag:s22] =	dma.local [hbm:s4], s20  }
0x9e: {  	_ =	swait.ge [sflag:s22], s20  }
0x9f: {  	s3 =	ssub.s32 $0x0, s20;
	[sflag:s22] =	ssyncset.done $0x0  }
0xa0: {  	[sflag:s22] =	ssyncadd.s32 s3;
	_ =	sdelay $0x1  }
0xa1: {  	s23 =	simm.s32 $0x1B8B  }
0xa2: {  	_ =	swait.ge [sflag:s23], $0x1  }
0xa3: {  	[sflag:s23] =	ssyncset.done $0x0  }
0xa4: {  	s25 =	simm.s32 $0x1B8E;
	s24 =	sld [smem:$0x3FFE];
	[sflag:s23] =	ssyncadd.s32 $0xFFFFFFFF  }
0xa5: {  	s26 =	simm.s32 $execute0_lowered;
	[smem:$0x3FD2] =	sst s25  }
0xa6: {  	s4 =	sshll.u32 s26, $0x1;
	_ =	strace $0x8000004C;
	[dreg:$0x1] =	wrdreg $0xFFFFFFFF  }
0xa7: {  	s28 =	simm.s32 $_size_execute0_lowered;
	s2 =	sadd.s32 s2, s4;
	[dreg:$0x0] =	wrdreg $0x0  }
0xa8: {  	s4 =	sshll.u32 s28, $0x1;
	[dreg:$0x2] =	wrdreg s2  }
0xa9: {  	[dreg:$0x3] =	wrdreg s4  }
0xaa: {  	[dreg:$0x4] =	wrdreg $0xC0  }
0xab: {  	_ =	task [dreg:s6], $0x5FFFF  }
0xac: {  	[dreg:$0x1] =	wrdreg $0xFFFFFFFF  }
0xad: {  	[dreg:$0x0] =	wrdreg $0x60  }
0xae: {  	[dreg:$0x2] =	wrdreg s24  }
0xaf: {  	[dreg:$0x3] =	wrdreg $0xB8000  }
0xb0: {  	[dreg:$0x4] =	wrdreg $0x158000  }
0xb1: {  	[dreg:$0x5] =	wrdreg $0x9  }
0xb2: {  	_ =	task.clear_ibuf [dreg:s6], $0x6FFFF;
	_ =	strace $0x9000004C  }
0xb3: {  	s29 =	simm.s32 $0x9;
	_ =	strace $0x8000004E  }
0xb4: {  	_ =	swait.ge [sflag:s29], $0x1  }
0xb5: {  	[sflag:s29] =	ssyncadd.s32 $0xFFFFFFFF  }
0xb6: {  	_ =	strace $0x9000004E  }
0xb7: {  	_ =	sfence  }
0xb8: {  	s30 =	sld [smem:$0x0];
	_ =	sdelay $0x2  }
0xb9: {  	s31 =	sshll.u32 s1, $0xD;
	s1 =	sshrl.u32 s1, $0x2  }
0xba: {  	s3 =	sand.u32 $0x4000, s31;
	s1 =	sadd.s32 s1, s30  }
0xbb: {  	s0 =	sor.u32 s3, s0;
	s1 =	sshll.u32 s1, $0x11  }
0xbc: {  	s0 =	sor.u32 s1, s0  }
0xbd: {  	s0 =	sadd.s32 $0x8F2B, s0  }
0xbe: {  	[sflag:s0] =	ssyncadd.remote.s32 $0x1  }
0xbf: {  	_ =	sfence.sel $0xFFFF  }
0xc0: {  	[dreg:$0x0] =	wrdreg $0xFFFFFFFF;
	(pc) =	sbr.abs _section_cstart, $3  }
0xc1: {  	[dreg:$0x1] =	wrdreg $0xFFFFFFFF  }
0xc2: {  	_ =	task.clear_ibuf [dreg:s6], $0x2FFFF;
	_ =	strace $0x9FFFFFFF  }
0xc3: {  	(tm) =	ssettm $0x7FFFFFFF  }
tec
execute0_lowered:
.L_overlay_start_1:
0x0: {  	(tag) =	ssettag $0x1  }
0x1: {  	s0 =	rddreg [dreg:$0x0]  }
0x2: {  	s1 =	rddreg [dreg:$0x1]  }
0x3: {  	s2 =	rddreg [dreg:$0x2];
	s3 =	srdreg.scid;
	s5 =	simm.s32 $0x0  }
0x4: {  	s8 =	stileid.u32;
	s29 =	simm.s32 $0x6800;
	s30 =	simm.s32 $0x1  }
0x5: {  	s31 =	simm.s32 $0x5;
	s28 =	simm.s32 $0x3;
	s9 =	simm.s32 $0x0  }
0x6: {  	s3 =	sand.u32 $0x1, s3;
	[smem:$0x7FF] =	sst s5;
	s12 =	smul.u32 $0xA000, s8  }
0x7: {  	s5 =	simm.s32 $0x4;
	s4 =	sshll.u32 s3, $0x4;
	_ =	strace $0x8000004D  }
0x8: {  	s7 =	ssub.s32 $0x2, s3;
	s4 =	sor.u32 s8, s4;
	s8 =	smul.u32 $0x28000, s8  }
0x9: {  	p0 =	seq.s32 s3, $0x1;
	s6 =	sshrl.u32 s12, $0x3;
	s4 =	smul.u32 $0x280, s4  }
0xa: {  	s3 =	simm.s32 $0x49A00;
	s13 =	sshrl.u32 s7, $0x1;
	s6 =	sadd.s32 s6, s0  }
0xb: {  	s15 =	sshrl.u32 s8, $0x2;
	s18 =	sadd.s32 $0x35A00, s6;
	s0 =	sadd.s32 s4, s0  }
0xc: {  	s4 =	ssub.s32 s7, s13;
	[dreg:$0x6] =	wrdreg s18;
	s14 =	sadd.s32 $0x8A00, s0  }
0xd: {  	s7 =	sadd.s32 s15, s2;
	s0 =	sadd.s32 $0x2E00, s0;
	[dreg:$0x4] =	wrdreg s14  }
0xe: {  	s16 =	sadd.s32 s12, s1;
	s19 =	sadd.s32 $0x1000, s7;
	[dreg:$0x5] =	wrdreg s0  }
0xf: {  	s3 =	simm.s32 @!p0 $0x5DA00;
	s20 =	sadd.s32 $0x2000, s7;
	[dreg:$0x7] =	wrdreg s19  }
0x10: {  	s8 =	sadd.s32 s12, s2;
	s21 =	sadd.s32 $0x3000, s7;
	[dreg:$0x8] =	wrdreg s20  }
0x11: {  	s22 =	sadd.s32 $0x4000, s7;
	s23 =	sadd.s32 $0x5000, s7;
	[dreg:$0x9] =	wrdreg s21  }
0x12: {  	s24 =	sadd.s32 $0x6000, s7;
	s25 =	sadd.s32 $0x7000, s7;
	[dreg:$0xa] =	wrdreg s22  }
0x13: {  	s26 =	sadd.s32 $0x8000, s7;
	s17 =	sadd.s32 $0x9000, s7;
	[dreg:$0xb] =	wrdreg s23  }
0x14: {  	s18 =	smax.u32 s4, $0x1;
	s4 =	simm.s32 $0x6;
	[dreg:$0xc] =	wrdreg s24  }
.Ltmp0:
0x15: {  	s7 =	simm.s32 $0x8;
	[dreg:$0xd] =	wrdreg s25;
	(pc) =	sbr.rel .LBB2_1-.Ltmp0, $4  }
0x16: {  	[dreg:$0xe] =	wrdreg s26;
	s19 =	sadd.s32 s3, s6;
	s20 =	simm.s32 $0x9  }
0x17: {  	s21 =	simm.s32 $0x1400;
	s22 =	sshrl.u32 s16, $0x3;
	s23 =	simm.s32 $0xA800  }
0x18: {  	s24 =	simm.s32 $0x80;
	s25 =	simm.s32 $0x2800;
	s26 =	simm.s32 $0x4800  }
0x19: {  	v0 =	vimm.f32 $0.0e+00;
	s0 =	simm.s32 $0x8800;
	s3 =	simm.s32 $0x2;
	s6 =	simm.s32 $0x7  }
.LBB2_6:
0x1a: {  	_ =	swait.ge [sflag:s31], $0x2000  }
0x1b: {  	[sflag:s31] =	ssyncset.done $0x0  }
0x1c: {  	[sflag:s31] =	ssyncadd.s32 $0xFFFFE000  }
0x1d: {  	_ =	swait.ge [sflag:s4], $0x2000  }
0x1e: {  	[sflag:s4] =	ssyncset.done $0x0  }
0x1f: {  	[sflag:s4] =	ssyncadd.s32 $0xFFFFE000  }
0x20: {  	_ =	swait.ge [sflag:s6], $0x2000  }
0x21: {  	[sflag:s6] =	ssyncset.done $0x0  }
0x22: {  	[sflag:s6] =	ssyncadd.s32 $0xFFFFE000  }
0x23: {  	_ =	swait.ge [sflag:s7], $0x2000  }
0x24: {  	s9 =	sadd.s32 $0x1, s9;
	[sflag:s7] =	ssyncset.done $0x0  }
0x25: {  	p0 =	sne.s32 s9, s18;
	[sflag:s7] =	ssyncadd.s32 $0xFFFFE000  }
.Ltmp1:
0x26: {  	s11 =	sshrl.u32 s8, $0x3;
	[bflag:$0x0] =	sbarrier.arrive $0xFFFF;
	(pc) =	sbr.rel @!p0 .LBB2_7-.Ltmp1, $4  }
0x27: {  	[hbm:s19], [sflag:s10] =	dma.local [spmem:s11], $0x1400  }
0x28: {  	_ =	swait.ge [sflag:s20], $0x1400  }
0x29: {  	[sflag:s20] =	ssyncset.done $0x0  }
0x2a: {  	[sflag:s20] =	ssyncadd.s32 $0xFFFFEC00  }
.LBB2_1:
0x2b: {  	s10 =	simm.s32 $0x0;
	s11 =	rddreg [dreg:$0x4]  }
0x2c: {  	[tilespmem:s10], [sflag:$0x9] =	stream.linear.gather [hbm4b:s11+s10], $0x1400, $0x38;
	[tilespmem:$0x1F800] =	vst v63  }
0x2d: {  	_ =	swait.ge [sflag:s20], $0x1400  }
0x2e: {  	[sflag:s20] =	ssyncset.done $0x0  }
0x2f: {  	s14 =	rddreg [dreg:$0x5];
	[sflag:s20] =	ssyncadd.s32 $0xFFFFEC00  }
0x30: {  	[tilespmem:s21], [sflag:$0x9] =	stream.linear.gather [hbm4b:s14+s10], $0x1400, $0x38;
	[tilespmem:$0x1F800] =	vst v63  }
0x31: {  	s15 =	stileid.u32;
	_ =	swait.ge [sflag:s20], $0x1400  }
0x32: {  	s10 =	sshll.u32 s15, $0x6;
	[sflag:s20] =	ssyncset.done $0x0  }
0x33: {  	s10 =	sor.u32 $0x1C09, s10;
	s16 =	rddreg [dreg:$0x6];
	[sflag:s20] =	ssyncadd.s32 $0xFFFFEC00  }
0x34: {  	[spmem:s22], [sflag:s10] =	dma.local [hbm:s16], $0x1400  }
0x35: {  	_ =	swait.ge [sflag:s20], $0x1400  }
0x36: {  	[sflag:s20] =	ssyncset.done $0x0  }
0x37: {  	s12 =	simm.s32 $0x100;
	s11 =	simm.s32 $0x0;
	[sflag:s20] =	ssyncadd.s32 $0xFFFFEC00  }
.LBB2_2:
0x38: {  	p0 =	sne.s32 s12, $0x3F00;
	[tilespmem:s11+$0xA830] =	vst v0;
	s13 =	smov.u32 s12;
	s12 =	sadd.s32 $0x100, s12  }
.Ltmp2:
0x39: {  	[tilespmem:s11+$0xA820] =	vst v0;
	(pc) =	sbr.rel @p0 .LBB2_2-.Ltmp2, $3  }
0x3a: {  	[tilespmem:s11+$0xA800] =	vst v0  }
0x3b: {  	[tilespmem:s11+$0xA810] =	vst v0;
	_ =	sdelay $0x1  }
0x3c: {  	s11 =	sshra.s32 s13, $0x2  }
0x3d: {  	[tilespmem:s11+$0xA830] =	vst v0  }
0x3e: {  	[tilespmem:s11+$0xA820] =	vst v0  }
0x3f: {  	[tilespmem:s11+$0xA800] =	vst v0  }
0x40: {  	[tilespmem:s11+$0xA810] =	vst v0  }
0x41: {  	[spmem:s8] =	stream.linear.scatter [tilespmem:s23], [sflag:$0x9], $0x1000, $0x38;
	[tilespmem:$0x1F800] =	vst v63  }
0x42: {  	_ =	swait.ge [sflag:s20], $0x1000  }
0x43: {  	[sflag:s20] =	ssyncset.done $0x0  }
0x44: {  	s16 =	rddreg [dreg:$0x7];
	[sflag:s20] =	ssyncadd.s32 $0xFFFFF000  }
0x45: {  	[spmem:s16] =	stream.linear.scatter [tilespmem:s23], [sflag:$0x9], $0x1000, $0x38;
	[tilespmem:$0x1F800] =	vst v63  }
0x46: {  	_ =	swait.ge [sflag:s20], $0x1000  }
0x47: {  	[sflag:s20] =	ssyncset.done $0x0  }
0x48: {  	s12 =	rddreg [dreg:$0x8];
	[sflag:s20] =	ssyncadd.s32 $0xFFFFF000  }
0x49: {  	[spmem:s12] =	stream.linear.scatter [tilespmem:s23], [sflag:$0x9], $0x1000, $0x38;
	[tilespmem:$0x1F800] =	vst v63  }
0x4a: {  	_ =	swait.ge [sflag:s20], $0x1000  }
0x4b: {  	[sflag:s20] =	ssyncset.done $0x0  }
0x4c: {  	s13 =	rddreg [dreg:$0x9];
	[sflag:s20] =	ssyncadd.s32 $0xFFFFF000  }
0x4d: {  	[spmem:s13] =	stream.linear.scatter [tilespmem:s23], [sflag:$0x9], $0x1000, $0x38;
	[tilespmem:$0x1F800] =	vst v63  }
0x4e: {  	_ =	swait.ge [sflag:s20], $0x1000  }
0x4f: {  	[sflag:s20] =	ssyncset.done $0x0  }
0x50: {  	s14 =	rddreg [dreg:$0xa];
	[sflag:s20] =	ssyncadd.s32 $0xFFFFF000  }
0x51: {  	[spmem:s14] =	stream.linear.scatter [tilespmem:s23], [sflag:$0x9], $0x1000, $0x38;
	[tilespmem:$0x1F800] =	vst v63  }
0x52: {  	_ =	swait.ge [sflag:s20], $0x1000  }
0x53: {  	[sflag:s20] =	ssyncset.done $0x0  }
0x54: {  	s15 =	rddreg [dreg:$0xb];
	[sflag:s20] =	ssyncadd.s32 $0xFFFFF000  }
0x55: {  	[spmem:s15] =	stream.linear.scatter [tilespmem:s23], [sflag:$0x9], $0x1000, $0x38;
	[tilespmem:$0x1F800] =	vst v63  }
0x56: {  	_ =	swait.ge [sflag:s20], $0x1000  }
0x57: {  	[sflag:s20] =	ssyncset.done $0x0  }
0x58: {  	s16 =	rddreg [dreg:$0xc];
	[sflag:s20] =	ssyncadd.s32 $0xFFFFF000  }
0x59: {  	[spmem:s16] =	stream.linear.scatter [tilespmem:s23], [sflag:$0x9], $0x1000, $0x38;
	[tilespmem:$0x1F800] =	vst v63  }
0x5a: {  	_ =	swait.ge [sflag:s20], $0x1000  }
0x5b: {  	[sflag:s20] =	ssyncset.done $0x0  }
0x5c: {  	s12 =	rddreg [dreg:$0xd];
	[sflag:s20] =	ssyncadd.s32 $0xFFFFF000  }
0x5d: {  	[spmem:s12] =	stream.linear.scatter [tilespmem:s23], [sflag:$0x9], $0x1000, $0x38;
	[tilespmem:$0x1F800] =	vst v63  }
0x5e: {  	_ =	swait.ge [sflag:s20], $0x1000  }
0x5f: {  	[sflag:s20] =	ssyncset.done $0x0  }
0x60: {  	s13 =	rddreg [dreg:$0xe];
	[sflag:s20] =	ssyncadd.s32 $0xFFFFF000  }
0x61: {  	[spmem:s13] =	stream.linear.scatter [tilespmem:s23], [sflag:$0x9], $0x1000, $0x38;
	[tilespmem:$0x1F800] =	vst v63  }
0x62: {  	_ =	swait.ge [sflag:s20], $0x1000  }
0x63: {  	[sflag:s20] =	ssyncset.done $0x0  }
0x64: {  	[sflag:s20] =	ssyncadd.s32 $0xFFFFF000  }
0x65: {  	[spmem:s17] =	stream.linear.scatter [tilespmem:s23], [sflag:$0x9], $0x1000, $0x38;
	[tilespmem:$0x1F800] =	vst v63  }
0x66: {  	_ =	swait.ge [sflag:s20], $0x1000  }
0x67: {  	[sflag:s20] =	ssyncset.done $0x0  }
0x68: {  	[sflag:s20] =	ssyncadd.s32 $0xFFFFF000  }
0x69: {  	s11 =	simm.s32 $0x0;
	[bflag:$0x0] =	sbarrier.arrive $0xFFFF  }
0x6a: {  	[tilespmem:s25], [sflag:$0x1] =	stream.indirect.gather [spmem:s1], $0x40, s11, s24, $0xb8;
	[tilespmem:$0x1F800] =	vst v63  }
0x6b: {  	_ = 	snop  }
0x6c: {  	[tilespmem:s26], [sflag:$0x2] =	stream.indirect.gather [spmem:s1], $0x40, s24, s24, $0xb8;
	[tilespmem:$0x1F800] =	vst v63  }
0x6d: {  	s12 =	simm.s32 $0x100  }
0x6e: {  	[tilespmem:s29], [sflag:$0x3] =	stream.indirect.gather [spmem:s1], $0x40, s12, s24, $0xb8;
	[tilespmem:$0x1F800] =	vst v63  }
0x6f: {  	_ =	swait.ge [sflag:s30], $0x2000  }
0x70: {  	[sflag:s30] =	ssyncset.done $0x0  }
0x71: {  	[sflag:s30] =	ssyncadd.s32 $0xFFFFE000  }
0x72: {  	[spmem:s2] =	stream.indirect.scatter.add.f32 [tilespmem:s25], [sflag:$0x5], $0x40, s21, s24, $0xb8;
	[tilespmem:$0x1F800] =	vst v63  }
0x73: {  	s14 =	simm.s32 $0x180  }
0x74: {  	[tilespmem:s0], [sflag:$0x4] =	stream.indirect.gather [spmem:s1], $0x40, s14, s24, $0xb8;
	[tilespmem:$0x1F800] =	vst v63  }
0x75: {  	_ =	swait.ge [sflag:s3], $0x2000  }
0x76: {  	[sflag:s3] =	ssyncset.done $0x0  }
0x77: {  	s15 =	simm.s32 $0x1480;
	[sflag:s3] =	ssyncadd.s32 $0xFFFFE000  }
0x78: {  	[spmem:s2] =	stream.indirect.scatter.add.f32 [tilespmem:s26], [sflag:$0x6], $0x40, s15, s24, $0xb8;
	[tilespmem:$0x1F800] =	vst v63  }
0x79: {  	_ =	swait.ge [sflag:s31], $0x2000  }
0x7a: {  	[sflag:s31] =	ssyncset.done $0x0  }
0x7b: {  	s16 =	simm.s32 $0x200;
	[sflag:s31] =	ssyncadd.s32 $0xFFFFE000  }
0x7c: {  	[tilespmem:s25], [sflag:$0x1] =	stream.indirect.gather [spmem:s1], $0x40, s16, s24, $0xb8;
	[tilespmem:$0x1F800] =	vst v63  }
0x7d: {  	_ =	swait.ge [sflag:s28], $0x2000  }
0x7e: {  	[sflag:s28] =	ssyncset.done $0x0  }
0x7f: {  	s13 =	simm.s32 $0x1500;
	[sflag:s28] =	ssyncadd.s32 $0xFFFFE000  }
0x80: {  	[spmem:s2] =	stream.indirect.scatter.add.f32 [tilespmem:s29], [sflag:$0x7], $0x40, s13, s24, $0xb8;
	[tilespmem:$0x1F800] =	vst v63  }
0x81: {  	_ =	swait.ge [sflag:s4], $0x2000  }
0x82: {  	[sflag:s4] =	ssyncset.done $0x0  }
0x83: {  	s14 =	simm.s32 $0x280;
	[sflag:s4] =	ssyncadd.s32 $0xFFFFE000  }
0x84: {  	[tilespmem:s26], [sflag:$0x2] =	stream.indirect.gather [spmem:s1], $0x40, s14, s24, $0xb8;
	[tilespmem:$0x1F800] =	vst v63  }
0x85: {  	_ =	swait.ge [sflag:s5], $0x2000  }
0x86: {  	[sflag:s5] =	ssyncset.done $0x0  }
0x87: {  	s15 =	simm.s32 $0x1580;
	[sflag:s5] =	ssyncadd.s32 $0xFFFFE000  }
0x88: {  	[spmem:s2] =	stream.indirect.scatter.add.f32 [tilespmem:s0], [sflag:$0x8], $0x40, s15, s24, $0xb8;
	[tilespmem:$0x1F800] =	vst v63  }
0x89: {  	_ =	swait.ge [sflag:s6], $0x2000  }
0x8a: {  	[sflag:s6] =	ssyncset.done $0x0  }
0x8b: {  	s16 =	simm.s32 $0x300;
	[sflag:s6] =	ssyncadd.s32 $0xFFFFE000  }
0x8c: {  	[tilespmem:s29], [sflag:$0x3] =	stream.indirect.gather [spmem:s1], $0x40, s16, s24, $0xb8;
	[tilespmem:$0x1F800] =	vst v63  }
.LBB2_4:
0x8d: {  	_ =	swait.ge [sflag:s30], $0x2000  }
0x8e: {  	s12 =	sshra.s32 s11, $0x2;
	[sflag:s30] =	ssyncset.done $0x0  }
0x8f: {  	s13 =	sadd.s32 $0x1600, s12;
	[sflag:s30] =	ssyncadd.s32 $0xFFFFE000  }
0x90: {  	[spmem:s2] =	stream.indirect.scatter.add.f32 [tilespmem:s25], [sflag:$0x5], $0x40, s13, s24, $0xb8;
	[tilespmem:$0x1F800] =	vst v63  }
0x91: {  	_ =	swait.ge [sflag:s7], $0x2000  }
0x92: {  	[sflag:s7] =	ssyncset.done $0x0  }
0x93: {  	s14 =	sadd.s32 $0x380, s12;
	[sflag:s7] =	ssyncadd.s32 $0xFFFFE000  }
0x94: {  	[tilespmem:s0], [sflag:$0x4] =	stream.indirect.gather [spmem:s1], $0x40, s14, s24, $0xb8;
	[tilespmem:$0x1F800] =	vst v63  }
0x95: {  	_ =	swait.ge [sflag:s3], $0x2000  }
0x96: {  	p0 =	seq.s32 s11, $0x4000;
	[sflag:s3] =	ssyncset.done $0x0  }
0x97: {  	s15 =	sadd.s32 $0x1680, s12;
	s13 =	simm.s32 @p0 $0x3;
	[sflag:s3] =	ssyncadd.s32 $0xFFFFE000  }
0x98: {  	[spmem:s2] =	stream.indirect.scatter.add.f32 [tilespmem:s26], [sflag:$0x6], $0x40, s15, s24, $0xb8;
	[tilespmem:$0x1F800] =	vst v63  }
0x99: {  	_ =	swait.ge @p0 [sflag:s13], $0x2000  }
0x9a: {  	[sflag:s13] =	ssyncset.done @p0 $0x0  }
0x9b: {  	[sflag:s13] =	ssyncadd.s32 @p0 $0xFFFFE000;
	s13 =	sshra.s32 @p0 s11, $0x2  }
0x9c: {  	s14 =	simm.s32 @p0 $0x80;
	s15 =	simm.s32 @p0 $0x6800;
	s13 =	sadd.s32 @p0 $0x1700, s13  }
0x9d: {  	[spmem:s2] =	stream.indirect.scatter.add.f32 @p0 [tilespmem:s15], [sflag:$0x7], $0x40, s13, s14, $0xb8;
	[tilespmem:$0x1F800] =	vst v63  }
0x9e: {  	s13 =	simm.s32 @!p0 $0x5  }
0x9f: {  	_ =	swait.ge @!p0 [sflag:s13], $0x2000  }
0xa0: {  	[sflag:s13] =	ssyncset.done @!p0 $0x0  }
0xa1: {  	[sflag:s13] =	ssyncadd.s32 @!p0 $0xFFFFE000;
	s13 =	sshra.s32 @!p0 s11, $0x2  }
0xa2: {  	s16 =	simm.s32 @!p0 $0x2800;
	s15 =	simm.s32 @!p0 $0x80;
	s14 =	sadd.s32 @!p0 $0x400, s13  }
0xa3: {  	[tilespmem:s16], [sflag:$0x1] =	stream.indirect.gather @!p0 [spmem:s1], $0x40, s14, s15, $0xb8;
	[tilespmem:$0x1F800] =	vst v63  }
0xa4: {  	s14 =	simm.s32 @!p0 $0x3  }
0xa5: {  	_ =	swait.ge @!p0 [sflag:s14], $0x2000  }
0xa6: {  	[sflag:s14] =	ssyncset.done @!p0 $0x0  }
0xa7: {  	s16 =	simm.s32 @!p0 $0x6800;
	[sflag:s14] =	ssyncadd.s32 @!p0 $0xFFFFE000;
	s14 =	sadd.s32 @!p0 $0x1700, s13  }
0xa8: {  	[spmem:s2] =	stream.indirect.scatter.add.f32 @!p0 [tilespmem:s16], [sflag:$0x7], $0x40, s14, s15, $0xb8;
	[tilespmem:$0x1F800] =	vst v63  }
0xa9: {  	s14 =	simm.s32 @!p0 $0x6  }
0xaa: {  	_ =	swait.ge @!p0 [sflag:s14], $0x2000  }
0xab: {  	[sflag:s14] =	ssyncset.done @!p0 $0x0  }
0xac: {  	s13 =	sadd.s32 @!p0 $0x480, s13;
	[sflag:s14] =	ssyncadd.s32 @!p0 $0xFFFFE000;
	s14 =	simm.s32 @!p0 $0x4800  }
0xad: {  	[tilespmem:s14], [sflag:$0x2] =	stream.indirect.gather @!p0 [spmem:s1], $0x40, s13, s15, $0xb8;
	[tilespmem:$0x1F800] =	vst v63  }
.Ltmp3:
0xae: {  	_ = 	snop;
	(pc) =	sbr.rel @p0 .LBB2_6-.Ltmp3, $4  }
0xaf: {  	_ =	swait.ge [sflag:s5], $0x2000  }
0xb0: {  	[sflag:s5] =	ssyncset.done $0x0  }
0xb1: {  	s16 =	sadd.s32 $0x1780, s12;
	[sflag:s5] =	ssyncadd.s32 $0xFFFFE000  }
0xb2: {  	[spmem:s2] =	stream.indirect.scatter.add.f32 [tilespmem:s0], [sflag:$0x8], $0x40, s16, s24, $0xb8;
	[tilespmem:$0x1F800] =	vst v63  }
.Ltmp4:
0xb3: {  	(pc) =	sbr.rel .LBB2_4-.Ltmp4, $4  }
0xb4: {  	_ =	swait.ge [sflag:s6], $0x2000  }
0xb5: {  	[sflag:s6] =	ssyncset.done $0x0  }
0xb6: {  	s12 =	sadd.s32 $0x500, s12;
	s11 =	sadd.s32 $0x800, s11;
	[sflag:s6] =	ssyncadd.s32 $0xFFFFE000  }
0xb7: {  	[tilespmem:s29], [sflag:$0x3] =	stream.indirect.gather [spmem:s1], $0x40, s12, s24, $0xb8;
	[tilespmem:$0x1F800] =	vst v63  }
.LBB2_7:
0xb8: {  	_ =	sfence.sel $0x180000  }
0xb9: {  	[bflag:$0x0] =	sbarrier.arrive $0xFFFF  }
0xba: {  	_ =	strace $0x9000004D  }
0xbb: {  	s0 =	stileid.u32;
	[bflag:$0x2] =	sbarrier.arrive $0xFFFF  }
0xbc: {  	p0 =	sne.s32 s0, $0x0;
	s0 =	rddreg [dreg:$0x3]  }
0xbd: {  	s0 =	sadd.s32 @!p0 $0x100000, s0  }
0xbe: {  	[sflag:s0] =	ssyncadd.tile.s32 @!p0 $0x1;
	_ =	shalt  }
.Lfunc_end2:
_tile_overlayer_lowered:
.L_overlay_start_2:
0xbf: {  	(tag) =	ssettag $0x2  }
0xc0: {  	s0 =	rddreg [dreg:$0x0];
	s2 =	stileid.u32  }
0xc1: {  	s1 =	rddreg [dreg:$0x1];
	p0 =	sne.s32 s2, $0x0  }
0xc2: {  	s3 =	rddreg [dreg:$0x2];
	[bflag:$0x3] =	sbarrier.arrive $0xFFFF;
	s2 =	simm.s32 @!p0 $0x1C09  }
0xc3: {  	[timem:s3], [sflag:s2] =	dma.local @!p0 [hbm:s0], s1  }
0xc4: {  	s0 =	simm.s32 @!p0 $0x9  }
0xc5: {  	_ =	swait.ge @!p0 [sflag:s0], s1  }
0xc6: {  	s1 =	ssub.s32 @!p0 $0x0, s1;
	[sflag:s0] =	ssyncset.done @!p0 $0x0  }
0xc7: {  	[sflag:s0] =	ssyncadd.s32 @!p0 s1  }
0xc8: {  	[bflag:$0x3] =	sbarrier.arrive $0xFFFF  }
0xc9: {  	_ =	shalt  }

// kernel: kernel.8.cloned.1.call-start
scs
__scs_entry_jumppad:
0x0: {  	(pc) =	sbr.rel $0x88, $3  }
0x1: {  	(tag) =	ssettag $0x0;
	lr =	simm.s32 $0x1  }
0x2: {  	[smem:$0x3F97] =	sst lr;
	_ =	strace $0xD0000000  }
0x3: {  	_ = 	snop  }
0x4: {  	_ = 	snop  }
0x5: {  	_ = 	snop  }
0x6: {  	_ = 	snop  }
0x7: {  	_ = 	snop  }
__scs_overlays_trampoline_lowered:
0x8: {  	[smem:$0x3FA6] =	sst s0  }
0x9: {  	[smem:$0x3FA7] =	sst s1  }
0xa: {  	[smem:$0x3FA8] =	sst s2  }
0xb: {  	[smem:$0x3FA9] =	sst s3  }
0xc: {  	[smem:$0x3FAA] =	sst s4  }
0xd: {  	[smem:$0x3FAB] =	sst s5  }
0xe: {  	[smem:$0x3FAC] =	sst s6  }
0xf: {  	[smem:$0x3FAD] =	sst s7  }
0x10: {  	[smem:$0x3FAE] =	sst s8  }
0x11: {  	[smem:$0x3FAF] =	sst s9;
	s0 =	simm.s32 @!p0 $0x0  }
0x12: {  	s1 =	sld [smem:$0x3F95];
	s0 =	simm.s32 @p0 $0x1  }
0x13: {  	[smem:$0x3FB0] =	sst s0;
	s0 =	simm.s32 @!p1 $0x0  }
0x14: {  	s2 =	sld [smem:$0x3F94];
	s0 =	simm.s32 @p1 $0x1  }
0x15: {  	[smem:$0x3FB1] =	sst s0;
	s0 =	simm.s32 @!p2 $0x0  }
0x16: {  	s3 =	sld [smem:$0x3FDB];
	s0 =	simm.s32 @p2 $0x1  }
0x17: {  	s4 =	simm.s32 $0x1BF5;
	[smem:$0x3FB3] =	sst s0  }
0x18: {  	s0 =	sld [smem:$0x3F96];
	_ =	swait.ge [sflag:s4], $0x0  }
0x19: {  	s7 =	sld [smem:$0x3F97]  }
0x1a: {  	s8 =	sadd.s32 $0xFFFFE003, lr  }
0x1b: {  	s9 =	sadd.s32 $0xFFFFFEF7, lr;
	s5 =	simm.s32 $0xFFFFFFFF;
	p2 =	slt.u32 s8, $0xFFFFF086  }
0x1c: {  	p1 =	slt.u32 s9, $0xF7A;
	s5 =	simm.s32 @!p2 $0x0  }
0x1d: {  	s5 =	simm.s32 @p1 $0x1;
	p0 =	seq.s32 s7, s2  }
0x1e: {  	s7 =	smul.u32 @!p0 $0xF7A, s2;
	p2 =	seq.s32 @!p0 s5, $0x0  }
0x1f: {  	s9 =	smul.u32 $0xF7A, s1;
	s8 =	simm.s32 @!p0 $0x1BF5;
	p2 =	por !p2, p0  }
0x20: {  	[sflag:s8] =	ssyncset.s32 @!p0 $0xFFFFF086;
	s6 =	sadd.s32 @!p0 s3, s7;
	s7 =	simm.s32 @!p0 $0x108  }
0x21: {  	s3 =	sadd.s32 s3, s9;
	s6 =	sadd.s32 @!p0 $0x88, s6;
	s7 =	simm.s32 @p2 $0x1082  }
0x22: {  	[simem:s7], [sflag:s8] =	dma.local @!p0 [hbm:s6], $0xF7A  }
0x23: {  	s9 =	sor.u32 $0xD0000000, s2;
	s6 =	simm.s32 $0x108;
	_ =	swait.ge @!p0 [sflag:s8], $0x0  }
0x24: {  	s3 =	sadd.s32 $0x88, s3;
	s6 =	simm.s32 @!p1 $0x1082;
	[sflag:s4] =	ssyncset.s32 $0xFFFFF086  }
0x25: {  	[simem:s6], [sflag:s4] =	dma.local [hbm:s3], $0xF7A  }
0x26: {  	[smem:$0x3F97] =	sst s1;
	(tag) =	ssettag s2;
	_ =	strace s9  }
0x27: {  	s1 =	sld [smem:$0x3FA7]  }
0x28: {  	s2 =	sld [smem:$0x3FA8]  }
0x29: {  	s4 =	sld [smem:$0x3FAA]  }
0x2a: {  	p0 =	seq.s32 s5, $0x0;
	s5 =	sld [smem:$0x3FAB]  }
0x2b: {  	s6 =	sld [smem:$0x3FAC]  }
0x2c: {  	s7 =	sld [smem:$0x3FAD]  }
0x2d: {  	s3 =	simm.s32 $0x108;
	s8 =	sld [smem:$0x3FAE]  }
0x2e: {  	s3 =	simm.s32 @!p0 $0x1082;
	s9 =	sld [smem:$0x3FAF]  }
0x2f: {  	lr =	sadd.s32 s0, s3;
	s0 =	sld [smem:$0x3FA6]  }
0x30: {  	s3 =	sld [smem:$0x3FA9]  }
0x31: {  	[smem:$0x3FB2] =	sst s10  }
0x32: {  	s10 =	sld [smem:$0x3FB0];
	_ =	sdelay $0x3  }
0x33: {  	p0 =	seq.s32 s10, $0x1;
	s10 =	sld [smem:$0x3FB2];
	_ =	sdelay $0x3  }
0x34: {  	[smem:$0x3FB2] =	sst s10  }
0x35: {  	s10 =	sld [smem:$0x3FB1];
	_ =	sdelay $0x3  }
0x36: {  	p1 =	seq.s32 s10, $0x1;
	s10 =	sld [smem:$0x3FB2];
	_ =	sdelay $0x3  }
0x37: {  	[smem:$0x3FB2] =	sst s10  }
0x38: {  	s10 =	sld [smem:$0x3FB3]  }
0x39: {  	_ = 	snop;
	(pc) =	sbr.ind lr, $3  }
0x3a: {  	_ = 	snop  }
0x3b: {  	_ = 	snop  }
0x3c: {  	p2 =	seq.s32 s10, $0x1;
	s10 =	sld [smem:$0x3FB2]  }
0x3d: {  	_ =	shalt  }
0x3e: {  	_ =	shalt  }
0x3f: {  	_ =	shalt  }
0x40: {  	_ =	shalt  }
0x41: {  	_ =	shalt  }
0x42: {  	_ =	shalt  }
0x43: {  	_ =	shalt  }
0x44: {  	_ =	shalt  }
0x45: {  	_ =	shalt  }
0x46: {  	_ =	shalt  }
0x47: {  	_ =	shalt  }
0x48: {  	_ =	shalt  }
0x49: {  	_ =	shalt  }
0x4a: {  	_ =	shalt  }
0x4b: {  	_ =	shalt  }
0x4c: {  	_ =	shalt  }
0x4d: {  	_ =	shalt  }
0x4e: {  	_ =	shalt  }
0x4f: {  	_ =	shalt  }
0x50: {  	_ =	shalt  }
0x51: {  	_ =	shalt  }
0x52: {  	_ =	shalt  }
0x53: {  	_ =	shalt  }
0x54: {  	_ =	shalt  }
0x55: {  	_ =	shalt  }
0x56: {  	_ =	shalt  }
0x57: {  	_ =	shalt  }
0x58: {  	_ =	shalt  }
0x59: {  	_ =	shalt  }
0x5a: {  	_ =	shalt  }
0x5b: {  	_ =	shalt  }
0x5c: {  	_ =	shalt  }
0x5d: {  	_ =	shalt  }
0x5e: {  	_ =	shalt  }
0x5f: {  	_ =	shalt  }
0x60: {  	_ =	shalt  }
0x61: {  	_ =	shalt  }
0x62: {  	_ =	shalt  }
0x63: {  	_ =	shalt  }
0x64: {  	_ =	shalt  }
0x65: {  	_ =	shalt  }
0x66: {  	_ =	shalt  }
0x67: {  	_ =	shalt  }
0x68: {  	_ =	shalt  }
0x69: {  	_ =	shalt  }
0x6a: {  	_ =	shalt  }
0x6b: {  	_ =	shalt  }
0x6c: {  	_ =	shalt  }
0x6d: {  	_ =	shalt  }
0x6e: {  	_ =	shalt  }
0x6f: {  	_ =	shalt  }
0x70: {  	_ =	shalt  }
0x71: {  	_ =	shalt  }
0x72: {  	_ =	shalt  }
0x73: {  	_ =	shalt  }
0x74: {  	_ =	shalt  }
0x75: {  	_ =	shalt  }
0x76: {  	_ =	shalt  }
0x77: {  	_ =	shalt  }
0x78: {  	_ =	shalt  }
0x79: {  	_ =	shalt  }
0x7a: {  	_ =	shalt  }
0x7b: {  	_ =	shalt  }
0x7c: {  	_ =	shalt  }
0x7d: {  	_ =	shalt  }
0x7e: {  	_ =	shalt  }
0x7f: {  	_ =	shalt  }
0x80: {  	_ =	shalt  }
0x81: {  	_ =	shalt  }
0x82: {  	_ =	shalt  }
0x83: {  	_ =	shalt  }
0x84: {  	_ =	shalt  }
0x85: {  	_ =	shalt  }
0x86: {  	_ =	shalt  }
0x87: {  	_ =	shalt  }
.Lfunc_end0:
.L_simem_size_0:
called_computation_lowered:
.L_overlay_start_0:
0x88: {  	s2 =	sld [smem:$0x3FD9]  }
0x89: {  	s3 =	sld [smem:$0x3FFE];
	_ =	sdelay $0x1  }
0x8a: {  	s1 =	srdreg.scid  }
0x8b: {  	s0 =	sand.u32 $0x1, s1  }
0x8c: {  	s16 =	sshll.u32 s0, $0xA;
	s2 =	sadd.s32 s3, s2  }
0x8d: {  	s2 =	sadd.s32 s2, s16  }
0x8e: {  	[smem:$0x3FBE] =	sst s2  }
0x8f: {  	_ = 	snop  }
0x90: {  	(tm) =	ssettm $0x1  }
0x91: {  	s17 =	sld [smem:$0x3FFB];
	_ =	sdelay $0x3  }
0x92: {  	_ =	strace s17  }
0x93: {  	s2 =	sld [smem:$0x3FFC];
	_ =	sdelay $0x3  }
0x94: {  	_ =	strace s2  }
0x95: {  	s2 =	sld [smem:$0x3FFD];
	_ =	sdelay $0x3  }
0x96: {  	_ =	strace s2  }
0x97: {  	_ =	strace $0x8FFFFFFF  }
0x98: {  	s18 =	sld [smem:$0x3FDB];
	_ =	sdelay $0x1  }
0x99: {  	s19 =	simm.s32 $_scs_section_size  }
0x9a: {  	s4 =	simm.s32 $_size__tile_overlayer_lowered;
	s5 =	simm.s32 $_tile_overlayer_lowered  }
0x9b: {  	s22 =	simm.s32 $0x1BFF;
	s21 =	sshll.u32 s5, $0x1;
	s2 =	sadd.s32 s19, s18  }
0x9c: {  	s6 =	simm.s32 $0x0;
	s20 =	sshll.u32 s4, $0x1;
	s4 =	sadd.s32 s21, s2  }
0x9d: {  	[timem:s6], [sflag:s22] =	dma.local [hbm:s4], s20  }
0x9e: {  	_ =	swait.ge [sflag:s22], s20  }
0x9f: {  	s3 =	ssub.s32 $0x0, s20;
	[sflag:s22] =	ssyncset.done $0x0  }
0xa0: {  	[sflag:s22] =	ssyncadd.s32 s3;
	_ =	sdelay $0x1  }
0xa1: {  	s23 =	simm.s32 $0x1B8B  }
0xa2: {  	_ =	swait.ge [sflag:s23], $0x1  }
0xa3: {  	[sflag:s23] =	ssyncset.done $0x0  }
0xa4: {  	s25 =	simm.s32 $0x1B8E;
	s24 =	sld [smem:$0x3FFE];
	[sflag:s23] =	ssyncadd.s32 $0xFFFFFFFF  }
0xa5: {  	s26 =	simm.s32 $execute0_lowered;
	[smem:$0x3FD2] =	sst s25  }
0xa6: {  	s4 =	sshll.u32 s26, $0x1;
	_ =	strace $0x80000046;
	[dreg:$0x1] =	wrdreg $0xFFFFFFFF  }
0xa7: {  	s28 =	simm.s32 $_size_execute0_lowered;
	s2 =	sadd.s32 s2, s4;
	[dreg:$0x0] =	wrdreg $0x0  }
0xa8: {  	s4 =	sshll.u32 s28, $0x1;
	[dreg:$0x2] =	wrdreg s2  }
0xa9: {  	[dreg:$0x3] =	wrdreg s4  }
0xaa: {  	[dreg:$0x4] =	wrdreg $0xC0  }
0xab: {  	_ =	task [dreg:s6], $0x5FFFF  }
0xac: {  	[dreg:$0x1] =	wrdreg $0xFFFFFFFF  }
0xad: {  	[dreg:$0x0] =	wrdreg $0x60  }
0xae: {  	[dreg:$0x2] =	wrdreg s24  }
0xaf: {  	[dreg:$0x3] =	wrdreg $0x17000  }
0xb0: {  	[dreg:$0x4] =	wrdreg $0x9  }
0xb1: {  	_ =	task.clear_ibuf [dreg:s6], $0x5FFFF;
	_ =	strace $0x90000046  }
0xb2: {  	s29 =	simm.s32 $0x9;
	_ =	strace $0x80000048  }
0xb3: {  	_ =	swait.ge [sflag:s29], $0x1  }
0xb4: {  	[sflag:s29] =	ssyncadd.s32 $0xFFFFFFFF  }
0xb5: {  	_ =	strace $0x90000048  }
0xb6: {  	_ =	sfence  }
0xb7: {  	s30 =	sld [smem:$0x0];
	_ =	sdelay $0x2  }
0xb8: {  	s31 =	sshll.u32 s1, $0xD;
	s1 =	sshrl.u32 s1, $0x2  }
0xb9: {  	s3 =	sand.u32 $0x4000, s31;
	s1 =	sadd.s32 s1, s30  }
0xba: {  	s0 =	sor.u32 s3, s0;
	s1 =	sshll.u32 s1, $0x11  }
0xbb: {  	s0 =	sor.u32 s1, s0  }
0xbc: {  	s0 =	sadd.s32 $0x8F2B, s0  }
0xbd: {  	[sflag:s0] =	ssyncadd.remote.s32 $0x1  }
0xbe: {  	_ =	sfence.sel $0xFFFF  }
0xbf: {  	[dreg:$0x0] =	wrdreg $0xFFFFFFFF;
	(pc) =	sbr.abs _section_cstart, $3  }
0xc0: {  	[dreg:$0x1] =	wrdreg $0xFFFFFFFF  }
0xc1: {  	_ =	task.clear_ibuf [dreg:s6], $0x2FFFF;
	_ =	strace $0x9FFFFFFF  }
0xc2: {  	(tm) =	ssettm $0x7FFFFFFF  }
0xc3: {  	_ =	shalt  }
tec
execute0_lowered:
.L_overlay_start_1:
0x0: {  	(tag) =	ssettag $0x1  }
0x1: {  	s1 =	rddreg [dreg:$0x0]  }
0x2: {  	s0 =	srdreg.scid;
	s2 =	rddreg [dreg:$0x1]  }
0x3: {  	s7 =	stileid.u32;
	s3 =	simm.s32 $0x0;
	s9 =	simm.s32 $0x2  }
0x4: {  	s10 =	simm.s32 $0x80;
	s11 =	simm.s32 $0x1400;
	s12 =	simm.s32 $0xC00  }
0x5: {  	s13 =	simm.s32 $0xC80;
	s14 =	simm.s32 $0xD00;
	s15 =	simm.s32 $0xD80  }
0x6: {  	s16 =	simm.s32 $0xE00;
	s17 =	simm.s32 $0xE80;
	s18 =	simm.s32 $0xF00  }
0x7: {  	s19 =	simm.s32 $0xF80;
	s20 =	simm.s32 $0x1000;
	s21 =	simm.s32 $0x1080  }
0x8: {  	s22 =	simm.s32 $0x1100;
	s23 =	simm.s32 $0x1180;
	s24 =	simm.s32 $0x1200  }
0x9: {  	s25 =	simm.s32 $0x1280;
	s26 =	simm.s32 $0x1300;
	s28 =	simm.s32 $0x1380  }
0xa: {  	s29 =	simm.s32 $0x1;
	s30 =	simm.s32 $0x0;
	s0 =	sand.u32 $0x1, s0  }
0xb: {  	[smem:$0x7FF] =	sst s3;
	s4 =	sshll.u32 s0, $0x4;
	s5 =	ssub.s32 $0x2, s0  }
0xc: {  	p0 =	seq.s32 s0, $0x1;
	s4 =	sor.u32 s7, s4;
	s7 =	smul.u32 $0x280, s7  }
0xd: {  	s0 =	simm.s32 $0x8400;
	s31 =	sshrl.u32 s5, $0x1;
	s4 =	smul.u32 $0x280, s4  }
0xe: {  	_ =	strace $0x80000047;
	s0 =	simm.s32 @!p0 $0x7E00;
	s8 =	ssub.s32 s5, s31  }
0xf: {  	s0 =	sadd.s32 s0, s1;
	s6 =	sadd.s32 s4, s1;
	s4 =	sadd.s32 s7, s2  }
0x10: {  	s7 =	sshrl.u32 s7, $0x3;
	s1 =	simm.s32 $0xB00;
	s5 =	sadd.s32 $0x2E00, s6  }
0x11: {  	v0 =	vimm.f32 $0.0e+00;
	v1 =	vimm.f32 $1.000000000e+00;
	s6 =	smax.u32 s8, $0x1;
	s7 =	sadd.s32 s0, s7;
	s8 =	simm.s32 $0xB80  }
.LBB2_1:
0x12: {  	[tilespmem:$0x1480] =	vst v0  }
0x13: {  	[tilespmem:$0x1490] =	vst v0  }
0x14: {  	[tilespmem:$0x14A0] =	vst v0  }
0x15: {  	[tilespmem:$0x14B0] =	vst v0  }
0x16: {  	[tilespmem:$0x14C0] =	vst v0  }
0x17: {  	[tilespmem:$0x14D0] =	vst v0  }
0x18: {  	[tilespmem:$0x14E0] =	vst v0  }
0x19: {  	[tilespmem:$0x14F0] =	vst v0  }
0x1a: {  	[tilespmem:$0x1500] =	vst v0  }
0x1b: {  	[tilespmem:$0x1510] =	vst v0  }
0x1c: {  	[tilespmem:$0x1520] =	vst v0  }
0x1d: {  	[tilespmem:$0x1530] =	vst v0  }
0x1e: {  	[tilespmem:$0x1540] =	vst v0  }
0x1f: {  	[tilespmem:$0x1550] =	vst v0  }
0x20: {  	[tilespmem:$0x1560] =	vst v0  }
0x21: {  	[tilespmem:$0x1570] =	vst v0  }
0x22: {  	[tilespmem:$0x1580] =	vst v0  }
0x23: {  	[tilespmem:$0x1590] =	vst v0  }
0x24: {  	[tilespmem:$0x15A0] =	vst v0  }
0x25: {  	[tilespmem:$0x15B0] =	vst v0  }
0x26: {  	[tilespmem:$0x15C0] =	vst v0  }
0x27: {  	[tilespmem:$0x15D0] =	vst v0  }
0x28: {  	[tilespmem:$0x15E0] =	vst v0  }
0x29: {  	[tilespmem:$0x15F0] =	vst v0  }
0x2a: {  	[tilespmem:$0x1600] =	vst v0  }
0x2b: {  	[tilespmem:$0x1610] =	vst v0  }
0x2c: {  	[tilespmem:$0x1620] =	vst v0  }
0x2d: {  	[tilespmem:$0x1630] =	vst v0  }
0x2e: {  	[tilespmem:$0x1640] =	vst v0  }
0x2f: {  	[tilespmem:$0x1650] =	vst v0  }
0x30: {  	[tilespmem:$0x1660] =	vst v0  }
0x31: {  	[tilespmem:$0x1670] =	vst v0  }
0x32: {  	[tilespmem:$0x1680] =	vst v0  }
0x33: {  	[tilespmem:$0x1690] =	vst v0  }
0x34: {  	[tilespmem:$0x16A0] =	vst v0  }
0x35: {  	[tilespmem:$0x16B0] =	vst v0  }
0x36: {  	[tilespmem:$0x16C0] =	vst v0  }
0x37: {  	[tilespmem:$0x16D0] =	vst v0  }
0x38: {  	[tilespmem:$0x16E0] =	vst v0  }
0x39: {  	[tilespmem:$0x16F0] =	vst v0  }
0x3a: {  	[tilespmem:$0x1400] =	vst v1  }
0x3b: {  	[tilespmem:$0x1410] =	vst v1  }
0x3c: {  	[tilespmem:$0x1420] =	vst v1  }
0x3d: {  	[tilespmem:$0x1430] =	vst v1  }
0x3e: {  	[tilespmem:$0x1440] =	vst v1  }
0x3f: {  	[tilespmem:$0x1450] =	vst v1  }
0x40: {  	[tilespmem:$0x1460] =	vst v1  }
0x41: {  	[tilespmem:$0x1470] =	vst v1;
	s0 =	simm.s32 $0x1480  }
0x42: {  	[spmem:s4] =	stream.linear.scatter [tilespmem:s0], [sflag:$0x2], $0x280, $0x38;
	[tilespmem:$0x1980] =	vst v63  }
0x43: {  	_ =	swait.ge [sflag:s9], $0x280  }
0x44: {  	[sflag:s9] =	ssyncset.done $0x0  }
0x45: {  	[sflag:s9] =	ssyncadd.s32 $0xFFFFFD80  }
0x46: {  	[bflag:$0x0] =	sbarrier.arrive $0xFFFF  }
0x47: {  	[tilespmem:s3], [sflag:$0x2] =	stream.linear.gather [hbm4b:s5+s3], $0x1400, $0x38;
	[tilespmem:$0x1980] =	vst v63  }
0x48: {  	_ =	swait.ge [sflag:s9], $0x1400  }
0x49: {  	[sflag:s9] =	ssyncset.done $0x0  }
0x4a: {  	[sflag:s9] =	ssyncadd.s32 $0xFFFFEC00  }
0x4b: {  	[spmem:s2] =	stream.indirect.scatter.add.f32 [tilespmem:s11], [sflag:$0x1], $0x1, s3, s10, $0xb8;
	[tilespmem:$0x1980] =	vst v63  }
0x4c: {  	_ = 	snop  }
0x4d: {  	[spmem:s2] =	stream.indirect.scatter.add.f32 [tilespmem:s11], [sflag:$0x1], $0x1, s10, s10, $0xb8;
	[tilespmem:$0x1980] =	vst v63  }
0x4e: {  	s0 =	simm.s32 $0x100  }
0x4f: {  	[spmem:s2] =	stream.indirect.scatter.add.f32 [tilespmem:s11], [sflag:$0x1], $0x1, s0, s10, $0xb8;
	[tilespmem:$0x1980] =	vst v63  }
0x50: {  	s0 =	simm.s32 $0x180  }
0x51: {  	[spmem:s2] =	stream.indirect.scatter.add.f32 [tilespmem:s11], [sflag:$0x1], $0x1, s0, s10, $0xb8;
	[tilespmem:$0x1980] =	vst v63  }
0x52: {  	s0 =	simm.s32 $0x200  }
0x53: {  	[spmem:s2] =	stream.indirect.scatter.add.f32 [tilespmem:s11], [sflag:$0x1], $0x1, s0, s10, $0xb8;
	[tilespmem:$0x1980] =	vst v63  }
0x54: {  	s0 =	simm.s32 $0x280  }
0x55: {  	[spmem:s2] =	stream.indirect.scatter.add.f32 [tilespmem:s11], [sflag:$0x1], $0x1, s0, s10, $0xb8;
	[tilespmem:$0x1980] =	vst v63  }
0x56: {  	s0 =	simm.s32 $0x300  }
0x57: {  	[spmem:s2] =	stream.indirect.scatter.add.f32 [tilespmem:s11], [sflag:$0x1], $0x1, s0, s10, $0xb8;
	[tilespmem:$0x1980] =	vst v63  }
0x58: {  	s0 =	simm.s32 $0x380  }
0x59: {  	[spmem:s2] =	stream.indirect.scatter.add.f32 [tilespmem:s11], [sflag:$0x1], $0x1, s0, s10, $0xb8;
	[tilespmem:$0x1980] =	vst v63  }
0x5a: {  	s0 =	simm.s32 $0x400  }
0x5b: {  	[spmem:s2] =	stream.indirect.scatter.add.f32 [tilespmem:s11], [sflag:$0x1], $0x1, s0, s10, $0xb8;
	[tilespmem:$0x1980] =	vst v63  }
0x5c: {  	s0 =	simm.s32 $0x480  }
0x5d: {  	[spmem:s2] =	stream.indirect.scatter.add.f32 [tilespmem:s11], [sflag:$0x1], $0x1, s0, s10, $0xb8;
	[tilespmem:$0x1980] =	vst v63  }
0x5e: {  	s0 =	simm.s32 $0x500  }
0x5f: {  	[spmem:s2] =	stream.indirect.scatter.add.f32 [tilespmem:s11], [sflag:$0x1], $0x1, s0, s10, $0xb8;
	[tilespmem:$0x1980] =	vst v63  }
0x60: {  	s0 =	simm.s32 $0x580  }
0x61: {  	[spmem:s2] =	stream.indirect.scatter.add.f32 [tilespmem:s11], [sflag:$0x1], $0x1, s0, s10, $0xb8;
	[tilespmem:$0x1980] =	vst v63  }
0x62: {  	s0 =	simm.s32 $0x600  }
0x63: {  	[spmem:s2] =	stream.indirect.scatter.add.f32 [tilespmem:s11], [sflag:$0x1], $0x1, s0, s10, $0xb8;
	[tilespmem:$0x1980] =	vst v63  }
0x64: {  	s0 =	simm.s32 $0x680  }
0x65: {  	[spmem:s2] =	stream.indirect.scatter.add.f32 [tilespmem:s11], [sflag:$0x1], $0x1, s0, s10, $0xb8;
	[tilespmem:$0x1980] =	vst v63  }
0x66: {  	s0 =	simm.s32 $0x700  }
0x67: {  	[spmem:s2] =	stream.indirect.scatter.add.f32 [tilespmem:s11], [sflag:$0x1], $0x1, s0, s10, $0xb8;
	[tilespmem:$0x1980] =	vst v63  }
0x68: {  	s0 =	simm.s32 $0x780  }
0x69: {  	[spmem:s2] =	stream.indirect.scatter.add.f32 [tilespmem:s11], [sflag:$0x1], $0x1, s0, s10, $0xb8;
	[tilespmem:$0x1980] =	vst v63  }
0x6a: {  	s0 =	simm.s32 $0x800  }
0x6b: {  	[spmem:s2] =	stream.indirect.scatter.add.f32 [tilespmem:s11], [sflag:$0x1], $0x1, s0, s10, $0xb8;
	[tilespmem:$0x1980] =	vst v63  }
0x6c: {  	s0 =	simm.s32 $0x880  }
0x6d: {  	[spmem:s2] =	stream.indirect.scatter.add.f32 [tilespmem:s11], [sflag:$0x1], $0x1, s0, s10, $0xb8;
	[tilespmem:$0x1980] =	vst v63  }
0x6e: {  	s0 =	simm.s32 $0x900  }
0x6f: {  	[spmem:s2] =	stream.indirect.scatter.add.f32 [tilespmem:s11], [sflag:$0x1], $0x1, s0, s10, $0xb8;
	[tilespmem:$0x1980] =	vst v63  }
0x70: {  	s0 =	simm.s32 $0x980  }
0x71: {  	[spmem:s2] =	stream.indirect.scatter.add.f32 [tilespmem:s11], [sflag:$0x1], $0x1, s0, s10, $0xb8;
	[tilespmem:$0x1980] =	vst v63  }
0x72: {  	s0 =	simm.s32 $0xA00  }
0x73: {  	[spmem:s2] =	stream.indirect.scatter.add.f32 [tilespmem:s11], [sflag:$0x1], $0x1, s0, s10, $0xb8;
	[tilespmem:$0x1980] =	vst v63  }
0x74: {  	s0 =	simm.s32 $0xA80  }
0x75: {  	[spmem:s2] =	stream.indirect.scatter.add.f32 [tilespmem:s11], [sflag:$0x1], $0x1, s0, s10, $0xb8;
	[tilespmem:$0x1980] =	vst v63  }
0x76: {  	_ = 	snop  }
0x77: {  	[spmem:s2] =	stream.indirect.scatter.add.f32 [tilespmem:s11], [sflag:$0x1], $0x1, s1, s10, $0xb8;
	[tilespmem:$0x1980] =	vst v63  }
0x78: {  	_ = 	snop  }
0x79: {  	[spmem:s2] =	stream.indirect.scatter.add.f32 [tilespmem:s11], [sflag:$0x1], $0x1, s8, s10, $0xb8;
	[tilespmem:$0x1980] =	vst v63  }
0x7a: {  	_ = 	snop  }
0x7b: {  	[spmem:s2] =	stream.indirect.scatter.add.f32 [tilespmem:s11], [sflag:$0x1], $0x1, s12, s10, $0xb8;
	[tilespmem:$0x1980] =	vst v63  }
0x7c: {  	_ = 	snop  }
0x7d: {  	[spmem:s2] =	stream.indirect.scatter.add.f32 [tilespmem:s11], [sflag:$0x1], $0x1, s13, s10, $0xb8;
	[tilespmem:$0x1980] =	vst v63  }
0x7e: {  	_ = 	snop  }
0x7f: {  	[spmem:s2] =	stream.indirect.scatter.add.f32 [tilespmem:s11], [sflag:$0x1], $0x1, s14, s10, $0xb8;
	[tilespmem:$0x1980] =	vst v63  }
0x80: {  	_ = 	snop  }
0x81: {  	[spmem:s2] =	stream.indirect.scatter.add.f32 [tilespmem:s11], [sflag:$0x1], $0x1, s15, s10, $0xb8;
	[tilespmem:$0x1980] =	vst v63  }
0x82: {  	_ = 	snop  }
0x83: {  	[spmem:s2] =	stream.indirect.scatter.add.f32 [tilespmem:s11], [sflag:$0x1], $0x1, s16, s10, $0xb8;
	[tilespmem:$0x1980] =	vst v63  }
0x84: {  	_ = 	snop  }
0x85: {  	[spmem:s2] =	stream.indirect.scatter.add.f32 [tilespmem:s11], [sflag:$0x1], $0x1, s17, s10, $0xb8;
	[tilespmem:$0x1980] =	vst v63  }
0x86: {  	_ = 	snop  }
0x87: {  	[spmem:s2] =	stream.indirect.scatter.add.f32 [tilespmem:s11], [sflag:$0x1], $0x1, s18, s10, $0xb8;
	[tilespmem:$0x1980] =	vst v63  }
0x88: {  	_ = 	snop  }
0x89: {  	[spmem:s2] =	stream.indirect.scatter.add.f32 [tilespmem:s11], [sflag:$0x1], $0x1, s19, s10, $0xb8;
	[tilespmem:$0x1980] =	vst v63  }
0x8a: {  	_ = 	snop  }
0x8b: {  	[spmem:s2] =	stream.indirect.scatter.add.f32 [tilespmem:s11], [sflag:$0x1], $0x1, s20, s10, $0xb8;
	[tilespmem:$0x1980] =	vst v63  }
0x8c: {  	_ = 	snop  }
0x8d: {  	[spmem:s2] =	stream.indirect.scatter.add.f32 [tilespmem:s11], [sflag:$0x1], $0x1, s21, s10, $0xb8;
	[tilespmem:$0x1980] =	vst v63  }
0x8e: {  	_ = 	snop  }
0x8f: {  	[spmem:s2] =	stream.indirect.scatter.add.f32 [tilespmem:s11], [sflag:$0x1], $0x1, s22, s10, $0xb8;
	[tilespmem:$0x1980] =	vst v63  }
0x90: {  	_ = 	snop  }
0x91: {  	[spmem:s2] =	stream.indirect.scatter.add.f32 [tilespmem:s11], [sflag:$0x1], $0x1, s23, s10, $0xb8;
	[tilespmem:$0x1980] =	vst v63  }
0x92: {  	_ = 	snop  }
0x93: {  	[spmem:s2] =	stream.indirect.scatter.add.f32 [tilespmem:s11], [sflag:$0x1], $0x1, s24, s10, $0xb8;
	[tilespmem:$0x1980] =	vst v63  }
0x94: {  	_ = 	snop  }
0x95: {  	[spmem:s2] =	stream.indirect.scatter.add.f32 [tilespmem:s11], [sflag:$0x1], $0x1, s25, s10, $0xb8;
	[tilespmem:$0x1980] =	vst v63  }
0x96: {  	_ = 	snop  }
0x97: {  	[spmem:s2] =	stream.indirect.scatter.add.f32 [tilespmem:s11], [sflag:$0x1], $0x1, s26, s10, $0xb8;
	[tilespmem:$0x1980] =	vst v63  }
0x98: {  	_ = 	snop  }
0x99: {  	[spmem:s2] =	stream.indirect.scatter.add.f32 [tilespmem:s11], [sflag:$0x1], $0x1, s28, s10, $0xb8;
	[tilespmem:$0x1980] =	vst v63  }
0x9a: {  	_ =	swait.ge [sflag:s29], $0x80  }
0x9b: {  	s31 =	simm.s32 $0x27;
	[sflag:s29] =	ssyncset.done $0x0  }
.LBB2_2:
0x9c: {  	p0 =	sne.s32 s31, $0x1;
	s31 =	sadd.s32 $0xFFFFFFFF, s31;
	[sflag:s29] =	ssyncadd.s32 $0xFFFFFF80  }
.Ltmp0:
0x9d: {  	(pc) =	sbr.rel @p0 .LBB2_2-.Ltmp0, $3  }
0x9e: {  	_ =	sdelay $0x1  }
0x9f: {  	_ =	swait.ge [sflag:s29], $0x80  }
0xa0: {  	[sflag:s29] =	ssyncset.done $0x0  }
0xa1: {  	[sflag:s29] =	ssyncadd.s32 $0xFFFFFF80;
	s0 =	stileid.u32;
	s30 =	sadd.s32 $0x1, s30  }
0xa2: {  	s31 =	sshll.u32 s0, $0x6;
	[bflag:$0x0] =	sbarrier.arrive $0xFFFF;
	p0 =	sne.s32 s30, s6  }
.Ltmp1:
0xa3: {  	s0 =	sshrl.u32 s4, $0x3;
	s31 =	sor.u32 $0x1C02, s31;
	(pc) =	sbr.rel @p0 .LBB2_1-.Ltmp1, $4  }
0xa4: {  	[hbm:s7], [sflag:s31] =	dma.local [spmem:s0], $0x50  }
0xa5: {  	_ =	swait.ge [sflag:s9], $0x50  }
0xa6: {  	[sflag:s9] =	ssyncset.done $0x0  }
0xa7: {  	[sflag:s9] =	ssyncadd.s32 $0xFFFFFFB0  }
0xa8: {  	_ =	sfence.sel $0x180000  }
0xa9: {  	[bflag:$0x0] =	sbarrier.arrive $0xFFFF  }
0xaa: {  	_ =	strace $0x90000047  }
0xab: {  	s0 =	stileid.u32;
	[bflag:$0x2] =	sbarrier.arrive $0xFFFF  }
0xac: {  	p0 =	sne.s32 s0, $0x0;
	s0 =	rddreg [dreg:$0x2]  }
0xad: {  	s0 =	sadd.s32 @!p0 $0x100000, s0  }
0xae: {  	[sflag:s0] =	ssyncadd.tile.s32 @!p0 $0x1;
	_ =	shalt  }
.Lfunc_end2:
_tile_overlayer_lowered:
.L_overlay_start_2:
0xaf: {  	(tag) =	ssettag $0x2  }
0xb0: {  	s0 =	rddreg [dreg:$0x0];
	s2 =	stileid.u32  }
0xb1: {  	s1 =	rddreg [dreg:$0x1];
	p0 =	sne.s32 s2, $0x0  }
0xb2: {  	s3 =	rddreg [dreg:$0x2];
	[bflag:$0x3] =	sbarrier.arrive $0xFFFF;
	s2 =	simm.s32 @!p0 $0x1C02  }
0xb3: {  	[timem:s3], [sflag:s2] =	dma.local @!p0 [hbm:s0], s1  }
0xb4: {  	s0 =	simm.s32 @!p0 $0x2  }
0xb5: {  	_ =	swait.ge @!p0 [sflag:s0], s1  }
0xb6: {  	s1 =	ssub.s32 @!p0 $0x0, s1;
	[sflag:s0] =	ssyncset.done @!p0 $0x0  }
0xb7: {  	[sflag:s0] =	ssyncadd.s32 @!p0 s1  }
0xb8: {  	[bflag:$0x3] =	sbarrier.arrive $0xFFFF  }
0xb9: {  	_ =	shalt  }

</sc_bundles>
